<compile_context>
chip_gen: v7x
topology: tpu7x:2x2x1
jax: 0.10.2.dev20260603
libtpu: 0.0.44.dev20260713+nightly
codegen_flags: <defaults>
</compile_context>

<pallas_src>
import functools
import math

import jax
import jax.numpy as jnp
from jax import lax
from jax.experimental import pallas as pl
from jax.experimental.pallas import tpu as pltpu
from jax.experimental.pallas import tpu_sc as plsc

_L_MAX = 2
_NR = 4
_KERNEL_RADIUS = 2.0
_PATCH_K = 64
_SIGMA = _KERNEL_RADIUS / (_NR - 1)
_INV_2SIG2 = 1.0 / (2.0 * _SIGMA * _SIGMA)

_C0 = 0.5 * math.sqrt(1.0 / math.pi)
_C1 = math.sqrt(3.0 / (4.0 * math.pi))
_C2A = 0.5 * math.sqrt(15.0 / math.pi)
_C2B = 0.25 * math.sqrt(5.0 / math.pi)
_C2C = 0.25 * math.sqrt(15.0 / math.pi)

_VB = 128
_NB = 512

_NUM_WORKERS = 32


def _rb(t):
    return t.astype(jnp.bfloat16).astype(jnp.float32)


def _prep_body(xn_ref, out_ref):
    xn = xn_ref[0]
    x, y, z = xn[0:1, :], xn[1:2, :], xn[2:3, :]
    nn = x * x + y * y + z * z
    zero = jnp.zeros_like(x)
    out_ref[0] = jnp.concatenate(
        [_rb(x), _rb(y), _rb(z), nn, x, y, z, zero], axis=0)


def _make_sc_select(B, N):
    sc_r = (B * N) // _NUM_WORKERS
    w_per_b = N // sc_r
    mesh = plsc.VectorSubcoreMesh(core_axis_name="c", subcore_axis_name="s")

    @functools.partial(
        pl.kernel, mesh=mesh,
        out_type=jax.ShapeDtypeStruct((B * N,), jnp.int32),
        scratch_types=[
            pltpu.VMEM((8, N), jnp.float32),
            pltpu.VMEM((N,), jnp.int32),
            pltpu.VMEM((256,), jnp.int32),
            pltpu.VMEM((256,), jnp.int32),
            pltpu.VMEM((sc_r,), jnp.int32),
        ],
        compiler_params=pltpu.CompilerParams(needs_layout_passes=False),
    )
    def sc_select(xdat_hbm, pout_hbm, xd_v, ub_v, hist_v, hist2_v, pbuf_v):
        cid = lax.axis_index("c")
        sid = lax.axis_index("s")
        wid = sid * 2 + cid
        b = wid // w_per_b
        v0 = (wid % w_per_b) * sc_r
        pltpu.sync_copy(xdat_hbm.at[b], xd_v)
        lanes = lax.iota(jnp.int32, 16)
        ones = jnp.ones((16,), jnp.int32)
        zeros16 = jnp.zeros((16,), jnp.int32)

        def scan_hist(nvreg, k):
            def s(t, car):
                tot, bidx, cbel = car
                h = hist_v[pl.ds(t * 16, 16)] + hist2_v[pl.ds(t * 16, 16)]
                cum = plsc.cumsum(h) + tot
                ltk = cum < k
                nlt = jnp.max(plsc.all_reduce_population_count(ltk))
                mx = jnp.max(jnp.where(ltk, cum, 0))
                return (jnp.max(cum), bidx + nlt, jnp.maximum(cbel, mx))
            _, bidx, cbel = lax.fori_loop(
                0, nvreg, s, (jnp.int32(0), jnp.int32(0), jnp.int32(0)))
            return bidx, cbel

        def row_body(r, carry):
            vg = v0 + r
            idxr = zeros16 + vg
            vxb = plsc.load_gather(xd_v, [zeros16, idxr])
            vyb = plsc.load_gather(xd_v, [zeros16 + 1, idxr])
            vzb = plsc.load_gather(xd_v, [zeros16 + 2, idxr])
            nv = plsc.load_gather(xd_v, [zeros16 + 3, idxr])
            for t in range(16):
                hist_v[pl.ds(t * 16, 16)] = zeros16
                hist2_v[pl.ds(t * 16, 16)] = zeros16

            def p1(j, _):
                for t in range(8):
                    sl = pl.ds(j * 128 + t * 16, 16)
                    m = (vxb * xd_v[0, sl] + vyb * xd_v[1, sl]
                         + vzb * xd_v[2, sl])
                    Dv = nv - 2.0 * m + xd_v[3, sl]
                    u = plsc.bitcast(jnp.maximum(Dv, 0.0), jnp.int32)
                    ub_v[sl] = u
                    bank = hist_v if t % 2 == 0 else hist2_v
                    plsc.addupdate_scatter(
                        bank, [lax.shift_right_logical(u, 23)], ones)
                return 0
            lax.fori_loop(0, N // 128, p1, 0)
            b1, c1 = scan_hist(16, jnp.int32(_PATCH_K))

            def lvl(shift_pref, pref, sh, nbits, k):
                nb = 1 << nbits
                for t in range(nb // 16):
                    hist_v[pl.ds(t * 16, 16)] = zeros16
                    hist2_v[pl.ds(t * 16, 16)] = zeros16
                msk = jnp.int32(nb - 1)

                def pj(j, _):
                    for t in range(8):
                        sl = pl.ds(j * 128 + t * 16, 16)
                        u = ub_v[sl]
                        pm = lax.shift_right_logical(u, shift_pref) == pref
                        bk = lax.shift_right_logical(u, sh) & msk
                        bank = hist_v if t % 2 == 0 else hist2_v
                        plsc.addupdate_scatter(bank, [bk], ones, mask=pm)
                    return 0
                lax.fori_loop(0, N // 128, pj, 0)
                return scan_hist(nb // 16, k)

            k2 = _PATCH_K - c1
            b2, c2 = lvl(23, b1, 15, 8, k2)
            pref2 = (b1 << 8) | b2
            k3 = k2 - c2
            b3, c3 = lvl(15, pref2, 7, 8, k3)
            pref3 = (pref2 << 8) | b3
            k4 = k3 - c3
            b4, _ = lvl(7, pref3, 0, 7, k4)
            P = (pref3 << 7) | b4
            plsc.store_scatter(pbuf_v, [zeros16 + r], zeros16 + P,
                               mask=lanes == 0)
            return carry

        lax.fori_loop(0, sc_r, row_body, 0)
        pltpu.sync_copy(pbuf_v, pout_hbm.at[pl.ds(wid * sc_r, sc_r)])

    return sc_select


def _tc_body(xv_ref, xn_ref, sig_ref, wf_ref, b_ref, out_ref, d_scr):
    N = xn_ref.shape[2]
    C = sig_ref.shape[2]
    xv = xv_ref[0]
    xn = xn_ref[0]
    sig = sig_ref[0]

    vx, vy, vz = xv[:, 0:1], xv[:, 1:2], xv[:, 2:3]
    P = jax.lax.bitcast_convert_type(xv[:, 3:4], jnp.int32)
    nx, ny, nz = xn[0:1, :], xn[1:2, :], xn[2:3, :]
    nv = vx * vx + vy * vy + vz * vz
    nn = nx * nx + ny * ny + nz * nz

    m = _rb(vx) * _rb(nx) + _rb(vy) * _rb(ny) + _rb(vz) * _rb(nz)
    d_scr[...] = nv - 2.0 * m + nn
    D = d_scr[...]

    ub = jax.lax.bitcast_convert_type(jnp.maximum(D, 0.0), jnp.int32)
    mask = (ub <= P).astype(jnp.float32)

    dist = jnp.sqrt(jnp.maximum(D, 1e-4))
    rad0 = jnp.exp(-(dist * dist) * _INV_2SIG2)
    y_w = jnp.sum(mask * rad0, axis=1, keepdims=True) * _C0
    g = mask * (1.0 / (y_w + 1e-6))

    VB = xv.shape[0]
    acc = jnp.zeros((_NR * 9 * VB, C), jnp.float32)
    for c in range(N // _NB):
        sl = slice(c * _NB, (c + 1) * _NB)
        distc = dist[:, sl]
        gc = g[:, sl]
        dx = nx[:, sl] - vx
        dy = ny[:, sl] - vy
        dz = nz[:, sl] - vz
        inv = jax.lax.rsqrt(dx * dx + dy * dy + dz * dz + 1e-8)
        ux, uy, uz = dx * inv, dy * inv, dz * inv
        Ys = (jnp.full_like(ux, _C0), _C1 * uy, _C1 * uz, _C1 * ux,
              _C2A * ux * uy, _C2A * uy * uz, _C2B * (3.0 * uz * uz - 1.0),
              _C2A * ux * uz, _C2C * (ux * ux - uy * uy))
        slabs = []
        for r in range(_NR):
            rr = distc - r * (_KERNEL_RADIUS / (_NR - 1))
            grc = gc * jnp.exp(-(rr * rr) * _INV_2SIG2)
            for s in range(9):
                slabs.append(grc * Ys[s])
        A = jnp.concatenate(slabs, axis=0)
        acc = acc + jnp.dot(A.astype(jnp.bfloat16),
                            sig[sl, :].astype(jnp.bfloat16),
                            preferred_element_type=jnp.float32)

    sq = acc * acc
    pieces = []
    for r in range(_NR):
        base = r * 9 * VB
        p0 = sq[base:base + VB]
        p1 = (sq[base + VB:base + 2 * VB]
              + sq[base + 2 * VB:base + 3 * VB]
              + sq[base + 3 * VB:base + 4 * VB])
        p2 = (sq[base + 4 * VB:base + 5 * VB]
              + sq[base + 5 * VB:base + 6 * VB]
              + sq[base + 6 * VB:base + 7 * VB]
              + sq[base + 7 * VB:base + 8 * VB]
              + sq[base + 8 * VB:base + 9 * VB])
        pieces += [p0, p1, p2]
    cat = jnp.concatenate(pieces, axis=1)
    cat = jnp.sqrt(jnp.maximum(cat, 1e-4))
    out = jnp.dot(cat.astype(jnp.bfloat16),
                  wf_ref[...].astype(jnp.bfloat16),
                  preferred_element_type=jnp.float32) + b_ref[...]
    out_ref[0] = out


def kernel(xyz, signal, weight, biases):
    B, N, _ = xyz.shape
    C = signal.shape[2]
    CO = weight.shape[0]

    xt = jnp.swapaxes(xyz, 1, 2)
    pad5 = jnp.zeros((B, 5, N), jnp.float32)
    xn = jnp.concatenate([xt, pad5], axis=1)

    scdat = pl.pallas_call(
        _prep_body,
        grid=(B,),
        in_specs=[pl.BlockSpec((1, 8, N), lambda b: (b, 0, 0))],
        out_specs=pl.BlockSpec((1, 8, N), lambda b: (b, 0, 0)),
        out_shape=jax.ShapeDtypeStruct((B, 8, N), jnp.float32),
    )(xn)

    P = _make_sc_select(B, N)(scdat)
    pf = jax.lax.bitcast_convert_type(P, jnp.float32).reshape(B, N, 1)
    pad4 = jnp.zeros((B, N, 4), jnp.float32)
    xv = jnp.concatenate([xyz, pf, pad4], axis=2)

    wf = jnp.transpose(weight, (2, 3, 1, 0)).reshape(_NR * 3 * C, CO)
    b2 = biases.reshape(1, CO)

    return pl.pallas_call(
        _tc_body,
        grid=(B, N // _VB),
        in_specs=[
            pl.BlockSpec((1, _VB, 8), lambda b, v: (b, v, 0)),
            pl.BlockSpec((1, 8, N), lambda b, v: (b, 0, 0)),
            pl.BlockSpec((1, N, C), lambda b, v: (b, 0, 0)),
            pl.BlockSpec((_NR * 3 * C, CO), lambda b, v: (0, 0)),
            pl.BlockSpec((1, CO), lambda b, v: (0, 0)),
        ],
        out_specs=pl.BlockSpec((1, _VB, CO), lambda b, v: (b, v, 0)),
        out_shape=jax.ShapeDtypeStruct((B, N, CO), jnp.float32),
        scratch_shapes=[pltpu.VMEM((_VB, N), jnp.float32)],
        compiler_params=pltpu.CompilerParams(
            dimension_semantics=("parallel", "parallel")),
    )(xv, xn, signal.astype(jnp.float32), wf, b2)

# --- scband reference (transcript-rebuilt; emitter-appended) ---
"""Pipeline reference for scband-sphconv-net-24043226923470 (READ-ONLY COPY).

The authoritative reference and input builder live on the scoring server;
editing this copy changes nothing except your own understanding.
"""

import jax, jax.numpy as jnp
import numpy as np
import math

L_MAX = 2
NR = 4
KERNEL_RADIUS = 2.0
PATCH_K = 64


def normalized_sh(patches, l_max):
    # real spherical harmonics of the normalized direction vectors, up to l_max
    eps = 1e-8
    norm = jnp.sqrt(jnp.sum(patches * patches, axis=-1, keepdims=True) + eps)
    d = patches / norm
    x = d[..., 0]
    y = d[..., 1]
    z = d[..., 2]
    c0 = 0.5 * math.sqrt(1.0 / math.pi)
    Ys = [jnp.full(x.shape, c0, dtype=patches.dtype)]
    if l_max >= 1:
        c1 = math.sqrt(3.0 / (4.0 * math.pi))
        Ys += [c1 * y, c1 * z, c1 * x]
    if l_max >= 2:
        c2a = 0.5 * math.sqrt(15.0 / math.pi)
        c2b = 0.25 * math.sqrt(5.0 / math.pi)
        c2c = 0.25 * math.sqrt(15.0 / math.pi)
        Ys += [c2a * x * y, c2a * y * z, c2b * (3.0 * z * z - 1.0), c2a * x * z, c2c * (x * x - y * y)]
    return jnp.stack(Ys, axis=-1)


def costly_cdist(points, roots):
    r0 = jnp.sum(roots * roots, axis=2, keepdims=True)
    r1 = jnp.sum(points * points, axis=2, keepdims=True)
    r1 = jnp.swapaxes(r1, 2, 1)
    return r0 - 2.0 * jnp.matmul(roots, jnp.swapaxes(points, 2, 1)) + r1


def setup_inputs(seed: int = 0) -> dict:
    key = jax.random.key(seed)
    k1, k2, k3 = jax.random.split(key, 3)
    B, N, C_in, C_out = 4, 2048, 64, 64
    xyz = jax.random.normal(k1, (B, N, 3), dtype=jnp.float32)
    signal = jax.random.normal(k2, (B, N, C_in), dtype=jnp.float32)
    # xavier uniform for kernel shape (out, in, nr, l_max+1)
    fan_in = C_in * NR * (L_MAX + 1)
    fan_out = C_out * NR * (L_MAX + 1)
    bound = math.sqrt(6.0 / (fan_in + fan_out))
    weight = jax.random.uniform(k3, (C_out, C_in, NR, L_MAX + 1), minval=-bound, maxval=bound, dtype=jnp.float32)
    biases = jnp.zeros((C_out,), dtype=jnp.float32)
    return {"xyz": xyz, "signal": signal, "weight": weight, "biases": biases}


def reference(xyz, signal, weight, biases):
    B = xyz.shape[0]
    # compute_patches (kNN via full cdist + top_k)
    dist_mat = costly_cdist(xyz, xyz)
    neg_d, patches_idx = jax.lax.top_k(-dist_mat, PATCH_K)
    sq_patches_dist = -neg_d
    bidx = jnp.arange(B)[:, None, None]
    patches = xyz[bidx, patches_idx]
    patches = patches - xyz[:, :, None, :]
    # compute_conv_kernel
    Y = normalized_sh(patches, L_MAX)
    dist = jnp.sqrt(jnp.maximum(sq_patches_dist, jnp.ones_like(sq_patches_dist) * 0.0001))
    dist = dist[..., None]
    r = jnp.linspace(0.0, KERNEL_RADIUS, NR).reshape(1, 1, 1, NR)
    r = dist - r
    sigma = KERNEL_RADIUS / (NR - 1)
    radial_weights = jnp.exp(-(r * r) / (2.0 * sigma ** 2))
    radial_weights = radial_weights[..., None]
    yk = Y[:, :, :, None, :] * radial_weights
    y_w = yk[:, :, :, 0, 0][..., None, None]
    y_w = jnp.sum(y_w, axis=2, keepdims=True)
    conv_kernel = yk / (y_w + 1e-06)
    # gather signal patches
    sig_patches = signal[bidx, patches_idx]
    y = jnp.einsum('bvprn,bvpc->bvcrn', conv_kernel, sig_patches)
    y = y * y
    L = []
    p = 0
    for l in range(0, L_MAX + 1):
        x = jnp.sum(y[:, :, :, :, p:p + 2 * l + 1], axis=-1)
        L.append(x)
        p += 2 * l + 1
    y = jnp.stack(L, axis=-1)
    y = jnp.sqrt(jnp.maximum(y, jnp.ones_like(y) * 0.0001))
    out = jnp.einsum('ijrn,bvjrn->bvi', weight, y)
    out = out + biases[None, None, :]
    return out

if __name__ == "__main__":
    import jax
    _d = setup_inputs()
    print(jax.jit(kernel)(*tuple(_d.values())))

</pallas_src>

<mosaic_0001>
#map = affine_map<(d0, d1) -> (0, 0, 0)>
#map1 = affine_map<(d0, d1) -> (0)>
module attributes {stable_mosaic.version = 14 : i64} {
  func.func @sc_select(%arg0: i32, %arg1: i32, %arg2: memref<4x8x2048xf32, #tpu.memory_space<hbm>>, %arg3: memref<8192xi32, #tpu.memory_space<hbm>>, %arg4: memref<8x2048xf32, #tpu.memory_space<vmem>>, %arg5: memref<2048xi32, #tpu.memory_space<vmem>>, %arg6: memref<256xi32, #tpu.memory_space<vmem>>, %arg7: memref<256xi32, #tpu.memory_space<vmem>>, %arg8: memref<256xi32, #tpu.memory_space<vmem>>) attributes {dimension_semantics = [#tpu.dimension_semantics<core_parallel>, #tpu.dimension_semantics<subcore_parallel>], iteration_bounds = array<i64: 2, 16>, scalar_prefetch = 0 : i64, scratch_operands = 5 : i64, tpu.core_type = #tpu.core_type<sc_vector_subcore>, window_params = [{transform_indices = #map}, {transform_indices = #map1}]} {
    %mul3A = arith.constant 2 : i32
    %mul3A_0 = arith.muli %arg1, %mul3A : i32
    %add3A = arith.addi %mul3A_0, %arg0 : i32
    %jit3A = arith.constant 8 : i32
    %div3A = arith.divsi %add3A, %jit3A : i32
    %sign3A = arith.constant 0 : i32
    %sign3A_1 = arith.cmpi sgt, %add3A, %sign3A : i32
    %sign3A_2 = arith.extui %sign3A_1 : i1 to i32
    %sign3A_3 = arith.constant 0 : i32
    %sign3A_4 = arith.cmpi slt, %add3A, %sign3A_3 : i32
    %sign3A_5 = arith.extui %sign3A_4 : i1 to i32
    %sign3A_6 = arith.subi %sign3A_2, %sign3A_5 : i32
    %sign3A_7 = arith.constant 0 : i32
    %sign3A_8 = arith.cmpi sgt, %jit3A, %sign3A_7 : i32
    %sign3A_9 = arith.extui %sign3A_8 : i1 to i32
    %sign3A_10 = arith.constant 0 : i32
    %sign3A_11 = arith.cmpi slt, %jit3A, %sign3A_10 : i32
    %sign3A_12 = arith.extui %sign3A_11 : i1 to i32
    %sign3A_13 = arith.subi %sign3A_9, %sign3A_12 : i32
    %ne3A = arith.cmpi ne, %sign3A_6, %sign3A_13 : i32
    %rem3A = arith.remsi %add3A, %jit3A : i32
    %ne3A_14 = arith.constant 0 : i32
    %ne3A_15 = arith.cmpi ne, %rem3A, %ne3A_14 : i32
    %and3A = arith.andi %ne3A, %ne3A_15 : i1
    %sub3A = arith.constant 1 : i32
    %sub3A_16 = arith.subi %div3A, %sub3A : i32
    %select_n3A = arith.select %and3A, %sub3A_16, %div3A : i32
    %jit3A_17 = arith.constant 8 : i32
    %eq3A = arith.constant 0 : i32
    %eq3A_18 = arith.cmpi eq, %jit3A_17, %eq3A : i32
    %jit3A_19 = arith.constant 1 : i32
    %select_n3A_20 = arith.select %eq3A_18, %jit3A_19, %jit3A_17 : i32
    %rem3A_21 = arith.remsi %add3A, %select_n3A_20 : i32
    %ne3A_22 = arith.constant 0 : i32
    %ne3A_23 = arith.cmpi ne, %rem3A_21, %ne3A_22 : i32
    %lt3A = arith.constant 0 : i32
    %lt3A_24 = arith.cmpi slt, %rem3A_21, %lt3A : i32
    %lt3A_25 = arith.constant 0 : i32
    %lt3A_26 = arith.cmpi slt, %select_n3A_20, %lt3A_25 : i32
    %ne3A_27 = arith.xori %lt3A_24, %lt3A_26 : i1
    %and3A_28 = arith.andi %ne3A_27, %ne3A_23 : i1
    %add3A_29 = arith.addi %rem3A_21, %select_n3A_20 : i32
    %select_n3A_30 = arith.select %and3A_28, %add3A_29, %rem3A_21 : i32
    %mul3A_31 = arith.constant 256 : i32
    %mul3A_32 = arith.muli %select_n3A_30, %mul3A_31 : i32
    "tpu.region"() ({
      %run_scoped3A = tpu.sem_alloc : memref<!tpu.dma_semaphore, #tpu.memory_space<semaphore_mem>>
      %dma_start3A = arith.constant 0 : i32
      %dma_start3A_43 = arith.constant 0 : i32
      %dma_start3A_44 = tpu.memref_slice %arg2[%select_n3A, %dma_start3A, %dma_start3A_43] : memref<4x8x2048xf32, #tpu.memory_space<hbm>> -> memref<1x8x2048xf32, #tpu.memory_space<hbm>>
      %dma_start3A_45 = tpu.memref_squeeze %dma_start3A_44 : memref<1x8x2048xf32, #tpu.memory_space<hbm>> -> memref<8x2048xf32, #tpu.memory_space<hbm>>
      %dma_start3A_46 = arith.constant 0 : i32
      %dma_start3A_47 = arith.constant 0 : i32
      %dma_start3A_48 = tpu.memref_slice %arg2[%select_n3A, %dma_start3A_46, %dma_start3A_47] : memref<4x8x2048xf32, #tpu.memory_space<hbm>> -> memref<1x8x2048xf32, #tpu.memory_space<hbm>>
      %dma_start3A_49 = tpu.memref_squeeze %dma_start3A_48 : memref<1x8x2048xf32, #tpu.memory_space<hbm>> -> memref<8x2048xf32, #tpu.memory_space<hbm>>
      tpu.enqueue_dma source(%dma_start3A_49 : memref<8x2048xf32, #tpu.memory_space<hbm>>) target(%arg4 : memref<8x2048xf32, #tpu.memory_space<vmem>>) target_semaphore(%run_scoped3A : memref<!tpu.dma_semaphore, #tpu.memory_space<semaphore_mem>>)
      %dma_wait3A = arith.constant 0 : i32
      %dma_wait3A_50 = arith.constant 0 : i32
      %dma_wait3A_51 = tpu.memref_slice %arg2[%select_n3A, %dma_wait3A, %dma_wait3A_50] : memref<4x8x2048xf32, #tpu.memory_space<hbm>> -> memref<1x8x2048xf32, #tpu.memory_space<hbm>>
      %dma_wait3A_52 = tpu.memref_squeeze %dma_wait3A_51 : memref<1x8x2048xf32, #tpu.memory_space<hbm>> -> memref<8x2048xf32, #tpu.memory_space<hbm>>
      %dma_wait3A_53 = arith.constant 0 : i32
      %dma_wait3A_54 = arith.constant 0 : i32
      %dma_wait3A_55 = tpu.memref_slice %arg2[%select_n3A, %dma_wait3A_53, %dma_wait3A_54] : memref<4x8x2048xf32, #tpu.memory_space<hbm>> -> memref<1x8x2048xf32, #tpu.memory_space<hbm>>
      %dma_wait3A_56 = tpu.memref_squeeze %dma_wait3A_55 : memref<1x8x2048xf32, #tpu.memory_space<hbm>> -> memref<8x2048xf32, #tpu.memory_space<hbm>>
      tpu.wait_dma2 semaphore(%run_scoped3A : memref<!tpu.dma_semaphore, #tpu.memory_space<semaphore_mem>>) src(%dma_wait3A_56 : memref<8x2048xf32, #tpu.memory_space<hbm>>) dst(%arg4 : memref<8x2048xf32, #tpu.memory_space<vmem>>)
      tpu.yield
    }) : () -> ()
    %iota3A = tpu.iota {dimensions = array<i32: 0>} : vector<16xi32>
    %broadcast_in_dim3A = arith.constant 1 : i32
    %broadcast_in_dim3A_33 = vector.broadcast %broadcast_in_dim3A : i32 to vector<16xi32>
    %broadcast_in_dim3A_34 = arith.constant 0 : i32
    %broadcast_in_dim3A_35 = vector.broadcast %broadcast_in_dim3A_34 : i32 to vector<16xi32>
    %scan3A = arith.constant 0 : i32
    %scan3A_36 = arith.constant 0 : i32
    %scan3A_37 = arith.constant 256 : i32
    %scan3A_38 = arith.addi %scan3A_36, %scan3A_37 : i32
    %scan3A_39 = arith.constant 1 : i32
    scf.for %scan3A_43 = %scan3A_36 to %scan3A_38 step %scan3A_39  : i32 {
      %add3A_44 = arith.addi %mul3A_32, %scan3A_43 : i32
      %add3A_45 = vector.broadcast %add3A_44 : i32 to vector<16xi32>
      %add3A_46 = arith.addi %broadcast_in_dim3A_35, %add3A_45 : vector<16xi32>
      %gather3A = tpu.vector_load_idx %arg4[%broadcast_in_dim3A_35, %add3A_46] : memref<8x2048xf32, #tpu.memory_space<vmem>>[vector<16xi32>, vector<16xi32>], vector<16xf32>,
      %add3A_47 = arith.constant 1 : i32
      %add3A_48 = vector.broadcast %add3A_47 : i32 to vector<16xi32>
      %add3A_49 = arith.addi %broadcast_in_dim3A_35, %add3A_48 : vector<16xi32>
      %gather3A_50 = tpu.vector_load_idx %arg4[%add3A_49, %add3A_46] : memref<8x2048xf32, #tpu.memory_space<vmem>>[vector<16xi32>, vector<16xi32>], vector<16xf32>,
      %add3A_51 = arith.constant 2 : i32
      %add3A_52 = vector.broadcast %add3A_51 : i32 to vector<16xi32>
      %add3A_53 = arith.addi %broadcast_in_dim3A_35, %add3A_52 : vector<16xi32>
      %gather3A_54 = tpu.vector_load_idx %arg4[%add3A_53, %add3A_46] : memref<8x2048xf32, #tpu.memory_space<vmem>>[vector<16xi32>, vector<16xi32>], vector<16xf32>,
      %add3A_55 = arith.constant 3 : i32
      %add3A_56 = vector.broadcast %add3A_55 : i32 to vector<16xi32>
      %add3A_57 = arith.addi %broadcast_in_dim3A_35, %add3A_56 : vector<16xi32>
      %gather3A_58 = tpu.vector_load_idx %arg4[%add3A_57, %add3A_46] : memref<8x2048xf32, #tpu.memory_space<vmem>>[vector<16xi32>, vector<16xi32>], vector<16xf32>,
      %swap3A = arith.constant 0 : index
      %swap3A_59 = tpu.vector_load %arg6[%swap3A] {strides = array<i32>} : memref<256xi32, #tpu.memory_space<vmem>>, vector<16xi32>,
      tpu.vector_store %arg6[%swap3A], %broadcast_in_dim3A_35 {strides = array<i32>} : memref<256xi32, #tpu.memory_space<vmem>>, vector<16xi32>,
      %swap3A_60 = arith.constant 0 : index
      %swap3A_61 = tpu.vector_load %arg7[%swap3A_60] {strides = array<i32>} : memref<256xi32, #tpu.memory_space<vmem>>, vector<16xi32>,
      tpu.vector_store %arg7[%swap3A_60], %broadcast_in_dim3A_35 {strides = array<i32>} : memref<256xi32, #tpu.memory_space<vmem>>, vector<16xi32>,
      %swap3A_62 = arith.constant 16 : index
      %swap3A_63 = tpu.vector_load %arg6[%swap3A_62] {strides = array<i32>} : memref<256xi32, #tpu.memory_space<vmem>>, vector<16xi32>,
      tpu.vector_store %arg6[%swap3A_62], %broadcast_in_dim3A_35 {strides = array<i32>} : memref<256xi32, #tpu.memory_space<vmem>>, vector<16xi32>,
      %swap3A_64 = arith.constant 16 : index
      %swap3A_65 = tpu.vector_load %arg7[%swap3A_64] {strides = array<i32>} : memref<256xi32, #tpu.memory_space<vmem>>, vector<16xi32>,
      tpu.vector_store %arg7[%swap3A_64], %broadcast_in_dim3A_35 {strides = array<i32>} : memref<256xi32, #tpu.memory_space<vmem>>, vector<16xi32>,
      %swap3A_66 = arith.constant 32 : index
      %swap3A_67 = tpu.vector_load %arg6[%swap3A_66] {strides = array<i32>} : memref<256xi32, #tpu.memory_space<vmem>>, vector<16xi32>,
      tpu.vector_store %arg6[%swap3A_66], %broadcast_in_dim3A_35 {strides = array<i32>} : memref<256xi32, #tpu.memory_space<vmem>>, vector<16xi32>,
      %swap3A_68 = arith.constant 32 : index
      %swap3A_69 = tpu.vector_load %arg7[%swap3A_68] {strides = array<i32>} : memref<256xi32, #tpu.memory_space<vmem>>, vector<16xi32>,
      tpu.vector_store %arg7[%swap3A_68], %broadcast_in_dim3A_35 {strides = array<i32>} : memref<256xi32, #tpu.memory_space<vmem>>, vector<16xi32>,
      %swap3A_70 = arith.constant 48 : index
      %swap3A_71 = tpu.vector_load %arg6[%swap3A_70] {strides = array<i32>} : memref<256xi32, #tpu.memory_space<vmem>>, vector<16xi32>,
      tpu.vector_store %arg6[%swap3A_70], %broadcast_in_dim3A_35 {strides = array<i32>} : memref<256xi32, #tpu.memory_space<vmem>>, vector<16xi32>,
      %swap3A_72 = arith.constant 48 : index
      %swap3A_73 = tpu.vector_load %arg7[%swap3A_72] {strides = array<i32>} : memref<256xi32, #tpu.memory_space<vmem>>, vector<16xi32>,
      tpu.vector_store %arg7[%swap3A_72], %broadcast_in_dim3A_35 {strides = array<i32>} : memref<256xi32, #tpu.memory_space<vmem>>, vector<16xi32>,
      %swap3A_74 = arith.constant 64 : index
      %swap3A_75 = tpu.vector_load %arg6[%swap3A_74] {strides = array<i32>} : memref<256xi32, #tpu.memory_space<vmem>>, vector<16xi32>,
      tpu.vector_store %arg6[%swap3A_74], %broadcast_in_dim3A_35 {strides = array<i32>} : memref<256xi32, #tpu.memory_space<vmem>>, vector<16xi32>,
      %swap3A_76 = arith.constant 64 : index
      %swap3A_77 = tpu.vector_load %arg7[%swap3A_76] {strides = array<i32>} : memref<256xi32, #tpu.memory_space<vmem>>, vector<16xi32>,
      tpu.vector_store %arg7[%swap3A_76], %broadcast_in_dim3A_35 {strides = array<i32>} : memref<256xi32, #tpu.memory_space<vmem>>, vector<16xi32>,
      %swap3A_78 = arith.constant 80 : index
      %swap3A_79 = tpu.vector_load %arg6[%swap3A_78] {strides = array<i32>} : memref<256xi32, #tpu.memory_space<vmem>>, vector<16xi32>,
      tpu.vector_store %arg6[%swap3A_78], %broadcast_in_dim3A_35 {strides = array<i32>} : memref<256xi32, #tpu.memory_space<vmem>>, vector<16xi32>,
      %swap3A_80 = arith.constant 80 : index
      %swap3A_81 = tpu.vector_load %arg7[%swap3A_80] {strides = array<i32>} : memref<256xi32, #tpu.memory_space<vmem>>, vector<16xi32>,
      tpu.vector_store %arg7[%swap3A_80], %broadcast_in_dim3A_35 {strides = array<i32>} : memref<256xi32, #tpu.memory_space<vmem>>, vector<16xi32>,
      %swap3A_82 = arith.constant 96 : index
      %swap3A_83 = tpu.vector_load %arg6[%swap3A_82] {strides = array<i32>} : memref<256xi32, #tpu.memory_space<vmem>>, vector<16xi32>,
      tpu.vector_store %arg6[%swap3A_82], %broadcast_in_dim3A_35 {strides = array<i32>} : memref<256xi32, #tpu.memory_space<vmem>>, vector<16xi32>,
      %swap3A_84 = arith.constant 96 : index
      %swap3A_85 = tpu.vector_load %arg7[%swap3A_84] {strides = array<i32>} : memref<256xi32, #tpu.memory_space<vmem>>, vector<16xi32>,
      tpu.vector_store %arg7[%swap3A_84], %broadcast_in_dim3A_35 {strides = array<i32>} : memref<256xi32, #tpu.memory_space<vmem>>, vector<16xi32>,
      %swap3A_86 = arith.constant 112 : index
      %swap3A_87 = tpu.vector_load %arg6[%swap3A_86] {strides = array<i32>} : memref<256xi32, #tpu.memory_space<vmem>>, vector<16xi32>,
      tpu.vector_store %arg6[%swap3A_86], %broadcast_in_dim3A_35 {strides = array<i32>} : memref<256xi32, #tpu.memory_space<vmem>>, vector<16xi32>,
      %swap3A_88 = arith.constant 112 : index
      %swap3A_89 = tpu.vector_load %arg7[%swap3A_88] {strides = array<i32>} : memref<256xi32, #tpu.memory_space<vmem>>, vector<16xi32>,
      tpu.vector_store %arg7[%swap3A_88], %broadcast_in_dim3A_35 {strides = array<i32>} : memref<256xi32, #tpu.memory_space<vmem>>, vector<16xi32>,
      %swap3A_90 = arith.constant 128 : index
      %swap3A_91 = tpu.vector_load %arg6[%swap3A_90] {strides = array<i32>} : memref<256xi32, #tpu.memory_space<vmem>>, vector<16xi32>,
      tpu.vector_store %arg6[%swap3A_90], %broadcast_in_dim3A_35 {strides = array<i32>} : memref<256xi32, #tpu.memory_space<vmem>>, vector<16xi32>,
      %swap3A_92 = arith.constant 128 : index
      %swap3A_93 = tpu.vector_load %arg7[%swap3A_92] {strides = array<i32>} : memref<256xi32, #tpu.memory_space<vmem>>, vector<16xi32>,
      tpu.vector_store %arg7[%swap3A_92], %broadcast_in_dim3A_35 {strides = array<i32>} : memref<256xi32, #tpu.memory_space<vmem>>, vector<16xi32>,
      %swap3A_94 = arith.constant 144 : index
      %swap3A_95 = tpu.vector_load %arg6[%swap3A_94] {strides = array<i32>} : memref<256xi32, #tpu.memory_space<vmem>>, vector<16xi32>,
      tpu.vector_store %arg6[%swap3A_94], %broadcast_in_dim3A_35 {strides = array<i32>} : memref<256xi32, #tpu.memory_space<vmem>>, vector<16xi32>,
      %swap3A_96 = arith.constant 144 : index
      %swap3A_97 = tpu.vector_load %arg7[%swap3A_96] {strides = array<i32>} : memref<256xi32, #tpu.memory_space<vmem>>, vector<16xi32>,
      tpu.vector_store %arg7[%swap3A_96], %broadcast_in_dim3A_35 {strides = array<i32>} : memref<256xi32, #tpu.memory_space<vmem>>, vector<16xi32>,
      %swap3A_98 = arith.constant 160 : index
      %swap3A_99 = tpu.vector_load %arg6[%swap3A_98] {strides = array<i32>} : memref<256xi32, #tpu.memory_space<vmem>>, vector<16xi32>,
      tpu.vector_store %arg6[%swap3A_98], %broadcast_in_dim3A_35 {strides = array<i32>} : memref<256xi32, #tpu.memory_space<vmem>>, vector<16xi32>,
      %swap3A_100 = arith.constant 160 : index
      %swap3A_101 = tpu.vector_load %arg7[%swap3A_100] {strides = array<i32>} : memref<256xi32, #tpu.memory_space<vmem>>, vector<16xi32>,
      tpu.vector_store %arg7[%swap3A_100], %broadcast_in_dim3A_35 {strides = array<i32>} : memref<256xi32, #tpu.memory_space<vmem>>, vector<16xi32>,
      %swap3A_102 = arith.constant 176 : index
      %swap3A_103 = tpu.vector_load %arg6[%swap3A_102] {strides = array<i32>} : memref<256xi32, #tpu.memory_space<vmem>>, vector<16xi32>,
      tpu.vector_store %arg6[%swap3A_102], %broadcast_in_dim3A_35 {strides = array<i32>} : memref<256xi32, #tpu.memory_space<vmem>>, vector<16xi32>,
      %swap3A_104 = arith.constant 176 : index
      %swap3A_105 = tpu.vector_load %arg7[%swap3A_104] {strides = array<i32>} : memref<256xi32, #tpu.memory_space<vmem>>, vector<16xi32>,
      tpu.vector_store %arg7[%swap3A_104], %broadcast_in_dim3A_35 {strides = array<i32>} : memref<256xi32, #tpu.memory_space<vmem>>, vector<16xi32>,
      %swap3A_106 = arith.constant 192 : index
      %swap3A_107 = tpu.vector_load %arg6[%swap3A_106] {strides = array<i32>} : memref<256xi32, #tpu.memory_space<vmem>>, vector<16xi32>,
      tpu.vector_store %arg6[%swap3A_106], %broadcast_in_dim3A_35 {strides = array<i32>} : memref<256xi32, #tpu.memory_space<vmem>>, vector<16xi32>,
      %swap3A_108 = arith.constant 192 : index
      %swap3A_109 = tpu.vector_load %arg7[%swap3A_108] {strides = array<i32>} : memref<256xi32, #tpu.memory_space<vmem>>, vector<16xi32>,
      tpu.vector_store %arg7[%swap3A_108], %broadcast_in_dim3A_35 {strides = array<i32>} : memref<256xi32, #tpu.memory_space<vmem>>, vector<16xi32>,
      %swap3A_110 = arith.constant 208 : index
      %swap3A_111 = tpu.vector_load %arg6[%swap3A_110] {strides = array<i32>} : memref<256xi32, #tpu.memory_space<vmem>>, vector<16xi32>,
      tpu.vector_store %arg6[%swap3A_110], %broadcast_in_dim3A_35 {strides = array<i32>} : memref<256xi32, #tpu.memory_space<vmem>>, vector<16xi32>,
      %swap3A_112 = arith.constant 208 : index
      %swap3A_113 = tpu.vector_load %arg7[%swap3A_112] {strides = array<i32>} : memref<256xi32, #tpu.memory_space<vmem>>, vector<16xi32>,
      tpu.vector_store %arg7[%swap3A_112], %broadcast_in_dim3A_35 {strides = array<i32>} : memref<256xi32, #tpu.memory_space<vmem>>, vector<16xi32>,
      %swap3A_114 = arith.constant 224 : index
      %swap3A_115 = tpu.vector_load %arg6[%swap3A_114] {strides = array<i32>} : memref<256xi32, #tpu.memory_space<vmem>>, vector<16xi32>,
      tpu.vector_store %arg6[%swap3A_114], %broadcast_in_dim3A_35 {strides = array<i32>} : memref<256xi32, #tpu.memory_space<vmem>>, vector<16xi32>,
      %swap3A_116 = arith.constant 224 : index
      %swap3A_117 = tpu.vector_load %arg7[%swap3A_116] {strides = array<i32>} : memref<256xi32, #tpu.memory_space<vmem>>, vector<16xi32>,
      tpu.vector_store %arg7[%swap3A_116], %broadcast_in_dim3A_35 {strides = array<i32>} : memref<256xi32, #tpu.memory_space<vmem>>, vector<16xi32>,
      %swap3A_118 = arith.constant 240 : index
      %swap3A_119 = tpu.vector_load %arg6[%swap3A_118] {strides = array<i32>} : memref<256xi32, #tpu.memory_space<vmem>>, vector<16xi32>,
      tpu.vector_store %arg6[%swap3A_118], %broadcast_in_dim3A_35 {strides = array<i32>} : memref<256xi32, #tpu.memory_space<vmem>>, vector<16xi32>,
      %swap3A_120 = arith.constant 240 : index
      %swap3A_121 = tpu.vector_load %arg7[%swap3A_120] {strides = array<i32>} : memref<256xi32, #tpu.memory_space<vmem>>, vector<16xi32>,
      tpu.vector_store %arg7[%swap3A_120], %broadcast_in_dim3A_35 {strides = array<i32>} : memref<256xi32, #tpu.memory_space<vmem>>, vector<16xi32>,
      %scan3A_122 = arith.constant 0 : i32
      %scan3A_123 = arith.constant 0 : i32
      %scan3A_124 = arith.constant 16 : i32
      %scan3A_125 = arith.addi %scan3A_123, %scan3A_124 : i32
      %scan3A_126 = arith.constant 1 : i32
      %scan3A_127 = scf.for %scan3A_368 = %scan3A_123 to %scan3A_125 step %scan3A_126 iter_args(%scan3A_369 = %scan3A_122) -> (i32)  : i32 {
        %mul3A_370 = arith.constant 128 : i32
        %mul3A_371 = arith.muli %scan3A_368, %mul3A_370 : i32
        %add3A_372 = arith.constant 0 : i32
        %add3A_373 = arith.addi %mul3A_371, %add3A_372 : i32
        %get3A = arith.constant 0 : i32
        %get3A_374 = arith.index_cast %get3A : i32 to index
        %get3A_375 = arith.index_cast %add3A_373 : i32 to index
        %get3A_376 = tpu.vector_load %arg4[%get3A_374, %get3A_375] {strides = array<i32>} : memref<8x2048xf32, #tpu.memory_space<vmem>>, vector<16xf32>,
        %mul3A_377 = arith.mulf %gather3A, %get3A_376 : vector<16xf32>
        %get3A_378 = arith.constant 1 : i32
        %get3A_379 = arith.index_cast %get3A_378 : i32 to index
        %get3A_380 = arith.index_cast %add3A_373 : i32 to index
        %get3A_381 = tpu.vector_load %arg4[%get3A_379, %get3A_380] {strides = array<i32>} : memref<8x2048xf32, #tpu.memory_space<vmem>>, vector<16xf32>,
        %mul3A_382 = arith.mulf %gather3A_50, %get3A_381 : vector<16xf32>
        %add3A_383 = arith.addf %mul3A_377, %mul3A_382 : vector<16xf32>
        %get3A_384 = arith.constant 2 : i32
        %get3A_385 = arith.index_cast %get3A_384 : i32 to index
        %get3A_386 = arith.index_cast %add3A_373 : i32 to index
        %get3A_387 = tpu.vector_load %arg4[%get3A_385, %get3A_386] {strides = array<i32>} : memref<8x2048xf32, #tpu.memory_space<vmem>>, vector<16xf32>,
        %mul3A_388 = arith.mulf %gather3A_54, %get3A_387 : vector<16xf32>
        %add3A_389 = arith.addf %add3A_383, %mul3A_388 : vector<16xf32>
        %mul3A_390 = arith.constant 2.000000e+00 : f32
        %mul3A_391 = vector.broadcast %mul3A_390 : f32 to vector<16xf32>
        %mul3A_392 = arith.mulf %mul3A_391, %add3A_389 : vector<16xf32>
        %sub3A_393 = arith.subf %gather3A_58, %mul3A_392 : vector<16xf32>
        %get3A_394 = arith.constant 3 : i32
        %get3A_395 = arith.index_cast %get3A_394 : i32 to index
        %get3A_396 = arith.index_cast %add3A_373 : i32 to index
        %get3A_397 = tpu.vector_load %arg4[%get3A_395, %get3A_396] {strides = array<i32>} : memref<8x2048xf32, #tpu.memory_space<vmem>>, vector<16xf32>,
        %add3A_398 = arith.addf %sub3A_393, %get3A_397 : vector<16xf32>
        %max3A = arith.constant 0.000000e+00 : f32
        %max3A_399 = vector.broadcast %max3A : f32 to vector<16xf32>
        %max3A_400 = arith.maximumf %add3A_398, %max3A_399 : vector<16xf32>
        %bitcast3A = vector.bitcast %max3A_400 : vector<16xf32> to vector<16xi32>
        %swap3A_401 = arith.index_cast %add3A_373 : i32 to index
        %swap3A_402 = tpu.vector_load %arg5[%swap3A_401] {strides = array<i32>} : memref<2048xi32, #tpu.memory_space<vmem>>, vector<16xi32>,
        tpu.vector_store %arg5[%swap3A_401], %bitcast3A {strides = array<i32>} : memref<2048xi32, #tpu.memory_space<vmem>>, vector<16xi32>,
        %shift_right_logical3A = arith.constant 23 : i32
        %shift_right_logical3A_403 = vector.broadcast %shift_right_logical3A : i32 to vector<16xi32>
        %shift_right_logical3A_404 = arith.shrui %bitcast3A, %shift_right_logical3A_403 : vector<16xi32>
        tpu.vector_store_idx %arg6[%shift_right_logical3A_404], %broadcast_in_dim3A_33 {add = true} : memref<256xi32, #tpu.memory_space<vmem>>[vector<16xi32>], vector<16xi32>,
        %mul3A_405 = arith.constant 128 : i32
        %mul3A_406 = arith.muli %scan3A_368, %mul3A_405 : i32
        %add3A_407 = arith.constant 16 : i32
        %add3A_408 = arith.addi %mul3A_406, %add3A_407 : i32
        %get3A_409 = arith.constant 0 : i32
        %get3A_410 = arith.index_cast %get3A_409 : i32 to index
        %get3A_411 = arith.index_cast %add3A_408 : i32 to index
        %get3A_412 = tpu.vector_load %arg4[%get3A_410, %get3A_411] {strides = array<i32>} : memref<8x2048xf32, #tpu.memory_space<vmem>>, vector<16xf32>,
        %mul3A_413 = arith.mulf %gather3A, %get3A_412 : vector<16xf32>
        %get3A_414 = arith.constant 1 : i32
        %get3A_415 = arith.index_cast %get3A_414 : i32 to index
        %get3A_416 = arith.index_cast %add3A_408 : i32 to index
        %get3A_417 = tpu.vector_load %arg4[%get3A_415, %get3A_416] {strides = array<i32>} : memref<8x2048xf32, #tpu.memory_space<vmem>>, vector<16xf32>,
        %mul3A_418 = arith.mulf %gather3A_50, %get3A_417 : vector<16xf32>
        %add3A_419 = arith.addf %mul3A_413, %mul3A_418 : vector<16xf32>
        %get3A_420 = arith.constant 2 : i32
        %get3A_421 = arith.index_cast %get3A_420 : i32 to index
        %get3A_422 = arith.index_cast %add3A_408 : i32 to index
        %get3A_423 = tpu.vector_load %arg4[%get3A_421, %get3A_422] {strides = array<i32>} : memref<8x2048xf32, #tpu.memory_space<vmem>>, vector<16xf32>,
        %mul3A_424 = arith.mulf %gather3A_54, %get3A_423 : vector<16xf32>
        %add3A_425 = arith.addf %add3A_419, %mul3A_424 : vector<16xf32>
        %mul3A_426 = arith.constant 2.000000e+00 : f32
        %mul3A_427 = vector.broadcast %mul3A_426 : f32 to vector<16xf32>
        %mul3A_428 = arith.mulf %mul3A_427, %add3A_425 : vector<16xf32>
        %sub3A_429 = arith.subf %gather3A_58, %mul3A_428 : vector<16xf32>
        %get3A_430 = arith.constant 3 : i32
        %get3A_431 = arith.index_cast %get3A_430 : i32 to index
        %get3A_432 = arith.index_cast %add3A_408 : i32 to index
        %get3A_433 = tpu.vector_load %arg4[%get3A_431, %get3A_432] {strides = array<i32>} : memref<8x2048xf32, #tpu.memory_space<vmem>>, vector<16xf32>,
        %add3A_434 = arith.addf %sub3A_429, %get3A_433 : vector<16xf32>
        %max3A_435 = arith.constant 0.000000e+00 : f32
        %max3A_436 = vector.broadcast %max3A_435 : f32 to vector<16xf32>
        %max3A_437 = arith.maximumf %add3A_434, %max3A_436 : vector<16xf32>
        %bitcast3A_438 = vector.bitcast %max3A_437 : vector<16xf32> to vector<16xi32>
        %swap3A_439 = arith.index_cast %add3A_408 : i32 to index
        %swap3A_440 = tpu.vector_load %arg5[%swap3A_439] {strides = array<i32>} : memref<2048xi32, #tpu.memory_space<vmem>>, vector<16xi32>,
        tpu.vector_store %arg5[%swap3A_439], %bitcast3A_438 {strides = array<i32>} : memref<2048xi32, #tpu.memory_space<vmem>>, vector<16xi32>,
        %shift_right_logical3A_441 = arith.constant 23 : i32
        %shift_right_logical3A_442 = vector.broadcast %shift_right_logical3A_441 : i32 to vector<16xi32>
        %shift_right_logical3A_443 = arith.shrui %bitcast3A_438, %shift_right_logical3A_442 : vector<16xi32>
        tpu.vector_store_idx %arg7[%shift_right_logical3A_443], %broadcast_in_dim3A_33 {add = true} : memref<256xi32, #tpu.memory_space<vmem>>[vector<16xi32>], vector<16xi32>,
        %mul3A_444 = arith.constant 128 : i32
        %mul3A_445 = arith.muli %scan3A_368, %mul3A_444 : i32
        %add3A_446 = arith.constant 32 : i32
        %add3A_447 = arith.addi %mul3A_445, %add3A_446 : i32
        %get3A_448 = arith.constant 0 : i32
        %get3A_449 = arith.index_cast %get3A_448 : i32 to index
        %get3A_450 = arith.index_cast %add3A_447 : i32 to index
        %get3A_451 = tpu.vector_load %arg4[%get3A_449, %get3A_450] {strides = array<i32>} : memref<8x2048xf32, #tpu.memory_space<vmem>>, vector<16xf32>,
        %mul3A_452 = arith.mulf %gather3A, %get3A_451 : vector<16xf32>
        %get3A_453 = arith.constant 1 : i32
        %get3A_454 = arith.index_cast %get3A_453 : i32 to index
        %get3A_455 = arith.index_cast %add3A_447 : i32 to index
        %get3A_456 = tpu.vector_load %arg4[%get3A_454, %get3A_455] {strides = array<i32>} : memref<8x2048xf32, #tpu.memory_space<vmem>>, vector<16xf32>,
        %mul3A_457 = arith.mulf %gather3A_50, %get3A_456 : vector<16xf32>
        %add3A_458 = arith.addf %mul3A_452, %mul3A_457 : vector<16xf32>
        %get3A_459 = arith.constant 2 : i32
        %get3A_460 = arith.index_cast %get3A_459 : i32 to index
        %get3A_461 = arith.index_cast %add3A_447 : i32 to index
        %get3A_462 = tpu.vector_load %arg4[%get3A_460, %get3A_461] {strides = array<i32>} : memref<8x2048xf32, #tpu.memory_space<vmem>>, vector<16xf32>,
        %mul3A_463 = arith.mulf %gather3A_54, %get3A_462 : vector<16xf32>
        %add3A_464 = arith.addf %add3A_458, %mul3A_463 : vector<16xf32>
        %mul3A_465 = arith.constant 2.000000e+00 : f32
        %mul3A_466 = vector.broadcast %mul3A_465 : f32 to vector<16xf32>
        %mul3A_467 = arith.mulf %mul3A_466, %add3A_464 : vector<16xf32>
        %sub3A_468 = arith.subf %gather3A_58, %mul3A_467 : vector<16xf32>
        %get3A_469 = arith.constant 3 : i32
        %get3A_470 = arith.index_cast %get3A_469 : i32 to index
        %get3A_471 = arith.index_cast %add3A_447 : i32 to index
        %get3A_472 = tpu.vector_load %arg4[%get3A_470, %get3A_471] {strides = array<i32>} : memref<8x2048xf32, #tpu.memory_space<vmem>>, vector<16xf32>,
        %add3A_473 = arith.addf %sub3A_468, %get3A_472 : vector<16xf32>
        %max3A_474 = arith.constant 0.000000e+00 : f32
        %max3A_475 = vector.broadcast %max3A_474 : f32 to vector<16xf32>
        %max3A_476 = arith.maximumf %add3A_473, %max3A_475 : vector<16xf32>
        %bitcast3A_477 = vector.bitcast %max3A_476 : vector<16xf32> to vector<16xi32>
        %swap3A_478 = arith.index_cast %add3A_447 : i32 to index
        %swap3A_479 = tpu.vector_load %arg5[%swap3A_478] {strides = array<i32>} : memref<2048xi32, #tpu.memory_space<vmem>>, vector<16xi32>,
        tpu.vector_store %arg5[%swap3A_478], %bitcast3A_477 {strides = array<i32>} : memref<2048xi32, #tpu.memory_space<vmem>>, vector<16xi32>,
        %shift_right_logical3A_480 = arith.constant 23 : i32
        %shift_right_logical3A_481 = vector.broadcast %shift_right_logical3A_480 : i32 to vector<16xi32>
        %shift_right_logical3A_482 = arith.shrui %bitcast3A_477, %shift_right_logical3A_481 : vector<16xi32>
        tpu.vector_store_idx %arg6[%shift_right_logical3A_482], %broadcast_in_dim3A_33 {add = true} : memref<256xi32, #tpu.memory_space<vmem>>[vector<16xi32>], vector<16xi32>,
        %mul3A_483 = arith.constant 128 : i32
        %mul3A_484 = arith.muli %scan3A_368, %mul3A_483 : i32
        %add3A_485 = arith.constant 48 : i32
        %add3A_486 = arith.addi %mul3A_484, %add3A_485 : i32
        %get3A_487 = arith.constant 0 : i32
        %get3A_488 = arith.index_cast %get3A_487 : i32 to index
        %get3A_489 = arith.index_cast %add3A_486 : i32 to index
        %get3A_490 = tpu.vector_load %arg4[%get3A_488, %get3A_489] {strides = array<i32>} : memref<8x2048xf32, #tpu.memory_space<vmem>>, vector<16xf32>,
        %mul3A_491 = arith.mulf %gather3A, %get3A_490 : vector<16xf32>
        %get3A_492 = arith.constant 1 : i32
        %get3A_493 = arith.index_cast %get3A_492 : i32 to index
        %get3A_494 = arith.index_cast %add3A_486 : i32 to index
        %get3A_495 = tpu.vector_load %arg4[%get3A_493, %get3A_494] {strides = array<i32>} : memref<8x2048xf32, #tpu.memory_space<vmem>>, vector<16xf32>,
        %mul3A_496 = arith.mulf %gather3A_50, %get3A_495 : vector<16xf32>
        %add3A_497 = arith.addf %mul3A_491, %mul3A_496 : vector<16xf32>
        %get3A_498 = arith.constant 2 : i32
        %get3A_499 = arith.index_cast %get3A_498 : i32 to index
        %get3A_500 = arith.index_cast %add3A_486 : i32 to index
        %get3A_501 = tpu.vector_load %arg4[%get3A_499, %get3A_500] {strides = array<i32>} : memref<8x2048xf32, #tpu.memory_space<vmem>>, vector<16xf32>,
        %mul3A_502 = arith.mulf %gather3A_54, %get3A_501 : vector<16xf32>
        %add3A_503 = arith.addf %add3A_497, %mul3A_502 : vector<16xf32>
        %mul3A_504 = arith.constant 2.000000e+00 : f32
        %mul3A_505 = vector.broadcast %mul3A_504 : f32 to vector<16xf32>
        %mul3A_506 = arith.mulf %mul3A_505, %add3A_503 : vector<16xf32>
        %sub3A_507 = arith.subf %gather3A_58, %mul3A_506 : vector<16xf32>
        %get3A_508 = arith.constant 3 : i32
        %get3A_509 = arith.index_cast %get3A_508 : i32 to index
        %get3A_510 = arith.index_cast %add3A_486 : i32 to index
        %get3A_511 = tpu.vector_load %arg4[%get3A_509, %get3A_510] {strides = array<i32>} : memref<8x2048xf32, #tpu.memory_space<vmem>>, vector<16xf32>,
        %add3A_512 = arith.addf %sub3A_507, %get3A_511 : vector<16xf32>
        %max3A_513 = arith.constant 0.000000e+00 : f32
        %max3A_514 = vector.broadcast %max3A_513 : f32 to vector<16xf32>
        %max3A_515 = arith.maximumf %add3A_512, %max3A_514 : vector<16xf32>
        %bitcast3A_516 = vector.bitcast %max3A_515 : vector<16xf32> to vector<16xi32>
        %swap3A_517 = arith.index_cast %add3A_486 : i32 to index
        %swap3A_518 = tpu.vector_load %arg5[%swap3A_517] {strides = array<i32>} : memref<2048xi32, #tpu.memory_space<vmem>>, vector<16xi32>,
        tpu.vector_store %arg5[%swap3A_517], %bitcast3A_516 {strides = array<i32>} : memref<2048xi32, #tpu.memory_space<vmem>>, vector<16xi32>,
        %shift_right_logical3A_519 = arith.constant 23 : i32
        %shift_right_logical3A_520 = vector.broadcast %shift_right_logical3A_519 : i32 to vector<16xi32>
        %shift_right_logical3A_521 = arith.shrui %bitcast3A_516, %shift_right_logical3A_520 : vector<16xi32>
        tpu.vector_store_idx %arg7[%shift_right_logical3A_521], %broadcast_in_dim3A_33 {add = true} : memref<256xi32, #tpu.memory_space<vmem>>[vector<16xi32>], vector<16xi32>,
        %mul3A_522 = arith.constant 128 : i32
        %mul3A_523 = arith.muli %scan3A_368, %mul3A_522 : i32
        %add3A_524 = arith.constant 64 : i32
        %add3A_525 = arith.addi %mul3A_523, %add3A_524 : i32
        %get3A_526 = arith.constant 0 : i32
        %get3A_527 = arith.index_cast %get3A_526 : i32 to index
        %get3A_528 = arith.index_cast %add3A_525 : i32 to index
        %get3A_529 = tpu.vector_load %arg4[%get3A_527, %get3A_528] {strides = array<i32>} : memref<8x2048xf32, #tpu.memory_space<vmem>>, vector<16xf32>,
        %mul3A_530 = arith.mulf %gather3A, %get3A_529 : vector<16xf32>
        %get3A_531 = arith.constant 1 : i32
        %get3A_532 = arith.index_cast %get3A_531 : i32 to index
        %get3A_533 = arith.index_cast %add3A_525 : i32 to index
        %get3A_534 = tpu.vector_load %arg4[%get3A_532, %get3A_533] {strides = array<i32>} : memref<8x2048xf32, #tpu.memory_space<vmem>>, vector<16xf32>,
        %mul3A_535 = arith.mulf %gather3A_50, %get3A_534 : vector<16xf32>
        %add3A_536 = arith.addf %mul3A_530, %mul3A_535 : vector<16xf32>
        %get3A_537 = arith.constant 2 : i32
        %get3A_538 = arith.index_cast %get3A_537 : i32 to index
        %get3A_539 = arith.index_cast %add3A_525 : i32 to index
        %get3A_540 = tpu.vector_load %arg4[%get3A_538, %get3A_539] {strides = array<i32>} : memref<8x2048xf32, #tpu.memory_space<vmem>>, vector<16xf32>,
        %mul3A_541 = arith.mulf %gather3A_54, %get3A_540 : vector<16xf32>
        %add3A_542 = arith.addf %add3A_536, %mul3A_541 : vector<16xf32>
        %mul3A_543 = arith.constant 2.000000e+00 : f32
        %mul3A_544 = vector.broadcast %mul3A_543 : f32 to vector<16xf32>
        %mul3A_545 = arith.mulf %mul3A_544, %add3A_542 : vector<16xf32>
        %sub3A_546 = arith.subf %gather3A_58, %mul3A_545 : vector<16xf32>
        %get3A_547 = arith.constant 3 : i32
        %get3A_548 = arith.index_cast %get3A_547 : i32 to index
        %get3A_549 = arith.index_cast %add3A_525 : i32 to index
        %get3A_550 = tpu.vector_load %arg4[%get3A_548, %get3A_549] {strides = array<i32>} : memref<8x2048xf32, #tpu.memory_space<vmem>>, vector<16xf32>,
        %add3A_551 = arith.addf %sub3A_546, %get3A_550 : vector<16xf32>
        %max3A_552 = arith.constant 0.000000e+00 : f32
        %max3A_553 = vector.broadcast %max3A_552 : f32 to vector<16xf32>
        %max3A_554 = arith.maximumf %add3A_551, %max3A_553 : vector<16xf32>
        %bitcast3A_555 = vector.bitcast %max3A_554 : vector<16xf32> to vector<16xi32>
        %swap3A_556 = arith.index_cast %add3A_525 : i32 to index
        %swap3A_557 = tpu.vector_load %arg5[%swap3A_556] {strides = array<i32>} : memref<2048xi32, #tpu.memory_space<vmem>>, vector<16xi32>,
        tpu.vector_store %arg5[%swap3A_556], %bitcast3A_555 {strides = array<i32>} : memref<2048xi32, #tpu.memory_space<vmem>>, vector<16xi32>,
        %shift_right_logical3A_558 = arith.constant 23 : i32
        %shift_right_logical3A_559 = vector.broadcast %shift_right_logical3A_558 : i32 to vector<16xi32>
        %shift_right_logical3A_560 = arith.shrui %bitcast3A_555, %shift_right_logical3A_559 : vector<16xi32>
        tpu.vector_store_idx %arg6[%shift_right_logical3A_560], %broadcast_in_dim3A_33 {add = true} : memref<256xi32, #tpu.memory_space<vmem>>[vector<16xi32>], vector<16xi32>,
        %mul3A_561 = arith.constant 128 : i32
        %mul3A_562 = arith.muli %scan3A_368, %mul3A_561 : i32
        %add3A_563 = arith.constant 80 : i32
        %add3A_564 = arith.addi %mul3A_562, %add3A_563 : i32
        %get3A_565 = arith.constant 0 : i32
        %get3A_566 = arith.index_cast %get3A_565 : i32 to index
        %get3A_567 = arith.index_cast %add3A_564 : i32 to index
        %get3A_568 = tpu.vector_load %arg4[%get3A_566, %get3A_567] {strides = array<i32>} : memref<8x2048xf32, #tpu.memory_space<vmem>>, vector<16xf32>,
        %mul3A_569 = arith.mulf %gather3A, %get3A_568 : vector<16xf32>
        %get3A_570 = arith.constant 1 : i32
        %get3A_571 = arith.index_cast %get3A_570 : i32 to index
        %get3A_572 = arith.index_cast %add3A_564 : i32 to index
        %get3A_573 = tpu.vector_load %arg4[%get3A_571, %get3A_572] {strides = array<i32>} : memref<8x2048xf32, #tpu.memory_space<vmem>>, vector<16xf32>,
        %mul3A_574 = arith.mulf %gather3A_50, %get3A_573 : vector<16xf32>
        %add3A_575 = arith.addf %mul3A_569, %mul3A_574 : vector<16xf32>
        %get3A_576 = arith.constant 2 : i32
        %get3A_577 = arith.index_cast %get3A_576 : i32 to index
        %get3A_578 = arith.index_cast %add3A_564 : i32 to index
        %get3A_579 = tpu.vector_load %arg4[%get3A_577, %get3A_578] {strides = array<i32>} : memref<8x2048xf32, #tpu.memory_space<vmem>>, vector<16xf32>,
        %mul3A_580 = arith.mulf %gather3A_54, %get3A_579 : vector<16xf32>
        %add3A_581 = arith.addf %add3A_575, %mul3A_580 : vector<16xf32>
        %mul3A_582 = arith.constant 2.000000e+00 : f32
        %mul3A_583 = vector.broadcast %mul3A_582 : f32 to vector<16xf32>
        %mul3A_584 = arith.mulf %mul3A_583, %add3A_581 : vector<16xf32>
        %sub3A_585 = arith.subf %gather3A_58, %mul3A_584 : vector<16xf32>
        %get3A_586 = arith.constant 3 : i32
        %get3A_587 = arith.index_cast %get3A_586 : i32 to index
        %get3A_588 = arith.index_cast %add3A_564 : i32 to index
        %get3A_589 = tpu.vector_load %arg4[%get3A_587, %get3A_588] {strides = array<i32>} : memref<8x2048xf32, #tpu.memory_space<vmem>>, vector<16xf32>,
        %add3A_590 = arith.addf %sub3A_585, %get3A_589 : vector<16xf32>
        %max3A_591 = arith.constant 0.000000e+00 : f32
        %max3A_592 = vector.broadcast %max3A_591 : f32 to vector<16xf32>
        %max3A_593 = arith.maximumf %add3A_590, %max3A_592 : vector<16xf32>
        %bitcast3A_594 = vector.bitcast %max3A_593 : vector<16xf32> to vector<16xi32>
        %swap3A_595 = arith.index_cast %add3A_564 : i32 to index
        %swap3A_596 = tpu.vector_load %arg5[%swap3A_595] {strides = array<i32>} : memref<2048xi32, #tpu.memory_space<vmem>>, vector<16xi32>,
        tpu.vector_store %arg5[%swap3A_595], %bitcast3A_594 {strides = array<i32>} : memref<2048xi32, #tpu.memory_space<vmem>>, vector<16xi32>,
        %shift_right_logical3A_597 = arith.constant 23 : i32
        %shift_right_logical3A_598 = vector.broadcast %shift_right_logical3A_597 : i32 to vector<16xi32>
        %shift_right_logical3A_599 = arith.shrui %bitcast3A_594, %shift_right_logical3A_598 : vector<16xi32>
        tpu.vector_store_idx %arg7[%shift_right_logical3A_599], %broadcast_in_dim3A_33 {add = true} : memref<256xi32, #tpu.memory_space<vmem>>[vector<16xi32>], vector<16xi32>,
        %mul3A_600 = arith.constant 128 : i32
        %mul3A_601 = arith.muli %scan3A_368, %mul3A_600 : i32
        %add3A_602 = arith.constant 96 : i32
        %add3A_603 = arith.addi %mul3A_601, %add3A_602 : i32
        %get3A_604 = arith.constant 0 : i32
        %get3A_605 = arith.index_cast %get3A_604 : i32 to index
        %get3A_606 = arith.index_cast %add3A_603 : i32 to index
        %get3A_607 = tpu.vector_load %arg4[%get3A_605, %get3A_606] {strides = array<i32>} : memref<8x2048xf32, #tpu.memory_space<vmem>>, vector<16xf32>,
        %mul3A_608 = arith.mulf %gather3A, %get3A_607 : vector<16xf32>
        %get3A_609 = arith.constant 1 : i32
        %get3A_610 = arith.index_cast %get3A_609 : i32 to index
        %get3A_611 = arith.index_cast %add3A_603 : i32 to index
        %get3A_612 = tpu.vector_load %arg4[%get3A_610, %get3A_611] {strides = array<i32>} : memref<8x2048xf32, #tpu.memory_space<vmem>>, vector<16xf32>,
        %mul3A_613 = arith.mulf %gather3A_50, %get3A_612 : vector<16xf32>
        %add3A_614 = arith.addf %mul3A_608, %mul3A_613 : vector<16xf32>
        %get3A_615 = arith.constant 2 : i32
        %get3A_616 = arith.index_cast %get3A_615 : i32 to index
        %get3A_617 = arith.index_cast %add3A_603 : i32 to index
        %get3A_618 = tpu.vector_load %arg4[%get3A_616, %get3A_617] {strides = array<i32>} : memref<8x2048xf32, #tpu.memory_space<vmem>>, vector<16xf32>,
        %mul3A_619 = arith.mulf %gather3A_54, %get3A_618 : vector<16xf32>
        %add3A_620 = arith.addf %add3A_614, %mul3A_619 : vector<16xf32>
        %mul3A_621 = arith.constant 2.000000e+00 : f32
        %mul3A_622 = vector.broadcast %mul3A_621 : f32 to vector<16xf32>
        %mul3A_623 = arith.mulf %mul3A_622, %add3A_620 : vector<16xf32>
        %sub3A_624 = arith.subf %gather3A_58, %mul3A_623 : vector<16xf32>
        %get3A_625 = arith.constant 3 : i32
        %get3A_626 = arith.index_cast %get3A_625 : i32 to index
        %get3A_627 = arith.index_cast %add3A_603 : i32 to index
        %get3A_628 = tpu.vector_load %arg4[%get3A_626, %get3A_627] {strides = array<i32>} : memref<8x2048xf32, #tpu.memory_space<vmem>>, vector<16xf32>,
        %add3A_629 = arith.addf %sub3A_624, %get3A_628 : vector<16xf32>
        %max3A_630 = arith.constant 0.000000e+00 : f32
        %max3A_631 = vector.broadcast %max3A_630 : f32 to vector<16xf32>
        %max3A_632 = arith.maximumf %add3A_629, %max3A_631 : vector<16xf32>
        %bitcast3A_633 = vector.bitcast %max3A_632 : vector<16xf32> to vector<16xi32>
        %swap3A_634 = arith.index_cast %add3A_603 : i32 to index
        %swap3A_635 = tpu.vector_load %arg5[%swap3A_634] {strides = array<i32>} : memref<2048xi32, #tpu.memory_space<vmem>>, vector<16xi32>,
        tpu.vector_store %arg5[%swap3A_634], %bitcast3A_633 {strides = array<i32>} : memref<2048xi32, #tpu.memory_space<vmem>>, vector<16xi32>,
        %shift_right_logical3A_636 = arith.constant 23 : i32
        %shift_right_logical3A_637 = vector.broadcast %shift_right_logical3A_636 : i32 to vector<16xi32>
        %shift_right_logical3A_638 = arith.shrui %bitcast3A_633, %shift_right_logical3A_637 : vector<16xi32>
        tpu.vector_store_idx %arg6[%shift_right_logical3A_638], %broadcast_in_dim3A_33 {add = true} : memref<256xi32, #tpu.memory_space<vmem>>[vector<16xi32>], vector<16xi32>,
        %mul3A_639 = arith.constant 128 : i32
        %mul3A_640 = arith.muli %scan3A_368, %mul3A_639 : i32
        %add3A_641 = arith.constant 112 : i32
        %add3A_642 = arith.addi %mul3A_640, %add3A_641 : i32
        %get3A_643 = arith.constant 0 : i32
        %get3A_644 = arith.index_cast %get3A_643 : i32 to index
        %get3A_645 = arith.index_cast %add3A_642 : i32 to index
        %get3A_646 = tpu.vector_load %arg4[%get3A_644, %get3A_645] {strides = array<i32>} : memref<8x2048xf32, #tpu.memory_space<vmem>>, vector<16xf32>,
        %mul3A_647 = arith.mulf %gather3A, %get3A_646 : vector<16xf32>
        %get3A_648 = arith.constant 1 : i32
        %get3A_649 = arith.index_cast %get3A_648 : i32 to index
        %get3A_650 = arith.index_cast %add3A_642 : i32 to index
        %get3A_651 = tpu.vector_load %arg4[%get3A_649, %get3A_650] {strides = array<i32>} : memref<8x2048xf32, #tpu.memory_space<vmem>>, vector<16xf32>,
        %mul3A_652 = arith.mulf %gather3A_50, %get3A_651 : vector<16xf32>
        %add3A_653 = arith.addf %mul3A_647, %mul3A_652 : vector<16xf32>
        %get3A_654 = arith.constant 2 : i32
        %get3A_655 = arith.index_cast %get3A_654 : i32 to index
        %get3A_656 = arith.index_cast %add3A_642 : i32 to index
        %get3A_657 = tpu.vector_load %arg4[%get3A_655, %get3A_656] {strides = array<i32>} : memref<8x2048xf32, #tpu.memory_space<vmem>>, vector<16xf32>,
        %mul3A_658 = arith.mulf %gather3A_54, %get3A_657 : vector<16xf32>
        %add3A_659 = arith.addf %add3A_653, %mul3A_658 : vector<16xf32>
        %mul3A_660 = arith.constant 2.000000e+00 : f32
        %mul3A_661 = vector.broadcast %mul3A_660 : f32 to vector<16xf32>
        %mul3A_662 = arith.mulf %mul3A_661, %add3A_659 : vector<16xf32>
        %sub3A_663 = arith.subf %gather3A_58, %mul3A_662 : vector<16xf32>
        %get3A_664 = arith.constant 3 : i32
        %get3A_665 = arith.index_cast %get3A_664 : i32 to index
        %get3A_666 = arith.index_cast %add3A_642 : i32 to index
        %get3A_667 = tpu.vector_load %arg4[%get3A_665, %get3A_666] {strides = array<i32>} : memref<8x2048xf32, #tpu.memory_space<vmem>>, vector<16xf32>,
        %add3A_668 = arith.addf %sub3A_663, %get3A_667 : vector<16xf32>
        %max3A_669 = arith.constant 0.000000e+00 : f32
        %max3A_670 = vector.broadcast %max3A_669 : f32 to vector<16xf32>
        %max3A_671 = arith.maximumf %add3A_668, %max3A_670 : vector<16xf32>
        %bitcast3A_672 = vector.bitcast %max3A_671 : vector<16xf32> to vector<16xi32>
        %swap3A_673 = arith.index_cast %add3A_642 : i32 to index
        %swap3A_674 = tpu.vector_load %arg5[%swap3A_673] {strides = array<i32>} : memref<2048xi32, #tpu.memory_space<vmem>>, vector<16xi32>,
        tpu.vector_store %arg5[%swap3A_673], %bitcast3A_672 {strides = array<i32>} : memref<2048xi32, #tpu.memory_space<vmem>>, vector<16xi32>,
        %shift_right_logical3A_675 = arith.constant 23 : i32
        %shift_right_logical3A_676 = vector.broadcast %shift_right_logical3A_675 : i32 to vector<16xi32>
        %shift_right_logical3A_677 = arith.shrui %bitcast3A_672, %shift_right_logical3A_676 : vector<16xi32>
        tpu.vector_store_idx %arg7[%shift_right_logical3A_677], %broadcast_in_dim3A_33 {add = true} : memref<256xi32, #tpu.memory_space<vmem>>[vector<16xi32>], vector<16xi32>,
        %scan3A_678 = arith.constant 0 : i32
        scf.yield %scan3A_678 : i32
      }
      %scan3A_128 = arith.constant 16 : i32
      %scan3A_129 = arith.constant 64 : i32
      %scan3A_130 = arith.constant 0 : i32
      %scan3A_131 = arith.constant 0 : i32
      %scan3A_132 = arith.constant 0 : i32
      %scan3A_133 = arith.constant 0 : i32
      %scan3A_134 = arith.constant 16 : i32
      %scan3A_135 = arith.addi %scan3A_133, %scan3A_134 : i32
      %scan3A_136 = arith.constant 1 : i32
      %scan3A_137:3 = scf.for %scan3A_368 = %scan3A_133 to %scan3A_135 step %scan3A_136 iter_args(%scan3A_369 = %scan3A_130, %scan3A_370 = %scan3A_131, %scan3A_371 = %scan3A_132) -> (i32, i32, i32)  : i32 {
        %mul3A_372 = arith.constant 16 : i32
        %mul3A_373 = arith.muli %scan3A_368, %mul3A_372 : i32
        %get3A = arith.index_cast %mul3A_373 : i32 to index
        %get3A_374 = tpu.vector_load %arg6[%get3A] {strides = array<i32>} : memref<256xi32, #tpu.memory_space<vmem>>, vector<16xi32>,
        %mul3A_375 = arith.constant 16 : i32
        %mul3A_376 = arith.muli %scan3A_368, %mul3A_375 : i32
        %get3A_377 = arith.index_cast %mul3A_376 : i32 to index
        %get3A_378 = tpu.vector_load %arg7[%get3A_377] {strides = array<i32>} : memref<256xi32, #tpu.memory_space<vmem>>, vector<16xi32>,
        %add3A_379 = arith.addi %get3A_374, %get3A_378 : vector<16xi32>
        %broadcast_in_dim3A_380 = arith.constant true
        %broadcast_in_dim3A_381 = vector.broadcast %broadcast_in_dim3A_380 : i1 to vector<16xi1>
        %masked_cumsum3A = tpu.scan <sum>, %add3A_379 masked %broadcast_in_dim3A_381 : vector<16xi32>, vector<16xi1> -> vector<16xi32>
        %add3A_382 = vector.broadcast %scan3A_369 : i32 to vector<16xi32>
        %add3A_383 = arith.addi %masked_cumsum3A, %add3A_382 : vector<16xi32>
        %lt3A_384 = vector.broadcast %scan3A_129 : i32 to vector<16xi32>
        %lt3A_385 = arith.cmpi slt, %add3A_383, %lt3A_384 : vector<16xi32>
        %all_reduce_population_count3A = tpu.all_reduce %lt3A_385 {dim = 0 : i64, kind = #tpu.reduction_kind<sum>} : vector<16xi1> -> vector<16xi32>
        %reduce_max3A = arith.constant true
        %reduce_max3A_386 = vector.broadcast %reduce_max3A : i1 to vector<16xi1>
        %reduce_max3A_387 = arith.constant -2147483648 : i32
        %reduce_max3A_388 = vector.broadcast %reduce_max3A_387 : i32 to vector<16xi32>
        %reduce_max3A_389 = arith.xori %all_reduce_population_count3A, %reduce_max3A_388 : vector<16xi32>
        %reduce_max3A_390 = tpu.scan <max>, %reduce_max3A_389 masked %reduce_max3A_386 : vector<16xi32>, vector<16xi1> -> vector<16xi32>
        %reduce_max3A_391 = arith.xori %reduce_max3A_390, %reduce_max3A_388 : vector<16xi32>
        %reduce_max3A_392 = vector.extract %reduce_max3A_391[15] : i32 from vector<16xi32>
        %jit3A_393 = arith.constant 0 : i32
        %broadcast_in_dim3A_394 = vector.broadcast %jit3A_393 : i32 to vector<16xi32>
        %select_n3A_395 = arith.select %lt3A_385, %add3A_383, %broadcast_in_dim3A_394 : vector<16xi1>, vector<16xi32>
        %reduce_max3A_396 = arith.constant true
        %reduce_max3A_397 = vector.broadcast %reduce_max3A_396 : i1 to vector<16xi1>
        %reduce_max3A_398 = arith.constant -2147483648 : i32
        %reduce_max3A_399 = vector.broadcast %reduce_max3A_398 : i32 to vector<16xi32>
        %reduce_max3A_400 = arith.xori %select_n3A_395, %reduce_max3A_399 : vector<16xi32>
        %reduce_max3A_401 = tpu.scan <max>, %reduce_max3A_400 masked %reduce_max3A_397 : vector<16xi32>, vector<16xi1> -> vector<16xi32>
        %reduce_max3A_402 = arith.xori %reduce_max3A_401, %reduce_max3A_399 : vector<16xi32>
        %reduce_max3A_403 = vector.extract %reduce_max3A_402[15] : i32 from vector<16xi32>
        %reduce_max3A_404 = arith.constant true
        %reduce_max3A_405 = vector.broadcast %reduce_max3A_404 : i1 to vector<16xi1>
        %reduce_max3A_406 = arith.constant -2147483648 : i32
        %reduce_max3A_407 = vector.broadcast %reduce_max3A_406 : i32 to vector<16xi32>
        %reduce_max3A_408 = arith.xori %add3A_383, %reduce_max3A_407 : vector<16xi32>
        %reduce_max3A_409 = tpu.scan <max>, %reduce_max3A_408 masked %reduce_max3A_405 : vector<16xi32>, vector<16xi1> -> vector<16xi32>
        %reduce_max3A_410 = arith.xori %reduce_max3A_409, %reduce_max3A_407 : vector<16xi32>
        %reduce_max3A_411 = vector.extract %reduce_max3A_410[15] : i32 from vector<16xi32>
        %add3A_412 = arith.addi %scan3A_370, %reduce_max3A_392 : i32
        %max3A = arith.maxsi %scan3A_371, %reduce_max3A_403 : i32
        scf.yield %reduce_max3A_411, %add3A_412, %max3A : i32, i32, i32
      }
      %scan3A_138 = arith.constant 16 : i32
      %sub3A_139 = arith.constant 64 : i32
      %sub3A_140 = arith.subi %sub3A_139, %scan3A_137#2 : i32
      %swap3A_141 = arith.constant 0 : index
      %swap3A_142 = tpu.vector_load %arg6[%swap3A_141] {strides = array<i32>} : memref<256xi32, #tpu.memory_space<vmem>>, vector<16xi32>,
      tpu.vector_store %arg6[%swap3A_141], %broadcast_in_dim3A_35 {strides = array<i32>} : memref<256xi32, #tpu.memory_space<vmem>>, vector<16xi32>,
      %swap3A_143 = arith.constant 0 : index
      %swap3A_144 = tpu.vector_load %arg7[%swap3A_143] {strides = array<i32>} : memref<256xi32, #tpu.memory_space<vmem>>, vector<16xi32>,
      tpu.vector_store %arg7[%swap3A_143], %broadcast_in_dim3A_35 {strides = array<i32>} : memref<256xi32, #tpu.memory_space<vmem>>, vector<16xi32>,
      %swap3A_145 = arith.constant 16 : index
      %swap3A_146 = tpu.vector_load %arg6[%swap3A_145] {strides = array<i32>} : memref<256xi32, #tpu.memory_space<vmem>>, vector<16xi32>,
      tpu.vector_store %arg6[%swap3A_145], %broadcast_in_dim3A_35 {strides = array<i32>} : memref<256xi32, #tpu.memory_space<vmem>>, vector<16xi32>,
      %swap3A_147 = arith.constant 16 : index
      %swap3A_148 = tpu.vector_load %arg7[%swap3A_147] {strides = array<i32>} : memref<256xi32, #tpu.memory_space<vmem>>, vector<16xi32>,
      tpu.vector_store %arg7[%swap3A_147], %broadcast_in_dim3A_35 {strides = array<i32>} : memref<256xi32, #tpu.memory_space<vmem>>, vector<16xi32>,
      %swap3A_149 = arith.constant 32 : index
      %swap3A_150 = tpu.vector_load %arg6[%swap3A_149] {strides = array<i32>} : memref<256xi32, #tpu.memory_space<vmem>>, vector<16xi32>,
      tpu.vector_store %arg6[%swap3A_149], %broadcast_in_dim3A_35 {strides = array<i32>} : memref<256xi32, #tpu.memory_space<vmem>>, vector<16xi32>,
      %swap3A_151 = arith.constant 32 : index
      %swap3A_152 = tpu.vector_load %arg7[%swap3A_151] {strides = array<i32>} : memref<256xi32, #tpu.memory_space<vmem>>, vector<16xi32>,
      tpu.vector_store %arg7[%swap3A_151], %broadcast_in_dim3A_35 {strides = array<i32>} : memref<256xi32, #tpu.memory_space<vmem>>, vector<16xi32>,
      %swap3A_153 = arith.constant 48 : index
      %swap3A_154 = tpu.vector_load %arg6[%swap3A_153] {strides = array<i32>} : memref<256xi32, #tpu.memory_space<vmem>>, vector<16xi32>,
      tpu.vector_store %arg6[%swap3A_153], %broadcast_in_dim3A_35 {strides = array<i32>} : memref<256xi32, #tpu.memory_space<vmem>>, vector<16xi32>,
      %swap3A_155 = arith.constant 48 : index
      %swap3A_156 = tpu.vector_load %arg7[%swap3A_155] {strides = array<i32>} : memref<256xi32, #tpu.memory_space<vmem>>, vector<16xi32>,
      tpu.vector_store %arg7[%swap3A_155], %broadcast_in_dim3A_35 {strides = array<i32>} : memref<256xi32, #tpu.memory_space<vmem>>, vector<16xi32>,
      %swap3A_157 = arith.constant 64 : index
      %swap3A_158 = tpu.vector_load %arg6[%swap3A_157] {strides = array<i32>} : memref<256xi32, #tpu.memory_space<vmem>>, vector<16xi32>,
      tpu.vector_store %arg6[%swap3A_157], %broadcast_in_dim3A_35 {strides = array<i32>} : memref<256xi32, #tpu.memory_space<vmem>>, vector<16xi32>,
      %swap3A_159 = arith.constant 64 : index
      %swap3A_160 = tpu.vector_load %arg7[%swap3A_159] {strides = array<i32>} : memref<256xi32, #tpu.memory_space<vmem>>, vector<16xi32>,
      tpu.vector_store %arg7[%swap3A_159], %broadcast_in_dim3A_35 {strides = array<i32>} : memref<256xi32, #tpu.memory_space<vmem>>, vector<16xi32>,
      %swap3A_161 = arith.constant 80 : index
      %swap3A_162 = tpu.vector_load %arg6[%swap3A_161] {strides = array<i32>} : memref<256xi32, #tpu.memory_space<vmem>>, vector<16xi32>,
      tpu.vector_store %arg6[%swap3A_161], %broadcast_in_dim3A_35 {strides = array<i32>} : memref<256xi32, #tpu.memory_space<vmem>>, vector<16xi32>,
      %swap3A_163 = arith.constant 80 : index
      %swap3A_164 = tpu.vector_load %arg7[%swap3A_163] {strides = array<i32>} : memref<256xi32, #tpu.memory_space<vmem>>, vector<16xi32>,
      tpu.vector_store %arg7[%swap3A_163], %broadcast_in_dim3A_35 {strides = array<i32>} : memref<256xi32, #tpu.memory_space<vmem>>, vector<16xi32>,
      %swap3A_165 = arith.constant 96 : index
      %swap3A_166 = tpu.vector_load %arg6[%swap3A_165] {strides = array<i32>} : memref<256xi32, #tpu.memory_space<vmem>>, vector<16xi32>,
      tpu.vector_store %arg6[%swap3A_165], %broadcast_in_dim3A_35 {strides = array<i32>} : memref<256xi32, #tpu.memory_space<vmem>>, vector<16xi32>,
      %swap3A_167 = arith.constant 96 : index
      %swap3A_168 = tpu.vector_load %arg7[%swap3A_167] {strides = array<i32>} : memref<256xi32, #tpu.memory_space<vmem>>, vector<16xi32>,
      tpu.vector_store %arg7[%swap3A_167], %broadcast_in_dim3A_35 {strides = array<i32>} : memref<256xi32, #tpu.memory_space<vmem>>, vector<16xi32>,
      %swap3A_169 = arith.constant 112 : index
      %swap3A_170 = tpu.vector_load %arg6[%swap3A_169] {strides = array<i32>} : memref<256xi32, #tpu.memory_space<vmem>>, vector<16xi32>,
      tpu.vector_store %arg6[%swap3A_169], %broadcast_in_dim3A_35 {strides = array<i32>} : memref<256xi32, #tpu.memory_space<vmem>>, vector<16xi32>,
      %swap3A_171 = arith.constant 112 : index
      %swap3A_172 = tpu.vector_load %arg7[%swap3A_171] {strides = array<i32>} : memref<256xi32, #tpu.memory_space<vmem>>, vector<16xi32>,
      tpu.vector_store %arg7[%swap3A_171], %broadcast_in_dim3A_35 {strides = array<i32>} : memref<256xi32, #tpu.memory_space<vmem>>, vector<16xi32>,
      %swap3A_173 = arith.constant 128 : index
      %swap3A_174 = tpu.vector_load %arg6[%swap3A_173] {strides = array<i32>} : memref<256xi32, #tpu.memory_space<vmem>>, vector<16xi32>,
      tpu.vector_store %arg6[%swap3A_173], %broadcast_in_dim3A_35 {strides = array<i32>} : memref<256xi32, #tpu.memory_space<vmem>>, vector<16xi32>,
      %swap3A_175 = arith.constant 128 : index
      %swap3A_176 = tpu.vector_load %arg7[%swap3A_175] {strides = array<i32>} : memref<256xi32, #tpu.memory_space<vmem>>, vector<16xi32>,
      tpu.vector_store %arg7[%swap3A_175], %broadcast_in_dim3A_35 {strides = array<i32>} : memref<256xi32, #tpu.memory_space<vmem>>, vector<16xi32>,
      %swap3A_177 = arith.constant 144 : index
      %swap3A_178 = tpu.vector_load %arg6[%swap3A_177] {strides = array<i32>} : memref<256xi32, #tpu.memory_space<vmem>>, vector<16xi32>,
      tpu.vector_store %arg6[%swap3A_177], %broadcast_in_dim3A_35 {strides = array<i32>} : memref<256xi32, #tpu.memory_space<vmem>>, vector<16xi32>,
      %swap3A_179 = arith.constant 144 : index
      %swap3A_180 = tpu.vector_load %arg7[%swap3A_179] {strides = array<i32>} : memref<256xi32, #tpu.memory_space<vmem>>, vector<16xi32>,
      tpu.vector_store %arg7[%swap3A_179], %broadcast_in_dim3A_35 {strides = array<i32>} : memref<256xi32, #tpu.memory_space<vmem>>, vector<16xi32>,
      %swap3A_181 = arith.constant 160 : index
      %swap3A_182 = tpu.vector_load %arg6[%swap3A_181] {strides = array<i32>} : memref<256xi32, #tpu.memory_space<vmem>>, vector<16xi32>,
      tpu.vector_store %arg6[%swap3A_181], %broadcast_in_dim3A_35 {strides = array<i32>} : memref<256xi32, #tpu.memory_space<vmem>>, vector<16xi32>,
      %swap3A_183 = arith.constant 160 : index
      %swap3A_184 = tpu.vector_load %arg7[%swap3A_183] {strides = array<i32>} : memref<256xi32, #tpu.memory_space<vmem>>, vector<16xi32>,
      tpu.vector_store %arg7[%swap3A_183], %broadcast_in_dim3A_35 {strides = array<i32>} : memref<256xi32, #tpu.memory_space<vmem>>, vector<16xi32>,
      %swap3A_185 = arith.constant 176 : index
      %swap3A_186 = tpu.vector_load %arg6[%swap3A_185] {strides = array<i32>} : memref<256xi32, #tpu.memory_space<vmem>>, vector<16xi32>,
      tpu.vector_store %arg6[%swap3A_185], %broadcast_in_dim3A_35 {strides = array<i32>} : memref<256xi32, #tpu.memory_space<vmem>>, vector<16xi32>,
      %swap3A_187 = arith.constant 176 : index
      %swap3A_188 = tpu.vector_load %arg7[%swap3A_187] {strides = array<i32>} : memref<256xi32, #tpu.memory_space<vmem>>, vector<16xi32>,
      tpu.vector_store %arg7[%swap3A_187], %broadcast_in_dim3A_35 {strides = array<i32>} : memref<256xi32, #tpu.memory_space<vmem>>, vector<16xi32>,
      %swap3A_189 = arith.constant 192 : index
      %swap3A_190 = tpu.vector_load %arg6[%swap3A_189] {strides = array<i32>} : memref<256xi32, #tpu.memory_space<vmem>>, vector<16xi32>,
      tpu.vector_store %arg6[%swap3A_189], %broadcast_in_dim3A_35 {strides = array<i32>} : memref<256xi32, #tpu.memory_space<vmem>>, vector<16xi32>,
      %swap3A_191 = arith.constant 192 : index
      %swap3A_192 = tpu.vector_load %arg7[%swap3A_191] {strides = array<i32>} : memref<256xi32, #tpu.memory_space<vmem>>, vector<16xi32>,
      tpu.vector_store %arg7[%swap3A_191], %broadcast_in_dim3A_35 {strides = array<i32>} : memref<256xi32, #tpu.memory_space<vmem>>, vector<16xi32>,
      %swap3A_193 = arith.constant 208 : index
      %swap3A_194 = tpu.vector_load %arg6[%swap3A_193] {strides = array<i32>} : memref<256xi32, #tpu.memory_space<vmem>>, vector<16xi32>,
      tpu.vector_store %arg6[%swap3A_193], %broadcast_in_dim3A_35 {strides = array<i32>} : memref<256xi32, #tpu.memory_space<vmem>>, vector<16xi32>,
      %swap3A_195 = arith.constant 208 : index
      %swap3A_196 = tpu.vector_load %arg7[%swap3A_195] {strides = array<i32>} : memref<256xi32, #tpu.memory_space<vmem>>, vector<16xi32>,
      tpu.vector_store %arg7[%swap3A_195], %broadcast_in_dim3A_35 {strides = array<i32>} : memref<256xi32, #tpu.memory_space<vmem>>, vector<16xi32>,
      %swap3A_197 = arith.constant 224 : index
      %swap3A_198 = tpu.vector_load %arg6[%swap3A_197] {strides = array<i32>} : memref<256xi32, #tpu.memory_space<vmem>>, vector<16xi32>,
      tpu.vector_store %arg6[%swap3A_197], %broadcast_in_dim3A_35 {strides = array<i32>} : memref<256xi32, #tpu.memory_space<vmem>>, vector<16xi32>,
      %swap3A_199 = arith.constant 224 : index
      %swap3A_200 = tpu.vector_load %arg7[%swap3A_199] {strides = array<i32>} : memref<256xi32, #tpu.memory_space<vmem>>, vector<16xi32>,
      tpu.vector_store %arg7[%swap3A_199], %broadcast_in_dim3A_35 {strides = array<i32>} : memref<256xi32, #tpu.memory_space<vmem>>, vector<16xi32>,
      %swap3A_201 = arith.constant 240 : index
      %swap3A_202 = tpu.vector_load %arg6[%swap3A_201] {strides = array<i32>} : memref<256xi32, #tpu.memory_space<vmem>>, vector<16xi32>,
      tpu.vector_store %arg6[%swap3A_201], %broadcast_in_dim3A_35 {strides = array<i32>} : memref<256xi32, #tpu.memory_space<vmem>>, vector<16xi32>,
      %swap3A_203 = arith.constant 240 : index
      %swap3A_204 = tpu.vector_load %arg7[%swap3A_203] {strides = array<i32>} : memref<256xi32, #tpu.memory_space<vmem>>, vector<16xi32>,
      tpu.vector_store %arg7[%swap3A_203], %broadcast_in_dim3A_35 {strides = array<i32>} : memref<256xi32, #tpu.memory_space<vmem>>, vector<16xi32>,
      %scan3A_205 = arith.constant 255 : i32
      %scan3A_206 = arith.constant 0 : i32
      %scan3A_207 = arith.constant 0 : i32
      %scan3A_208 = arith.constant 16 : i32
      %scan3A_209 = arith.addi %scan3A_207, %scan3A_208 : i32
      %scan3A_210 = arith.constant 1 : i32
      %scan3A_211 = scf.for %scan3A_368 = %scan3A_207 to %scan3A_209 step %scan3A_210 iter_args(%scan3A_369 = %scan3A_206) -> (i32)  : i32 {
        %mul3A_370 = arith.constant 128 : i32
        %mul3A_371 = arith.muli %scan3A_368, %mul3A_370 : i32
        %add3A_372 = arith.constant 0 : i32
        %add3A_373 = arith.addi %mul3A_371, %add3A_372 : i32
        %get3A = arith.index_cast %add3A_373 : i32 to index
        %get3A_374 = tpu.vector_load %arg5[%get3A] {strides = array<i32>} : memref<2048xi32, #tpu.memory_space<vmem>>, vector<16xi32>,
        %shift_right_logical3A = arith.constant 23 : i32
        %shift_right_logical3A_375 = vector.broadcast %shift_right_logical3A : i32 to vector<16xi32>
        %shift_right_logical3A_376 = arith.shrui %get3A_374, %shift_right_logical3A_375 : vector<16xi32>
        %eq3A_377 = vector.broadcast %scan3A_137#1 : i32 to vector<16xi32>
        %eq3A_378 = arith.cmpi eq, %shift_right_logical3A_376, %eq3A_377 : vector<16xi32>
        %shift_right_logical3A_379 = arith.constant 15 : i32
        %shift_right_logical3A_380 = vector.broadcast %shift_right_logical3A_379 : i32 to vector<16xi32>
        %shift_right_logical3A_381 = arith.shrui %get3A_374, %shift_right_logical3A_380 : vector<16xi32>
        %and3A_382 = vector.broadcast %scan3A_205 : i32 to vector<16xi32>
        %and3A_383 = arith.andi %shift_right_logical3A_381, %and3A_382 : vector<16xi32>
        tpu.vector_store_idx %arg6[%and3A_383], %broadcast_in_dim3A_33 masked %eq3A_378 {add = true} : memref<256xi32, #tpu.memory_space<vmem>>[vector<16xi32>], vector<16xi32>, vector<16xi1>
        %mul3A_384 = arith.constant 128 : i32
        %mul3A_385 = arith.muli %scan3A_368, %mul3A_384 : i32
        %add3A_386 = arith.constant 16 : i32
        %add3A_387 = arith.addi %mul3A_385, %add3A_386 : i32
        %get3A_388 = arith.index_cast %add3A_387 : i32 to index
        %get3A_389 = tpu.vector_load %arg5[%get3A_388] {strides = array<i32>} : memref<2048xi32, #tpu.memory_space<vmem>>, vector<16xi32>,
        %shift_right_logical3A_390 = arith.constant 23 : i32
        %shift_right_logical3A_391 = vector.broadcast %shift_right_logical3A_390 : i32 to vector<16xi32>
        %shift_right_logical3A_392 = arith.shrui %get3A_389, %shift_right_logical3A_391 : vector<16xi32>
        %eq3A_393 = vector.broadcast %scan3A_137#1 : i32 to vector<16xi32>
        %eq3A_394 = arith.cmpi eq, %shift_right_logical3A_392, %eq3A_393 : vector<16xi32>
        %shift_right_logical3A_395 = arith.constant 15 : i32
        %shift_right_logical3A_396 = vector.broadcast %shift_right_logical3A_395 : i32 to vector<16xi32>
        %shift_right_logical3A_397 = arith.shrui %get3A_389, %shift_right_logical3A_396 : vector<16xi32>
        %and3A_398 = vector.broadcast %scan3A_205 : i32 to vector<16xi32>
        %and3A_399 = arith.andi %shift_right_logical3A_397, %and3A_398 : vector<16xi32>
        tpu.vector_store_idx %arg7[%and3A_399], %broadcast_in_dim3A_33 masked %eq3A_394 {add = true} : memref<256xi32, #tpu.memory_space<vmem>>[vector<16xi32>], vector<16xi32>, vector<16xi1>
        %mul3A_400 = arith.constant 128 : i32
        %mul3A_401 = arith.muli %scan3A_368, %mul3A_400 : i32
        %add3A_402 = arith.constant 32 : i32
        %add3A_403 = arith.addi %mul3A_401, %add3A_402 : i32
        %get3A_404 = arith.index_cast %add3A_403 : i32 to index
        %get3A_405 = tpu.vector_load %arg5[%get3A_404] {strides = array<i32>} : memref<2048xi32, #tpu.memory_space<vmem>>, vector<16xi32>,
        %shift_right_logical3A_406 = arith.constant 23 : i32
        %shift_right_logical3A_407 = vector.broadcast %shift_right_logical3A_406 : i32 to vector<16xi32>
        %shift_right_logical3A_408 = arith.shrui %get3A_405, %shift_right_logical3A_407 : vector<16xi32>
        %eq3A_409 = vector.broadcast %scan3A_137#1 : i32 to vector<16xi32>
        %eq3A_410 = arith.cmpi eq, %shift_right_logical3A_408, %eq3A_409 : vector<16xi32>
        %shift_right_logical3A_411 = arith.constant 15 : i32
        %shift_right_logical3A_412 = vector.broadcast %shift_right_logical3A_411 : i32 to vector<16xi32>
        %shift_right_logical3A_413 = arith.shrui %get3A_405, %shift_right_logical3A_412 : vector<16xi32>
        %and3A_414 = vector.broadcast %scan3A_205 : i32 to vector<16xi32>
        %and3A_415 = arith.andi %shift_right_logical3A_413, %and3A_414 : vector<16xi32>
        tpu.vector_store_idx %arg6[%and3A_415], %broadcast_in_dim3A_33 masked %eq3A_410 {add = true} : memref<256xi32, #tpu.memory_space<vmem>>[vector<16xi32>], vector<16xi32>, vector<16xi1>
        %mul3A_416 = arith.constant 128 : i32
        %mul3A_417 = arith.muli %scan3A_368, %mul3A_416 : i32
        %add3A_418 = arith.constant 48 : i32
        %add3A_419 = arith.addi %mul3A_417, %add3A_418 : i32
        %get3A_420 = arith.index_cast %add3A_419 : i32 to index
        %get3A_421 = tpu.vector_load %arg5[%get3A_420] {strides = array<i32>} : memref<2048xi32, #tpu.memory_space<vmem>>, vector<16xi32>,
        %shift_right_logical3A_422 = arith.constant 23 : i32
        %shift_right_logical3A_423 = vector.broadcast %shift_right_logical3A_422 : i32 to vector<16xi32>
        %shift_right_logical3A_424 = arith.shrui %get3A_421, %shift_right_logical3A_423 : vector<16xi32>
        %eq3A_425 = vector.broadcast %scan3A_137#1 : i32 to vector<16xi32>
        %eq3A_426 = arith.cmpi eq, %shift_right_logical3A_424, %eq3A_425 : vector<16xi32>
        %shift_right_logical3A_427 = arith.constant 15 : i32
        %shift_right_logical3A_428 = vector.broadcast %shift_right_logical3A_427 : i32 to vector<16xi32>
        %shift_right_logical3A_429 = arith.shrui %get3A_421, %shift_right_logical3A_428 : vector<16xi32>
        %and3A_430 = vector.broadcast %scan3A_205 : i32 to vector<16xi32>
        %and3A_431 = arith.andi %shift_right_logical3A_429, %and3A_430 : vector<16xi32>
        tpu.vector_store_idx %arg7[%and3A_431], %broadcast_in_dim3A_33 masked %eq3A_426 {add = true} : memref<256xi32, #tpu.memory_space<vmem>>[vector<16xi32>], vector<16xi32>, vector<16xi1>
        %mul3A_432 = arith.constant 128 : i32
        %mul3A_433 = arith.muli %scan3A_368, %mul3A_432 : i32
        %add3A_434 = arith.constant 64 : i32
        %add3A_435 = arith.addi %mul3A_433, %add3A_434 : i32
        %get3A_436 = arith.index_cast %add3A_435 : i32 to index
        %get3A_437 = tpu.vector_load %arg5[%get3A_436] {strides = array<i32>} : memref<2048xi32, #tpu.memory_space<vmem>>, vector<16xi32>,
        %shift_right_logical3A_438 = arith.constant 23 : i32
        %shift_right_logical3A_439 = vector.broadcast %shift_right_logical3A_438 : i32 to vector<16xi32>
        %shift_right_logical3A_440 = arith.shrui %get3A_437, %shift_right_logical3A_439 : vector<16xi32>
        %eq3A_441 = vector.broadcast %scan3A_137#1 : i32 to vector<16xi32>
        %eq3A_442 = arith.cmpi eq, %shift_right_logical3A_440, %eq3A_441 : vector<16xi32>
        %shift_right_logical3A_443 = arith.constant 15 : i32
        %shift_right_logical3A_444 = vector.broadcast %shift_right_logical3A_443 : i32 to vector<16xi32>
        %shift_right_logical3A_445 = arith.shrui %get3A_437, %shift_right_logical3A_444 : vector<16xi32>
        %and3A_446 = vector.broadcast %scan3A_205 : i32 to vector<16xi32>
        %and3A_447 = arith.andi %shift_right_logical3A_445, %and3A_446 : vector<16xi32>
        tpu.vector_store_idx %arg6[%and3A_447], %broadcast_in_dim3A_33 masked %eq3A_442 {add = true} : memref<256xi32, #tpu.memory_space<vmem>>[vector<16xi32>], vector<16xi32>, vector<16xi1>
        %mul3A_448 = arith.constant 128 : i32
        %mul3A_449 = arith.muli %scan3A_368, %mul3A_448 : i32
        %add3A_450 = arith.constant 80 : i32
        %add3A_451 = arith.addi %mul3A_449, %add3A_450 : i32
        %get3A_452 = arith.index_cast %add3A_451 : i32 to index
        %get3A_453 = tpu.vector_load %arg5[%get3A_452] {strides = array<i32>} : memref<2048xi32, #tpu.memory_space<vmem>>, vector<16xi32>,
        %shift_right_logical3A_454 = arith.constant 23 : i32
        %shift_right_logical3A_455 = vector.broadcast %shift_right_logical3A_454 : i32 to vector<16xi32>
        %shift_right_logical3A_456 = arith.shrui %get3A_453, %shift_right_logical3A_455 : vector<16xi32>
        %eq3A_457 = vector.broadcast %scan3A_137#1 : i32 to vector<16xi32>
        %eq3A_458 = arith.cmpi eq, %shift_right_logical3A_456, %eq3A_457 : vector<16xi32>
        %shift_right_logical3A_459 = arith.constant 15 : i32
        %shift_right_logical3A_460 = vector.broadcast %shift_right_logical3A_459 : i32 to vector<16xi32>
        %shift_right_logical3A_461 = arith.shrui %get3A_453, %shift_right_logical3A_460 : vector<16xi32>
        %and3A_462 = vector.broadcast %scan3A_205 : i32 to vector<16xi32>
        %and3A_463 = arith.andi %shift_right_logical3A_461, %and3A_462 : vector<16xi32>
        tpu.vector_store_idx %arg7[%and3A_463], %broadcast_in_dim3A_33 masked %eq3A_458 {add = true} : memref<256xi32, #tpu.memory_space<vmem>>[vector<16xi32>], vector<16xi32>, vector<16xi1>
        %mul3A_464 = arith.constant 128 : i32
        %mul3A_465 = arith.muli %scan3A_368, %mul3A_464 : i32
        %add3A_466 = arith.constant 96 : i32
        %add3A_467 = arith.addi %mul3A_465, %add3A_466 : i32
        %get3A_468 = arith.index_cast %add3A_467 : i32 to index
        %get3A_469 = tpu.vector_load %arg5[%get3A_468] {strides = array<i32>} : memref<2048xi32, #tpu.memory_space<vmem>>, vector<16xi32>,
        %shift_right_logical3A_470 = arith.constant 23 : i32
        %shift_right_logical3A_471 = vector.broadcast %shift_right_logical3A_470 : i32 to vector<16xi32>
        %shift_right_logical3A_472 = arith.shrui %get3A_469, %shift_right_logical3A_471 : vector<16xi32>
        %eq3A_473 = vector.broadcast %scan3A_137#1 : i32 to vector<16xi32>
        %eq3A_474 = arith.cmpi eq, %shift_right_logical3A_472, %eq3A_473 : vector<16xi32>
        %shift_right_logical3A_475 = arith.constant 15 : i32
        %shift_right_logical3A_476 = vector.broadcast %shift_right_logical3A_475 : i32 to vector<16xi32>
        %shift_right_logical3A_477 = arith.shrui %get3A_469, %shift_right_logical3A_476 : vector<16xi32>
        %and3A_478 = vector.broadcast %scan3A_205 : i32 to vector<16xi32>
        %and3A_479 = arith.andi %shift_right_logical3A_477, %and3A_478 : vector<16xi32>
        tpu.vector_store_idx %arg6[%and3A_479], %broadcast_in_dim3A_33 masked %eq3A_474 {add = true} : memref<256xi32, #tpu.memory_space<vmem>>[vector<16xi32>], vector<16xi32>, vector<16xi1>
        %mul3A_480 = arith.constant 128 : i32
        %mul3A_481 = arith.muli %scan3A_368, %mul3A_480 : i32
        %add3A_482 = arith.constant 112 : i32
        %add3A_483 = arith.addi %mul3A_481, %add3A_482 : i32
        %get3A_484 = arith.index_cast %add3A_483 : i32 to index
        %get3A_485 = tpu.vector_load %arg5[%get3A_484] {strides = array<i32>} : memref<2048xi32, #tpu.memory_space<vmem>>, vector<16xi32>,
        %shift_right_logical3A_486 = arith.constant 23 : i32
        %shift_right_logical3A_487 = vector.broadcast %shift_right_logical3A_486 : i32 to vector<16xi32>
        %shift_right_logical3A_488 = arith.shrui %get3A_485, %shift_right_logical3A_487 : vector<16xi32>
        %eq3A_489 = vector.broadcast %scan3A_137#1 : i32 to vector<16xi32>
        %eq3A_490 = arith.cmpi eq, %shift_right_logical3A_488, %eq3A_489 : vector<16xi32>
        %shift_right_logical3A_491 = arith.constant 15 : i32
        %shift_right_logical3A_492 = vector.broadcast %shift_right_logical3A_491 : i32 to vector<16xi32>
        %shift_right_logical3A_493 = arith.shrui %get3A_485, %shift_right_logical3A_492 : vector<16xi32>
        %and3A_494 = vector.broadcast %scan3A_205 : i32 to vector<16xi32>
        %and3A_495 = arith.andi %shift_right_logical3A_493, %and3A_494 : vector<16xi32>
        tpu.vector_store_idx %arg7[%and3A_495], %broadcast_in_dim3A_33 masked %eq3A_490 {add = true} : memref<256xi32, #tpu.memory_space<vmem>>[vector<16xi32>], vector<16xi32>, vector<16xi1>
        %scan3A_496 = arith.constant 0 : i32
        scf.yield %scan3A_496 : i32
      }
      %scan3A_212 = arith.constant 16 : i32
      %scan3A_213 = arith.constant 0 : i32
      %scan3A_214 = arith.constant 0 : i32
      %scan3A_215 = arith.constant 0 : i32
      %scan3A_216 = arith.constant 0 : i32
      %scan3A_217 = arith.constant 16 : i32
      %scan3A_218 = arith.addi %scan3A_216, %scan3A_217 : i32
      %scan3A_219 = arith.constant 1 : i32
      %scan3A_220:3 = scf.for %scan3A_368 = %scan3A_216 to %scan3A_218 step %scan3A_219 iter_args(%scan3A_369 = %scan3A_213, %scan3A_370 = %scan3A_214, %scan3A_371 = %scan3A_215) -> (i32, i32, i32)  : i32 {
        %mul3A_372 = arith.constant 16 : i32
        %mul3A_373 = arith.muli %scan3A_368, %mul3A_372 : i32
        %get3A = arith.index_cast %mul3A_373 : i32 to index
        %get3A_374 = tpu.vector_load %arg6[%get3A] {strides = array<i32>} : memref<256xi32, #tpu.memory_space<vmem>>, vector<16xi32>,
        %mul3A_375 = arith.constant 16 : i32
        %mul3A_376 = arith.muli %scan3A_368, %mul3A_375 : i32
        %get3A_377 = arith.index_cast %mul3A_376 : i32 to index
        %get3A_378 = tpu.vector_load %arg7[%get3A_377] {strides = array<i32>} : memref<256xi32, #tpu.memory_space<vmem>>, vector<16xi32>,
        %add3A_379 = arith.addi %get3A_374, %get3A_378 : vector<16xi32>
        %broadcast_in_dim3A_380 = arith.constant true
        %broadcast_in_dim3A_381 = vector.broadcast %broadcast_in_dim3A_380 : i1 to vector<16xi1>
        %masked_cumsum3A = tpu.scan <sum>, %add3A_379 masked %broadcast_in_dim3A_381 : vector<16xi32>, vector<16xi1> -> vector<16xi32>
        %add3A_382 = vector.broadcast %scan3A_369 : i32 to vector<16xi32>
        %add3A_383 = arith.addi %masked_cumsum3A, %add3A_382 : vector<16xi32>
        %lt3A_384 = vector.broadcast %sub3A_140 : i32 to vector<16xi32>
        %lt3A_385 = arith.cmpi slt, %add3A_383, %lt3A_384 : vector<16xi32>
        %all_reduce_population_count3A = tpu.all_reduce %lt3A_385 {dim = 0 : i64, kind = #tpu.reduction_kind<sum>} : vector<16xi1> -> vector<16xi32>
        %reduce_max3A = arith.constant true
        %reduce_max3A_386 = vector.broadcast %reduce_max3A : i1 to vector<16xi1>
        %reduce_max3A_387 = arith.constant -2147483648 : i32
        %reduce_max3A_388 = vector.broadcast %reduce_max3A_387 : i32 to vector<16xi32>
        %reduce_max3A_389 = arith.xori %all_reduce_population_count3A, %reduce_max3A_388 : vector<16xi32>
        %reduce_max3A_390 = tpu.scan <max>, %reduce_max3A_389 masked %reduce_max3A_386 : vector<16xi32>, vector<16xi1> -> vector<16xi32>
        %reduce_max3A_391 = arith.xori %reduce_max3A_390, %reduce_max3A_388 : vector<16xi32>
        %reduce_max3A_392 = vector.extract %reduce_max3A_391[15] : i32 from vector<16xi32>
        %jit3A_393 = arith.constant 0 : i32
        %broadcast_in_dim3A_394 = vector.broadcast %jit3A_393 : i32 to vector<16xi32>
        %select_n3A_395 = arith.select %lt3A_385, %add3A_383, %broadcast_in_dim3A_394 : vector<16xi1>, vector<16xi32>
        %reduce_max3A_396 = arith.constant true
        %reduce_max3A_397 = vector.broadcast %reduce_max3A_396 : i1 to vector<16xi1>
        %reduce_max3A_398 = arith.constant -2147483648 : i32
        %reduce_max3A_399 = vector.broadcast %reduce_max3A_398 : i32 to vector<16xi32>
        %reduce_max3A_400 = arith.xori %select_n3A_395, %reduce_max3A_399 : vector<16xi32>
        %reduce_max3A_401 = tpu.scan <max>, %reduce_max3A_400 masked %reduce_max3A_397 : vector<16xi32>, vector<16xi1> -> vector<16xi32>
        %reduce_max3A_402 = arith.xori %reduce_max3A_401, %reduce_max3A_399 : vector<16xi32>
        %reduce_max3A_403 = vector.extract %reduce_max3A_402[15] : i32 from vector<16xi32>
        %reduce_max3A_404 = arith.constant true
        %reduce_max3A_405 = vector.broadcast %reduce_max3A_404 : i1 to vector<16xi1>
        %reduce_max3A_406 = arith.constant -2147483648 : i32
        %reduce_max3A_407 = vector.broadcast %reduce_max3A_406 : i32 to vector<16xi32>
        %reduce_max3A_408 = arith.xori %add3A_383, %reduce_max3A_407 : vector<16xi32>
        %reduce_max3A_409 = tpu.scan <max>, %reduce_max3A_408 masked %reduce_max3A_405 : vector<16xi32>, vector<16xi1> -> vector<16xi32>
        %reduce_max3A_410 = arith.xori %reduce_max3A_409, %reduce_max3A_407 : vector<16xi32>
        %reduce_max3A_411 = vector.extract %reduce_max3A_410[15] : i32 from vector<16xi32>
        %add3A_412 = arith.addi %scan3A_370, %reduce_max3A_392 : i32
        %max3A = arith.maxsi %scan3A_371, %reduce_max3A_403 : i32
        scf.yield %reduce_max3A_411, %add3A_412, %max3A : i32, i32, i32
      }
      %scan3A_221 = arith.constant 16 : i32
      %shift_left3A = arith.constant 8 : i32
      %shift_left3A_222 = arith.shli %scan3A_137#1, %shift_left3A : i32
      %or3A = arith.ori %shift_left3A_222, %scan3A_220#1 : i32
      %sub3A_223 = arith.subi %sub3A_140, %scan3A_220#2 : i32
      %swap3A_224 = arith.constant 0 : index
      %swap3A_225 = tpu.vector_load %arg6[%swap3A_224] {strides = array<i32>} : memref<256xi32, #tpu.memory_space<vmem>>, vector<16xi32>,
      tpu.vector_store %arg6[%swap3A_224], %broadcast_in_dim3A_35 {strides = array<i32>} : memref<256xi32, #tpu.memory_space<vmem>>, vector<16xi32>,
      %swap3A_226 = arith.constant 0 : index
      %swap3A_227 = tpu.vector_load %arg7[%swap3A_226] {strides = array<i32>} : memref<256xi32, #tpu.memory_space<vmem>>, vector<16xi32>,
      tpu.vector_store %arg7[%swap3A_226], %broadcast_in_dim3A_35 {strides = array<i32>} : memref<256xi32, #tpu.memory_space<vmem>>, vector<16xi32>,
      %swap3A_228 = arith.constant 16 : index
      %swap3A_229 = tpu.vector_load %arg6[%swap3A_228] {strides = array<i32>} : memref<256xi32, #tpu.memory_space<vmem>>, vector<16xi32>,
      tpu.vector_store %arg6[%swap3A_228], %broadcast_in_dim3A_35 {strides = array<i32>} : memref<256xi32, #tpu.memory_space<vmem>>, vector<16xi32>,
      %swap3A_230 = arith.constant 16 : index
      %swap3A_231 = tpu.vector_load %arg7[%swap3A_230] {strides = array<i32>} : memref<256xi32, #tpu.memory_space<vmem>>, vector<16xi32>,
      tpu.vector_store %arg7[%swap3A_230], %broadcast_in_dim3A_35 {strides = array<i32>} : memref<256xi32, #tpu.memory_space<vmem>>, vector<16xi32>,
      %swap3A_232 = arith.constant 32 : index
      %swap3A_233 = tpu.vector_load %arg6[%swap3A_232] {strides = array<i32>} : memref<256xi32, #tpu.memory_space<vmem>>, vector<16xi32>,
      tpu.vector_store %arg6[%swap3A_232], %broadcast_in_dim3A_35 {strides = array<i32>} : memref<256xi32, #tpu.memory_space<vmem>>, vector<16xi32>,
      %swap3A_234 = arith.constant 32 : index
      %swap3A_235 = tpu.vector_load %arg7[%swap3A_234] {strides = array<i32>} : memref<256xi32, #tpu.memory_space<vmem>>, vector<16xi32>,
      tpu.vector_store %arg7[%swap3A_234], %broadcast_in_dim3A_35 {strides = array<i32>} : memref<256xi32, #tpu.memory_space<vmem>>, vector<16xi32>,
      %swap3A_236 = arith.constant 48 : index
      %swap3A_237 = tpu.vector_load %arg6[%swap3A_236] {strides = array<i32>} : memref<256xi32, #tpu.memory_space<vmem>>, vector<16xi32>,
      tpu.vector_store %arg6[%swap3A_236], %broadcast_in_dim3A_35 {strides = array<i32>} : memref<256xi32, #tpu.memory_space<vmem>>, vector<16xi32>,
      %swap3A_238 = arith.constant 48 : index
      %swap3A_239 = tpu.vector_load %arg7[%swap3A_238] {strides = array<i32>} : memref<256xi32, #tpu.memory_space<vmem>>, vector<16xi32>,
      tpu.vector_store %arg7[%swap3A_238], %broadcast_in_dim3A_35 {strides = array<i32>} : memref<256xi32, #tpu.memory_space<vmem>>, vector<16xi32>,
      %swap3A_240 = arith.constant 64 : index
      %swap3A_241 = tpu.vector_load %arg6[%swap3A_240] {strides = array<i32>} : memref<256xi32, #tpu.memory_space<vmem>>, vector<16xi32>,
      tpu.vector_store %arg6[%swap3A_240], %broadcast_in_dim3A_35 {strides = array<i32>} : memref<256xi32, #tpu.memory_space<vmem>>, vector<16xi32>,
      %swap3A_242 = arith.constant 64 : index
      %swap3A_243 = tpu.vector_load %arg7[%swap3A_242] {strides = array<i32>} : memref<256xi32, #tpu.memory_space<vmem>>, vector<16xi32>,
      tpu.vector_store %arg7[%swap3A_242], %broadcast_in_dim3A_35 {strides = array<i32>} : memref<256xi32, #tpu.memory_space<vmem>>, vector<16xi32>,
      %swap3A_244 = arith.constant 80 : index
      %swap3A_245 = tpu.vector_load %arg6[%swap3A_244] {strides = array<i32>} : memref<256xi32, #tpu.memory_space<vmem>>, vector<16xi32>,
      tpu.vector_store %arg6[%swap3A_244], %broadcast_in_dim3A_35 {strides = array<i32>} : memref<256xi32, #tpu.memory_space<vmem>>, vector<16xi32>,
      %swap3A_246 = arith.constant 80 : index
      %swap3A_247 = tpu.vector_load %arg7[%swap3A_246] {strides = array<i32>} : memref<256xi32, #tpu.memory_space<vmem>>, vector<16xi32>,
      tpu.vector_store %arg7[%swap3A_246], %broadcast_in_dim3A_35 {strides = array<i32>} : memref<256xi32, #tpu.memory_space<vmem>>, vector<16xi32>,
      %swap3A_248 = arith.constant 96 : index
      %swap3A_249 = tpu.vector_load %arg6[%swap3A_248] {strides = array<i32>} : memref<256xi32, #tpu.memory_space<vmem>>, vector<16xi32>,
      tpu.vector_store %arg6[%swap3A_248], %broadcast_in_dim3A_35 {strides = array<i32>} : memref<256xi32, #tpu.memory_space<vmem>>, vector<16xi32>,
      %swap3A_250 = arith.constant 96 : index
      %swap3A_251 = tpu.vector_load %arg7[%swap3A_250] {strides = array<i32>} : memref<256xi32, #tpu.memory_space<vmem>>, vector<16xi32>,
      tpu.vector_store %arg7[%swap3A_250], %broadcast_in_dim3A_35 {strides = array<i32>} : memref<256xi32, #tpu.memory_space<vmem>>, vector<16xi32>,
      %swap3A_252 = arith.constant 112 : index
      %swap3A_253 = tpu.vector_load %arg6[%swap3A_252] {strides = array<i32>} : memref<256xi32, #tpu.memory_space<vmem>>, vector<16xi32>,
      tpu.vector_store %arg6[%swap3A_252], %broadcast_in_dim3A_35 {strides = array<i32>} : memref<256xi32, #tpu.memory_space<vmem>>, vector<16xi32>,
      %swap3A_254 = arith.constant 112 : index
      %swap3A_255 = tpu.vector_load %arg7[%swap3A_254] {strides = array<i32>} : memref<256xi32, #tpu.memory_space<vmem>>, vector<16xi32>,
      tpu.vector_store %arg7[%swap3A_254], %broadcast_in_dim3A_35 {strides = array<i32>} : memref<256xi32, #tpu.memory_space<vmem>>, vector<16xi32>,
      %swap3A_256 = arith.constant 128 : index
      %swap3A_257 = tpu.vector_load %arg6[%swap3A_256] {strides = array<i32>} : memref<256xi32, #tpu.memory_space<vmem>>, vector<16xi32>,
      tpu.vector_store %arg6[%swap3A_256], %broadcast_in_dim3A_35 {strides = array<i32>} : memref<256xi32, #tpu.memory_space<vmem>>, vector<16xi32>,
      %swap3A_258 = arith.constant 128 : index
      %swap3A_259 = tpu.vector_load %arg7[%swap3A_258] {strides = array<i32>} : memref<256xi32, #tpu.memory_space<vmem>>, vector<16xi32>,
      tpu.vector_store %arg7[%swap3A_258], %broadcast_in_dim3A_35 {strides = array<i32>} : memref<256xi32, #tpu.memory_space<vmem>>, vector<16xi32>,
      %swap3A_260 = arith.constant 144 : index
      %swap3A_261 = tpu.vector_load %arg6[%swap3A_260] {strides = array<i32>} : memref<256xi32, #tpu.memory_space<vmem>>, vector<16xi32>,
      tpu.vector_store %arg6[%swap3A_260], %broadcast_in_dim3A_35 {strides = array<i32>} : memref<256xi32, #tpu.memory_space<vmem>>, vector<16xi32>,
      %swap3A_262 = arith.constant 144 : index
      %swap3A_263 = tpu.vector_load %arg7[%swap3A_262] {strides = array<i32>} : memref<256xi32, #tpu.memory_space<vmem>>, vector<16xi32>,
      tpu.vector_store %arg7[%swap3A_262], %broadcast_in_dim3A_35 {strides = array<i32>} : memref<256xi32, #tpu.memory_space<vmem>>, vector<16xi32>,
      %swap3A_264 = arith.constant 160 : index
      %swap3A_265 = tpu.vector_load %arg6[%swap3A_264] {strides = array<i32>} : memref<256xi32, #tpu.memory_space<vmem>>, vector<16xi32>,
      tpu.vector_store %arg6[%swap3A_264], %broadcast_in_dim3A_35 {strides = array<i32>} : memref<256xi32, #tpu.memory_space<vmem>>, vector<16xi32>,
      %swap3A_266 = arith.constant 160 : index
      %swap3A_267 = tpu.vector_load %arg7[%swap3A_266] {strides = array<i32>} : memref<256xi32, #tpu.memory_space<vmem>>, vector<16xi32>,
      tpu.vector_store %arg7[%swap3A_266], %broadcast_in_dim3A_35 {strides = array<i32>} : memref<256xi32, #tpu.memory_space<vmem>>, vector<16xi32>,
      %swap3A_268 = arith.constant 176 : index
      %swap3A_269 = tpu.vector_load %arg6[%swap3A_268] {strides = array<i32>} : memref<256xi32, #tpu.memory_space<vmem>>, vector<16xi32>,
      tpu.vector_store %arg6[%swap3A_268], %broadcast_in_dim3A_35 {strides = array<i32>} : memref<256xi32, #tpu.memory_space<vmem>>, vector<16xi32>,
      %swap3A_270 = arith.constant 176 : index
      %swap3A_271 = tpu.vector_load %arg7[%swap3A_270] {strides = array<i32>} : memref<256xi32, #tpu.memory_space<vmem>>, vector<16xi32>,
      tpu.vector_store %arg7[%swap3A_270], %broadcast_in_dim3A_35 {strides = array<i32>} : memref<256xi32, #tpu.memory_space<vmem>>, vector<16xi32>,
      %swap3A_272 = arith.constant 192 : index
      %swap3A_273 = tpu.vector_load %arg6[%swap3A_272] {strides = array<i32>} : memref<256xi32, #tpu.memory_space<vmem>>, vector<16xi32>,
      tpu.vector_store %arg6[%swap3A_272], %broadcast_in_dim3A_35 {strides = array<i32>} : memref<256xi32, #tpu.memory_space<vmem>>, vector<16xi32>,
      %swap3A_274 = arith.constant 192 : index
      %swap3A_275 = tpu.vector_load %arg7[%swap3A_274] {strides = array<i32>} : memref<256xi32, #tpu.memory_space<vmem>>, vector<16xi32>,
      tpu.vector_store %arg7[%swap3A_274], %broadcast_in_dim3A_35 {strides = array<i32>} : memref<256xi32, #tpu.memory_space<vmem>>, vector<16xi32>,
      %swap3A_276 = arith.constant 208 : index
      %swap3A_277 = tpu.vector_load %arg6[%swap3A_276] {strides = array<i32>} : memref<256xi32, #tpu.memory_space<vmem>>, vector<16xi32>,
      tpu.vector_store %arg6[%swap3A_276], %broadcast_in_dim3A_35 {strides = array<i32>} : memref<256xi32, #tpu.memory_space<vmem>>, vector<16xi32>,
      %swap3A_278 = arith.constant 208 : index
      %swap3A_279 = tpu.vector_load %arg7[%swap3A_278] {strides = array<i32>} : memref<256xi32, #tpu.memory_space<vmem>>, vector<16xi32>,
      tpu.vector_store %arg7[%swap3A_278], %broadcast_in_dim3A_35 {strides = array<i32>} : memref<256xi32, #tpu.memory_space<vmem>>, vector<16xi32>,
      %swap3A_280 = arith.constant 224 : index
      %swap3A_281 = tpu.vector_load %arg6[%swap3A_280] {strides = array<i32>} : memref<256xi32, #tpu.memory_space<vmem>>, vector<16xi32>,
      tpu.vector_store %arg6[%swap3A_280], %broadcast_in_dim3A_35 {strides = array<i32>} : memref<256xi32, #tpu.memory_space<vmem>>, vector<16xi32>,
      %swap3A_282 = arith.constant 224 : index
      %swap3A_283 = tpu.vector_load %arg7[%swap3A_282] {strides = array<i32>} : memref<256xi32, #tpu.memory_space<vmem>>, vector<16xi32>,
      tpu.vector_store %arg7[%swap3A_282], %broadcast_in_dim3A_35 {strides = array<i32>} : memref<256xi32, #tpu.memory_space<vmem>>, vector<16xi32>,
      %swap3A_284 = arith.constant 240 : index
      %swap3A_285 = tpu.vector_load %arg6[%swap3A_284] {strides = array<i32>} : memref<256xi32, #tpu.memory_space<vmem>>, vector<16xi32>,
      tpu.vector_store %arg6[%swap3A_284], %broadcast_in_dim3A_35 {strides = array<i32>} : memref<256xi32, #tpu.memory_space<vmem>>, vector<16xi32>,
      %swap3A_286 = arith.constant 240 : index
      %swap3A_287 = tpu.vector_load %arg7[%swap3A_286] {strides = array<i32>} : memref<256xi32, #tpu.memory_space<vmem>>, vector<16xi32>,
      tpu.vector_store %arg7[%swap3A_286], %broadcast_in_dim3A_35 {strides = array<i32>} : memref<256xi32, #tpu.memory_space<vmem>>, vector<16xi32>,
      %scan3A_288 = arith.constant 255 : i32
      %scan3A_289 = arith.constant 0 : i32
      %scan3A_290 = arith.constant 0 : i32
      %scan3A_291 = arith.constant 16 : i32
      %scan3A_292 = arith.addi %scan3A_290, %scan3A_291 : i32
      %scan3A_293 = arith.constant 1 : i32
      %scan3A_294 = scf.for %scan3A_368 = %scan3A_290 to %scan3A_292 step %scan3A_293 iter_args(%scan3A_369 = %scan3A_289) -> (i32)  : i32 {
        %mul3A_370 = arith.constant 128 : i32
        %mul3A_371 = arith.muli %scan3A_368, %mul3A_370 : i32
        %add3A_372 = arith.constant 0 : i32
        %add3A_373 = arith.addi %mul3A_371, %add3A_372 : i32
        %get3A = arith.index_cast %add3A_373 : i32 to index
        %get3A_374 = tpu.vector_load %arg5[%get3A] {strides = array<i32>} : memref<2048xi32, #tpu.memory_space<vmem>>, vector<16xi32>,
        %shift_right_logical3A = arith.constant 15 : i32
        %shift_right_logical3A_375 = vector.broadcast %shift_right_logical3A : i32 to vector<16xi32>
        %shift_right_logical3A_376 = arith.shrui %get3A_374, %shift_right_logical3A_375 : vector<16xi32>
        %eq3A_377 = vector.broadcast %or3A : i32 to vector<16xi32>
        %eq3A_378 = arith.cmpi eq, %shift_right_logical3A_376, %eq3A_377 : vector<16xi32>
        %shift_right_logical3A_379 = arith.constant 7 : i32
        %shift_right_logical3A_380 = vector.broadcast %shift_right_logical3A_379 : i32 to vector<16xi32>
        %shift_right_logical3A_381 = arith.shrui %get3A_374, %shift_right_logical3A_380 : vector<16xi32>
        %and3A_382 = vector.broadcast %scan3A_288 : i32 to vector<16xi32>
        %and3A_383 = arith.andi %shift_right_logical3A_381, %and3A_382 : vector<16xi32>
        tpu.vector_store_idx %arg6[%and3A_383], %broadcast_in_dim3A_33 masked %eq3A_378 {add = true} : memref<256xi32, #tpu.memory_space<vmem>>[vector<16xi32>], vector<16xi32>, vector<16xi1>
        %mul3A_384 = arith.constant 128 : i32
        %mul3A_385 = arith.muli %scan3A_368, %mul3A_384 : i32
        %add3A_386 = arith.constant 16 : i32
        %add3A_387 = arith.addi %mul3A_385, %add3A_386 : i32
        %get3A_388 = arith.index_cast %add3A_387 : i32 to index
        %get3A_389 = tpu.vector_load %arg5[%get3A_388] {strides = array<i32>} : memref<2048xi32, #tpu.memory_space<vmem>>, vector<16xi32>,
        %shift_right_logical3A_390 = arith.constant 15 : i32
        %shift_right_logical3A_391 = vector.broadcast %shift_right_logical3A_390 : i32 to vector<16xi32>
        %shift_right_logical3A_392 = arith.shrui %get3A_389, %shift_right_logical3A_391 : vector<16xi32>
        %eq3A_393 = vector.broadcast %or3A : i32 to vector<16xi32>
        %eq3A_394 = arith.cmpi eq, %shift_right_logical3A_392, %eq3A_393 : vector<16xi32>
        %shift_right_logical3A_395 = arith.constant 7 : i32
        %shift_right_logical3A_396 = vector.broadcast %shift_right_logical3A_395 : i32 to vector<16xi32>
        %shift_right_logical3A_397 = arith.shrui %get3A_389, %shift_right_logical3A_396 : vector<16xi32>
        %and3A_398 = vector.broadcast %scan3A_288 : i32 to vector<16xi32>
        %and3A_399 = arith.andi %shift_right_logical3A_397, %and3A_398 : vector<16xi32>
        tpu.vector_store_idx %arg7[%and3A_399], %broadcast_in_dim3A_33 masked %eq3A_394 {add = true} : memref<256xi32, #tpu.memory_space<vmem>>[vector<16xi32>], vector<16xi32>, vector<16xi1>
        %mul3A_400 = arith.constant 128 : i32
        %mul3A_401 = arith.muli %scan3A_368, %mul3A_400 : i32
        %add3A_402 = arith.constant 32 : i32
        %add3A_403 = arith.addi %mul3A_401, %add3A_402 : i32
        %get3A_404 = arith.index_cast %add3A_403 : i32 to index
        %get3A_405 = tpu.vector_load %arg5[%get3A_404] {strides = array<i32>} : memref<2048xi32, #tpu.memory_space<vmem>>, vector<16xi32>,
        %shift_right_logical3A_406 = arith.constant 15 : i32
        %shift_right_logical3A_407 = vector.broadcast %shift_right_logical3A_406 : i32 to vector<16xi32>
        %shift_right_logical3A_408 = arith.shrui %get3A_405, %shift_right_logical3A_407 : vector<16xi32>
        %eq3A_409 = vector.broadcast %or3A : i32 to vector<16xi32>
        %eq3A_410 = arith.cmpi eq, %shift_right_logical3A_408, %eq3A_409 : vector<16xi32>
        %shift_right_logical3A_411 = arith.constant 7 : i32
        %shift_right_logical3A_412 = vector.broadcast %shift_right_logical3A_411 : i32 to vector<16xi32>
        %shift_right_logical3A_413 = arith.shrui %get3A_405, %shift_right_logical3A_412 : vector<16xi32>
        %and3A_414 = vector.broadcast %scan3A_288 : i32 to vector<16xi32>
        %and3A_415 = arith.andi %shift_right_logical3A_413, %and3A_414 : vector<16xi32>
        tpu.vector_store_idx %arg6[%and3A_415], %broadcast_in_dim3A_33 masked %eq3A_410 {add = true} : memref<256xi32, #tpu.memory_space<vmem>>[vector<16xi32>], vector<16xi32>, vector<16xi1>
        %mul3A_416 = arith.constant 128 : i32
        %mul3A_417 = arith.muli %scan3A_368, %mul3A_416 : i32
        %add3A_418 = arith.constant 48 : i32
        %add3A_419 = arith.addi %mul3A_417, %add3A_418 : i32
        %get3A_420 = arith.index_cast %add3A_419 : i32 to index
        %get3A_421 = tpu.vector_load %arg5[%get3A_420] {strides = array<i32>} : memref<2048xi32, #tpu.memory_space<vmem>>, vector<16xi32>,
        %shift_right_logical3A_422 = arith.constant 15 : i32
        %shift_right_logical3A_423 = vector.broadcast %shift_right_logical3A_422 : i32 to vector<16xi32>
        %shift_right_logical3A_424 = arith.shrui %get3A_421, %shift_right_logical3A_423 : vector<16xi32>
        %eq3A_425 = vector.broadcast %or3A : i32 to vector<16xi32>
        %eq3A_426 = arith.cmpi eq, %shift_right_logical3A_424, %eq3A_425 : vector<16xi32>
        %shift_right_logical3A_427 = arith.constant 7 : i32
        %shift_right_logical3A_428 = vector.broadcast %shift_right_logical3A_427 : i32 to vector<16xi32>
        %shift_right_logical3A_429 = arith.shrui %get3A_421, %shift_right_logical3A_428 : vector<16xi32>
        %and3A_430 = vector.broadcast %scan3A_288 : i32 to vector<16xi32>
        %and3A_431 = arith.andi %shift_right_logical3A_429, %and3A_430 : vector<16xi32>
        tpu.vector_store_idx %arg7[%and3A_431], %broadcast_in_dim3A_33 masked %eq3A_426 {add = true} : memref<256xi32, #tpu.memory_space<vmem>>[vector<16xi32>], vector<16xi32>, vector<16xi1>
        %mul3A_432 = arith.constant 128 : i32
        %mul3A_433 = arith.muli %scan3A_368, %mul3A_432 : i32
        %add3A_434 = arith.constant 64 : i32
        %add3A_435 = arith.addi %mul3A_433, %add3A_434 : i32
        %get3A_436 = arith.index_cast %add3A_435 : i32 to index
        %get3A_437 = tpu.vector_load %arg5[%get3A_436] {strides = array<i32>} : memref<2048xi32, #tpu.memory_space<vmem>>, vector<16xi32>,
        %shift_right_logical3A_438 = arith.constant 15 : i32
        %shift_right_logical3A_439 = vector.broadcast %shift_right_logical3A_438 : i32 to vector<16xi32>
        %shift_right_logical3A_440 = arith.shrui %get3A_437, %shift_right_logical3A_439 : vector<16xi32>
        %eq3A_441 = vector.broadcast %or3A : i32 to vector<16xi32>
        %eq3A_442 = arith.cmpi eq, %shift_right_logical3A_440, %eq3A_441 : vector<16xi32>
        %shift_right_logical3A_443 = arith.constant 7 : i32
        %shift_right_logical3A_444 = vector.broadcast %shift_right_logical3A_443 : i32 to vector<16xi32>
        %shift_right_logical3A_445 = arith.shrui %get3A_437, %shift_right_logical3A_444 : vector<16xi32>
        %and3A_446 = vector.broadcast %scan3A_288 : i32 to vector<16xi32>
        %and3A_447 = arith.andi %shift_right_logical3A_445, %and3A_446 : vector<16xi32>
        tpu.vector_store_idx %arg6[%and3A_447], %broadcast_in_dim3A_33 masked %eq3A_442 {add = true} : memref<256xi32, #tpu.memory_space<vmem>>[vector<16xi32>], vector<16xi32>, vector<16xi1>
        %mul3A_448 = arith.constant 128 : i32
        %mul3A_449 = arith.muli %scan3A_368, %mul3A_448 : i32
        %add3A_450 = arith.constant 80 : i32
        %add3A_451 = arith.addi %mul3A_449, %add3A_450 : i32
        %get3A_452 = arith.index_cast %add3A_451 : i32 to index
        %get3A_453 = tpu.vector_load %arg5[%get3A_452] {strides = array<i32>} : memref<2048xi32, #tpu.memory_space<vmem>>, vector<16xi32>,
        %shift_right_logical3A_454 = arith.constant 15 : i32
        %shift_right_logical3A_455 = vector.broadcast %shift_right_logical3A_454 : i32 to vector<16xi32>
        %shift_right_logical3A_456 = arith.shrui %get3A_453, %shift_right_logical3A_455 : vector<16xi32>
        %eq3A_457 = vector.broadcast %or3A : i32 to vector<16xi32>
        %eq3A_458 = arith.cmpi eq, %shift_right_logical3A_456, %eq3A_457 : vector<16xi32>
        %shift_right_logical3A_459 = arith.constant 7 : i32
        %shift_right_logical3A_460 = vector.broadcast %shift_right_logical3A_459 : i32 to vector<16xi32>
        %shift_right_logical3A_461 = arith.shrui %get3A_453, %shift_right_logical3A_460 : vector<16xi32>
        %and3A_462 = vector.broadcast %scan3A_288 : i32 to vector<16xi32>
        %and3A_463 = arith.andi %shift_right_logical3A_461, %and3A_462 : vector<16xi32>
        tpu.vector_store_idx %arg7[%and3A_463], %broadcast_in_dim3A_33 masked %eq3A_458 {add = true} : memref<256xi32, #tpu.memory_space<vmem>>[vector<16xi32>], vector<16xi32>, vector<16xi1>
        %mul3A_464 = arith.constant 128 : i32
        %mul3A_465 = arith.muli %scan3A_368, %mul3A_464 : i32
        %add3A_466 = arith.constant 96 : i32
        %add3A_467 = arith.addi %mul3A_465, %add3A_466 : i32
        %get3A_468 = arith.index_cast %add3A_467 : i32 to index
        %get3A_469 = tpu.vector_load %arg5[%get3A_468] {strides = array<i32>} : memref<2048xi32, #tpu.memory_space<vmem>>, vector<16xi32>,
        %shift_right_logical3A_470 = arith.constant 15 : i32
        %shift_right_logical3A_471 = vector.broadcast %shift_right_logical3A_470 : i32 to vector<16xi32>
        %shift_right_logical3A_472 = arith.shrui %get3A_469, %shift_right_logical3A_471 : vector<16xi32>
        %eq3A_473 = vector.broadcast %or3A : i32 to vector<16xi32>
        %eq3A_474 = arith.cmpi eq, %shift_right_logical3A_472, %eq3A_473 : vector<16xi32>
        %shift_right_logical3A_475 = arith.constant 7 : i32
        %shift_right_logical3A_476 = vector.broadcast %shift_right_logical3A_475 : i32 to vector<16xi32>
        %shift_right_logical3A_477 = arith.shrui %get3A_469, %shift_right_logical3A_476 : vector<16xi32>
        %and3A_478 = vector.broadcast %scan3A_288 : i32 to vector<16xi32>
        %and3A_479 = arith.andi %shift_right_logical3A_477, %and3A_478 : vector<16xi32>
        tpu.vector_store_idx %arg6[%and3A_479], %broadcast_in_dim3A_33 masked %eq3A_474 {add = true} : memref<256xi32, #tpu.memory_space<vmem>>[vector<16xi32>], vector<16xi32>, vector<16xi1>
        %mul3A_480 = arith.constant 128 : i32
        %mul3A_481 = arith.muli %scan3A_368, %mul3A_480 : i32
        %add3A_482 = arith.constant 112 : i32
        %add3A_483 = arith.addi %mul3A_481, %add3A_482 : i32
        %get3A_484 = arith.index_cast %add3A_483 : i32 to index
        %get3A_485 = tpu.vector_load %arg5[%get3A_484] {strides = array<i32>} : memref<2048xi32, #tpu.memory_space<vmem>>, vector<16xi32>,
        %shift_right_logical3A_486 = arith.constant 15 : i32
        %shift_right_logical3A_487 = vector.broadcast %shift_right_logical3A_486 : i32 to vector<16xi32>
        %shift_right_logical3A_488 = arith.shrui %get3A_485, %shift_right_logical3A_487 : vector<16xi32>
        %eq3A_489 = vector.broadcast %or3A : i32 to vector<16xi32>
        %eq3A_490 = arith.cmpi eq, %shift_right_logical3A_488, %eq3A_489 : vector<16xi32>
        %shift_right_logical3A_491 = arith.constant 7 : i32
        %shift_right_logical3A_492 = vector.broadcast %shift_right_logical3A_491 : i32 to vector<16xi32>
        %shift_right_logical3A_493 = arith.shrui %get3A_485, %shift_right_logical3A_492 : vector<16xi32>
        %and3A_494 = vector.broadcast %scan3A_288 : i32 to vector<16xi32>
        %and3A_495 = arith.andi %shift_right_logical3A_493, %and3A_494 : vector<16xi32>
        tpu.vector_store_idx %arg7[%and3A_495], %broadcast_in_dim3A_33 masked %eq3A_490 {add = true} : memref<256xi32, #tpu.memory_space<vmem>>[vector<16xi32>], vector<16xi32>, vector<16xi1>
        %scan3A_496 = arith.constant 0 : i32
        scf.yield %scan3A_496 : i32
      }
      %scan3A_295 = arith.constant 16 : i32
      %scan3A_296 = arith.constant 0 : i32
      %scan3A_297 = arith.constant 0 : i32
      %scan3A_298 = arith.constant 0 : i32
      %scan3A_299 = arith.constant 0 : i32
      %scan3A_300 = arith.constant 16 : i32
      %scan3A_301 = arith.addi %scan3A_299, %scan3A_300 : i32
      %scan3A_302 = arith.constant 1 : i32
      %scan3A_303:3 = scf.for %scan3A_368 = %scan3A_299 to %scan3A_301 step %scan3A_302 iter_args(%scan3A_369 = %scan3A_296, %scan3A_370 = %scan3A_297, %scan3A_371 = %scan3A_298) -> (i32, i32, i32)  : i32 {
        %mul3A_372 = arith.constant 16 : i32
        %mul3A_373 = arith.muli %scan3A_368, %mul3A_372 : i32
        %get3A = arith.index_cast %mul3A_373 : i32 to index
        %get3A_374 = tpu.vector_load %arg6[%get3A] {strides = array<i32>} : memref<256xi32, #tpu.memory_space<vmem>>, vector<16xi32>,
        %mul3A_375 = arith.constant 16 : i32
        %mul3A_376 = arith.muli %scan3A_368, %mul3A_375 : i32
        %get3A_377 = arith.index_cast %mul3A_376 : i32 to index
        %get3A_378 = tpu.vector_load %arg7[%get3A_377] {strides = array<i32>} : memref<256xi32, #tpu.memory_space<vmem>>, vector<16xi32>,
        %add3A_379 = arith.addi %get3A_374, %get3A_378 : vector<16xi32>
        %broadcast_in_dim3A_380 = arith.constant true
        %broadcast_in_dim3A_381 = vector.broadcast %broadcast_in_dim3A_380 : i1 to vector<16xi1>
        %masked_cumsum3A = tpu.scan <sum>, %add3A_379 masked %broadcast_in_dim3A_381 : vector<16xi32>, vector<16xi1> -> vector<16xi32>
        %add3A_382 = vector.broadcast %scan3A_369 : i32 to vector<16xi32>
        %add3A_383 = arith.addi %masked_cumsum3A, %add3A_382 : vector<16xi32>
        %lt3A_384 = vector.broadcast %sub3A_223 : i32 to vector<16xi32>
        %lt3A_385 = arith.cmpi slt, %add3A_383, %lt3A_384 : vector<16xi32>
        %all_reduce_population_count3A = tpu.all_reduce %lt3A_385 {dim = 0 : i64, kind = #tpu.reduction_kind<sum>} : vector<16xi1> -> vector<16xi32>
        %reduce_max3A = arith.constant true
        %reduce_max3A_386 = vector.broadcast %reduce_max3A : i1 to vector<16xi1>
        %reduce_max3A_387 = arith.constant -2147483648 : i32
        %reduce_max3A_388 = vector.broadcast %reduce_max3A_387 : i32 to vector<16xi32>
        %reduce_max3A_389 = arith.xori %all_reduce_population_count3A, %reduce_max3A_388 : vector<16xi32>
        %reduce_max3A_390 = tpu.scan <max>, %reduce_max3A_389 masked %reduce_max3A_386 : vector<16xi32>, vector<16xi1> -> vector<16xi32>
        %reduce_max3A_391 = arith.xori %reduce_max3A_390, %reduce_max3A_388 : vector<16xi32>
        %reduce_max3A_392 = vector.extract %reduce_max3A_391[15] : i32 from vector<16xi32>
        %jit3A_393 = arith.constant 0 : i32
        %broadcast_in_dim3A_394 = vector.broadcast %jit3A_393 : i32 to vector<16xi32>
        %select_n3A_395 = arith.select %lt3A_385, %add3A_383, %broadcast_in_dim3A_394 : vector<16xi1>, vector<16xi32>
        %reduce_max3A_396 = arith.constant true
        %reduce_max3A_397 = vector.broadcast %reduce_max3A_396 : i1 to vector<16xi1>
        %reduce_max3A_398 = arith.constant -2147483648 : i32
        %reduce_max3A_399 = vector.broadcast %reduce_max3A_398 : i32 to vector<16xi32>
        %reduce_max3A_400 = arith.xori %select_n3A_395, %reduce_max3A_399 : vector<16xi32>
        %reduce_max3A_401 = tpu.scan <max>, %reduce_max3A_400 masked %reduce_max3A_397 : vector<16xi32>, vector<16xi1> -> vector<16xi32>
        %reduce_max3A_402 = arith.xori %reduce_max3A_401, %reduce_max3A_399 : vector<16xi32>
        %reduce_max3A_403 = vector.extract %reduce_max3A_402[15] : i32 from vector<16xi32>
        %reduce_max3A_404 = arith.constant true
        %reduce_max3A_405 = vector.broadcast %reduce_max3A_404 : i1 to vector<16xi1>
        %reduce_max3A_406 = arith.constant -2147483648 : i32
        %reduce_max3A_407 = vector.broadcast %reduce_max3A_406 : i32 to vector<16xi32>
        %reduce_max3A_408 = arith.xori %add3A_383, %reduce_max3A_407 : vector<16xi32>
        %reduce_max3A_409 = tpu.scan <max>, %reduce_max3A_408 masked %reduce_max3A_405 : vector<16xi32>, vector<16xi1> -> vector<16xi32>
        %reduce_max3A_410 = arith.xori %reduce_max3A_409, %reduce_max3A_407 : vector<16xi32>
        %reduce_max3A_411 = vector.extract %reduce_max3A_410[15] : i32 from vector<16xi32>
        %add3A_412 = arith.addi %scan3A_370, %reduce_max3A_392 : i32
        %max3A = arith.maxsi %scan3A_371, %reduce_max3A_403 : i32
        scf.yield %reduce_max3A_411, %add3A_412, %max3A : i32, i32, i32
      }
      %scan3A_304 = arith.constant 16 : i32
      %shift_left3A_305 = arith.constant 8 : i32
      %shift_left3A_306 = arith.shli %or3A, %shift_left3A_305 : i32
      %or3A_307 = arith.ori %shift_left3A_306, %scan3A_303#1 : i32
      %sub3A_308 = arith.subi %sub3A_223, %scan3A_303#2 : i32
      %swap3A_309 = arith.constant 0 : index
      %swap3A_310 = tpu.vector_load %arg6[%swap3A_309] {strides = array<i32>} : memref<256xi32, #tpu.memory_space<vmem>>, vector<16xi32>,
      tpu.vector_store %arg6[%swap3A_309], %broadcast_in_dim3A_35 {strides = array<i32>} : memref<256xi32, #tpu.memory_space<vmem>>, vector<16xi32>,
      %swap3A_311 = arith.constant 0 : index
      %swap3A_312 = tpu.vector_load %arg7[%swap3A_311] {strides = array<i32>} : memref<256xi32, #tpu.memory_space<vmem>>, vector<16xi32>,
      tpu.vector_store %arg7[%swap3A_311], %broadcast_in_dim3A_35 {strides = array<i32>} : memref<256xi32, #tpu.memory_space<vmem>>, vector<16xi32>,
      %swap3A_313 = arith.constant 16 : index
      %swap3A_314 = tpu.vector_load %arg6[%swap3A_313] {strides = array<i32>} : memref<256xi32, #tpu.memory_space<vmem>>, vector<16xi32>,
      tpu.vector_store %arg6[%swap3A_313], %broadcast_in_dim3A_35 {strides = array<i32>} : memref<256xi32, #tpu.memory_space<vmem>>, vector<16xi32>,
      %swap3A_315 = arith.constant 16 : index
      %swap3A_316 = tpu.vector_load %arg7[%swap3A_315] {strides = array<i32>} : memref<256xi32, #tpu.memory_space<vmem>>, vector<16xi32>,
      tpu.vector_store %arg7[%swap3A_315], %broadcast_in_dim3A_35 {strides = array<i32>} : memref<256xi32, #tpu.memory_space<vmem>>, vector<16xi32>,
      %swap3A_317 = arith.constant 32 : index
      %swap3A_318 = tpu.vector_load %arg6[%swap3A_317] {strides = array<i32>} : memref<256xi32, #tpu.memory_space<vmem>>, vector<16xi32>,
      tpu.vector_store %arg6[%swap3A_317], %broadcast_in_dim3A_35 {strides = array<i32>} : memref<256xi32, #tpu.memory_space<vmem>>, vector<16xi32>,
      %swap3A_319 = arith.constant 32 : index
      %swap3A_320 = tpu.vector_load %arg7[%swap3A_319] {strides = array<i32>} : memref<256xi32, #tpu.memory_space<vmem>>, vector<16xi32>,
      tpu.vector_store %arg7[%swap3A_319], %broadcast_in_dim3A_35 {strides = array<i32>} : memref<256xi32, #tpu.memory_space<vmem>>, vector<16xi32>,
      %swap3A_321 = arith.constant 48 : index
      %swap3A_322 = tpu.vector_load %arg6[%swap3A_321] {strides = array<i32>} : memref<256xi32, #tpu.memory_space<vmem>>, vector<16xi32>,
      tpu.vector_store %arg6[%swap3A_321], %broadcast_in_dim3A_35 {strides = array<i32>} : memref<256xi32, #tpu.memory_space<vmem>>, vector<16xi32>,
      %swap3A_323 = arith.constant 48 : index
      %swap3A_324 = tpu.vector_load %arg7[%swap3A_323] {strides = array<i32>} : memref<256xi32, #tpu.memory_space<vmem>>, vector<16xi32>,
      tpu.vector_store %arg7[%swap3A_323], %broadcast_in_dim3A_35 {strides = array<i32>} : memref<256xi32, #tpu.memory_space<vmem>>, vector<16xi32>,
      %swap3A_325 = arith.constant 64 : index
      %swap3A_326 = tpu.vector_load %arg6[%swap3A_325] {strides = array<i32>} : memref<256xi32, #tpu.memory_space<vmem>>, vector<16xi32>,
      tpu.vector_store %arg6[%swap3A_325], %broadcast_in_dim3A_35 {strides = array<i32>} : memref<256xi32, #tpu.memory_space<vmem>>, vector<16xi32>,
      %swap3A_327 = arith.constant 64 : index
      %swap3A_328 = tpu.vector_load %arg7[%swap3A_327] {strides = array<i32>} : memref<256xi32, #tpu.memory_space<vmem>>, vector<16xi32>,
      tpu.vector_store %arg7[%swap3A_327], %broadcast_in_dim3A_35 {strides = array<i32>} : memref<256xi32, #tpu.memory_space<vmem>>, vector<16xi32>,
      %swap3A_329 = arith.constant 80 : index
      %swap3A_330 = tpu.vector_load %arg6[%swap3A_329] {strides = array<i32>} : memref<256xi32, #tpu.memory_space<vmem>>, vector<16xi32>,
      tpu.vector_store %arg6[%swap3A_329], %broadcast_in_dim3A_35 {strides = array<i32>} : memref<256xi32, #tpu.memory_space<vmem>>, vector<16xi32>,
      %swap3A_331 = arith.constant 80 : index
      %swap3A_332 = tpu.vector_load %arg7[%swap3A_331] {strides = array<i32>} : memref<256xi32, #tpu.memory_space<vmem>>, vector<16xi32>,
      tpu.vector_store %arg7[%swap3A_331], %broadcast_in_dim3A_35 {strides = array<i32>} : memref<256xi32, #tpu.memory_space<vmem>>, vector<16xi32>,
      %swap3A_333 = arith.constant 96 : index
      %swap3A_334 = tpu.vector_load %arg6[%swap3A_333] {strides = array<i32>} : memref<256xi32, #tpu.memory_space<vmem>>, vector<16xi32>,
      tpu.vector_store %arg6[%swap3A_333], %broadcast_in_dim3A_35 {strides = array<i32>} : memref<256xi32, #tpu.memory_space<vmem>>, vector<16xi32>,
      %swap3A_335 = arith.constant 96 : index
      %swap3A_336 = tpu.vector_load %arg7[%swap3A_335] {strides = array<i32>} : memref<256xi32, #tpu.memory_space<vmem>>, vector<16xi32>,
      tpu.vector_store %arg7[%swap3A_335], %broadcast_in_dim3A_35 {strides = array<i32>} : memref<256xi32, #tpu.memory_space<vmem>>, vector<16xi32>,
      %swap3A_337 = arith.constant 112 : index
      %swap3A_338 = tpu.vector_load %arg6[%swap3A_337] {strides = array<i32>} : memref<256xi32, #tpu.memory_space<vmem>>, vector<16xi32>,
      tpu.vector_store %arg6[%swap3A_337], %broadcast_in_dim3A_35 {strides = array<i32>} : memref<256xi32, #tpu.memory_space<vmem>>, vector<16xi32>,
      %swap3A_339 = arith.constant 112 : index
      %swap3A_340 = tpu.vector_load %arg7[%swap3A_339] {strides = array<i32>} : memref<256xi32, #tpu.memory_space<vmem>>, vector<16xi32>,
      tpu.vector_store %arg7[%swap3A_339], %broadcast_in_dim3A_35 {strides = array<i32>} : memref<256xi32, #tpu.memory_space<vmem>>, vector<16xi32>,
      %scan3A_341 = arith.constant 127 : i32
      %scan3A_342 = arith.constant 0 : i32
      %scan3A_343 = arith.constant 0 : i32
      %scan3A_344 = arith.constant 16 : i32
      %scan3A_345 = arith.addi %scan3A_343, %scan3A_344 : i32
      %scan3A_346 = arith.constant 1 : i32
      %scan3A_347 = scf.for %scan3A_368 = %scan3A_343 to %scan3A_345 step %scan3A_346 iter_args(%scan3A_369 = %scan3A_342) -> (i32)  : i32 {
        %mul3A_370 = arith.constant 128 : i32
        %mul3A_371 = arith.muli %scan3A_368, %mul3A_370 : i32
        %add3A_372 = arith.constant 0 : i32
        %add3A_373 = arith.addi %mul3A_371, %add3A_372 : i32
        %get3A = arith.index_cast %add3A_373 : i32 to index
        %get3A_374 = tpu.vector_load %arg5[%get3A] {strides = array<i32>} : memref<2048xi32, #tpu.memory_space<vmem>>, vector<16xi32>,
        %shift_right_logical3A = arith.constant 7 : i32
        %shift_right_logical3A_375 = vector.broadcast %shift_right_logical3A : i32 to vector<16xi32>
        %shift_right_logical3A_376 = arith.shrui %get3A_374, %shift_right_logical3A_375 : vector<16xi32>
        %eq3A_377 = vector.broadcast %or3A_307 : i32 to vector<16xi32>
        %eq3A_378 = arith.cmpi eq, %shift_right_logical3A_376, %eq3A_377 : vector<16xi32>
        %shift_right_logical3A_379 = arith.constant 0 : i32
        %shift_right_logical3A_380 = vector.broadcast %shift_right_logical3A_379 : i32 to vector<16xi32>
        %shift_right_logical3A_381 = arith.shrui %get3A_374, %shift_right_logical3A_380 : vector<16xi32>
        %and3A_382 = vector.broadcast %scan3A_341 : i32 to vector<16xi32>
        %and3A_383 = arith.andi %shift_right_logical3A_381, %and3A_382 : vector<16xi32>
        tpu.vector_store_idx %arg6[%and3A_383], %broadcast_in_dim3A_33 masked %eq3A_378 {add = true} : memref<256xi32, #tpu.memory_space<vmem>>[vector<16xi32>], vector<16xi32>, vector<16xi1>
        %mul3A_384 = arith.constant 128 : i32
        %mul3A_385 = arith.muli %scan3A_368, %mul3A_384 : i32
        %add3A_386 = arith.constant 16 : i32
        %add3A_387 = arith.addi %mul3A_385, %add3A_386 : i32
        %get3A_388 = arith.index_cast %add3A_387 : i32 to index
        %get3A_389 = tpu.vector_load %arg5[%get3A_388] {strides = array<i32>} : memref<2048xi32, #tpu.memory_space<vmem>>, vector<16xi32>,
        %shift_right_logical3A_390 = arith.constant 7 : i32
        %shift_right_logical3A_391 = vector.broadcast %shift_right_logical3A_390 : i32 to vector<16xi32>
        %shift_right_logical3A_392 = arith.shrui %get3A_389, %shift_right_logical3A_391 : vector<16xi32>
        %eq3A_393 = vector.broadcast %or3A_307 : i32 to vector<16xi32>
        %eq3A_394 = arith.cmpi eq, %shift_right_logical3A_392, %eq3A_393 : vector<16xi32>
        %shift_right_logical3A_395 = arith.constant 0 : i32
        %shift_right_logical3A_396 = vector.broadcast %shift_right_logical3A_395 : i32 to vector<16xi32>
        %shift_right_logical3A_397 = arith.shrui %get3A_389, %shift_right_logical3A_396 : vector<16xi32>
        %and3A_398 = vector.broadcast %scan3A_341 : i32 to vector<16xi32>
        %and3A_399 = arith.andi %shift_right_logical3A_397, %and3A_398 : vector<16xi32>
        tpu.vector_store_idx %arg7[%and3A_399], %broadcast_in_dim3A_33 masked %eq3A_394 {add = true} : memref<256xi32, #tpu.memory_space<vmem>>[vector<16xi32>], vector<16xi32>, vector<16xi1>
        %mul3A_400 = arith.constant 128 : i32
        %mul3A_401 = arith.muli %scan3A_368, %mul3A_400 : i32
        %add3A_402 = arith.constant 32 : i32
        %add3A_403 = arith.addi %mul3A_401, %add3A_402 : i32
        %get3A_404 = arith.index_cast %add3A_403 : i32 to index
        %get3A_405 = tpu.vector_load %arg5[%get3A_404] {strides = array<i32>} : memref<2048xi32, #tpu.memory_space<vmem>>, vector<16xi32>,
        %shift_right_logical3A_406 = arith.constant 7 : i32
        %shift_right_logical3A_407 = vector.broadcast %shift_right_logical3A_406 : i32 to vector<16xi32>
        %shift_right_logical3A_408 = arith.shrui %get3A_405, %shift_right_logical3A_407 : vector<16xi32>
        %eq3A_409 = vector.broadcast %or3A_307 : i32 to vector<16xi32>
        %eq3A_410 = arith.cmpi eq, %shift_right_logical3A_408, %eq3A_409 : vector<16xi32>
        %shift_right_logical3A_411 = arith.constant 0 : i32
        %shift_right_logical3A_412 = vector.broadcast %shift_right_logical3A_411 : i32 to vector<16xi32>
        %shift_right_logical3A_413 = arith.shrui %get3A_405, %shift_right_logical3A_412 : vector<16xi32>
        %and3A_414 = vector.broadcast %scan3A_341 : i32 to vector<16xi32>
        %and3A_415 = arith.andi %shift_right_logical3A_413, %and3A_414 : vector<16xi32>
        tpu.vector_store_idx %arg6[%and3A_415], %broadcast_in_dim3A_33 masked %eq3A_410 {add = true} : memref<256xi32, #tpu.memory_space<vmem>>[vector<16xi32>], vector<16xi32>, vector<16xi1>
        %mul3A_416 = arith.constant 128 : i32
        %mul3A_417 = arith.muli %scan3A_368, %mul3A_416 : i32
        %add3A_418 = arith.constant 48 : i32
        %add3A_419 = arith.addi %mul3A_417, %add3A_418 : i32
        %get3A_420 = arith.index_cast %add3A_419 : i32 to index
        %get3A_421 = tpu.vector_load %arg5[%get3A_420] {strides = array<i32>} : memref<2048xi32, #tpu.memory_space<vmem>>, vector<16xi32>,
        %shift_right_logical3A_422 = arith.constant 7 : i32
        %shift_right_logical3A_423 = vector.broadcast %shift_right_logical3A_422 : i32 to vector<16xi32>
        %shift_right_logical3A_424 = arith.shrui %get3A_421, %shift_right_logical3A_423 : vector<16xi32>
        %eq3A_425 = vector.broadcast %or3A_307 : i32 to vector<16xi32>
        %eq3A_426 = arith.cmpi eq, %shift_right_logical3A_424, %eq3A_425 : vector<16xi32>
        %shift_right_logical3A_427 = arith.constant 0 : i32
        %shift_right_logical3A_428 = vector.broadcast %shift_right_logical3A_427 : i32 to vector<16xi32>
        %shift_right_logical3A_429 = arith.shrui %get3A_421, %shift_right_logical3A_428 : vector<16xi32>
        %and3A_430 = vector.broadcast %scan3A_341 : i32 to vector<16xi32>
        %and3A_431 = arith.andi %shift_right_logical3A_429, %and3A_430 : vector<16xi32>
        tpu.vector_store_idx %arg7[%and3A_431], %broadcast_in_dim3A_33 masked %eq3A_426 {add = true} : memref<256xi32, #tpu.memory_space<vmem>>[vector<16xi32>], vector<16xi32>, vector<16xi1>
        %mul3A_432 = arith.constant 128 : i32
        %mul3A_433 = arith.muli %scan3A_368, %mul3A_432 : i32
        %add3A_434 = arith.constant 64 : i32
        %add3A_435 = arith.addi %mul3A_433, %add3A_434 : i32
        %get3A_436 = arith.index_cast %add3A_435 : i32 to index
        %get3A_437 = tpu.vector_load %arg5[%get3A_436] {strides = array<i32>} : memref<2048xi32, #tpu.memory_space<vmem>>, vector<16xi32>,
        %shift_right_logical3A_438 = arith.constant 7 : i32
        %shift_right_logical3A_439 = vector.broadcast %shift_right_logical3A_438 : i32 to vector<16xi32>
        %shift_right_logical3A_440 = arith.shrui %get3A_437, %shift_right_logical3A_439 : vector<16xi32>
        %eq3A_441 = vector.broadcast %or3A_307 : i32 to vector<16xi32>
        %eq3A_442 = arith.cmpi eq, %shift_right_logical3A_440, %eq3A_441 : vector<16xi32>
        %shift_right_logical3A_443 = arith.constant 0 : i32
        %shift_right_logical3A_444 = vector.broadcast %shift_right_logical3A_443 : i32 to vector<16xi32>
        %shift_right_logical3A_445 = arith.shrui %get3A_437, %shift_right_logical3A_444 : vector<16xi32>
        %and3A_446 = vector.broadcast %scan3A_341 : i32 to vector<16xi32>
        %and3A_447 = arith.andi %shift_right_logical3A_445, %and3A_446 : vector<16xi32>
        tpu.vector_store_idx %arg6[%and3A_447], %broadcast_in_dim3A_33 masked %eq3A_442 {add = true} : memref<256xi32, #tpu.memory_space<vmem>>[vector<16xi32>], vector<16xi32>, vector<16xi1>
        %mul3A_448 = arith.constant 128 : i32
        %mul3A_449 = arith.muli %scan3A_368, %mul3A_448 : i32
        %add3A_450 = arith.constant 80 : i32
        %add3A_451 = arith.addi %mul3A_449, %add3A_450 : i32
        %get3A_452 = arith.index_cast %add3A_451 : i32 to index
        %get3A_453 = tpu.vector_load %arg5[%get3A_452] {strides = array<i32>} : memref<2048xi32, #tpu.memory_space<vmem>>, vector<16xi32>,
        %shift_right_logical3A_454 = arith.constant 7 : i32
        %shift_right_logical3A_455 = vector.broadcast %shift_right_logical3A_454 : i32 to vector<16xi32>
        %shift_right_logical3A_456 = arith.shrui %get3A_453, %shift_right_logical3A_455 : vector<16xi32>
        %eq3A_457 = vector.broadcast %or3A_307 : i32 to vector<16xi32>
        %eq3A_458 = arith.cmpi eq, %shift_right_logical3A_456, %eq3A_457 : vector<16xi32>
        %shift_right_logical3A_459 = arith.constant 0 : i32
        %shift_right_logical3A_460 = vector.broadcast %shift_right_logical3A_459 : i32 to vector<16xi32>
        %shift_right_logical3A_461 = arith.shrui %get3A_453, %shift_right_logical3A_460 : vector<16xi32>
        %and3A_462 = vector.broadcast %scan3A_341 : i32 to vector<16xi32>
        %and3A_463 = arith.andi %shift_right_logical3A_461, %and3A_462 : vector<16xi32>
        tpu.vector_store_idx %arg7[%and3A_463], %broadcast_in_dim3A_33 masked %eq3A_458 {add = true} : memref<256xi32, #tpu.memory_space<vmem>>[vector<16xi32>], vector<16xi32>, vector<16xi1>
        %mul3A_464 = arith.constant 128 : i32
        %mul3A_465 = arith.muli %scan3A_368, %mul3A_464 : i32
        %add3A_466 = arith.constant 96 : i32
        %add3A_467 = arith.addi %mul3A_465, %add3A_466 : i32
        %get3A_468 = arith.index_cast %add3A_467 : i32 to index
        %get3A_469 = tpu.vector_load %arg5[%get3A_468] {strides = array<i32>} : memref<2048xi32, #tpu.memory_space<vmem>>, vector<16xi32>,
        %shift_right_logical3A_470 = arith.constant 7 : i32
        %shift_right_logical3A_471 = vector.broadcast %shift_right_logical3A_470 : i32 to vector<16xi32>
        %shift_right_logical3A_472 = arith.shrui %get3A_469, %shift_right_logical3A_471 : vector<16xi32>
        %eq3A_473 = vector.broadcast %or3A_307 : i32 to vector<16xi32>
        %eq3A_474 = arith.cmpi eq, %shift_right_logical3A_472, %eq3A_473 : vector<16xi32>
        %shift_right_logical3A_475 = arith.constant 0 : i32
        %shift_right_logical3A_476 = vector.broadcast %shift_right_logical3A_475 : i32 to vector<16xi32>
        %shift_right_logical3A_477 = arith.shrui %get3A_469, %shift_right_logical3A_476 : vector<16xi32>
        %and3A_478 = vector.broadcast %scan3A_341 : i32 to vector<16xi32>
        %and3A_479 = arith.andi %shift_right_logical3A_477, %and3A_478 : vector<16xi32>
        tpu.vector_store_idx %arg6[%and3A_479], %broadcast_in_dim3A_33 masked %eq3A_474 {add = true} : memref<256xi32, #tpu.memory_space<vmem>>[vector<16xi32>], vector<16xi32>, vector<16xi1>
        %mul3A_480 = arith.constant 128 : i32
        %mul3A_481 = arith.muli %scan3A_368, %mul3A_480 : i32
        %add3A_482 = arith.constant 112 : i32
        %add3A_483 = arith.addi %mul3A_481, %add3A_482 : i32
        %get3A_484 = arith.index_cast %add3A_483 : i32 to index
        %get3A_485 = tpu.vector_load %arg5[%get3A_484] {strides = array<i32>} : memref<2048xi32, #tpu.memory_space<vmem>>, vector<16xi32>,
        %shift_right_logical3A_486 = arith.constant 7 : i32
        %shift_right_logical3A_487 = vector.broadcast %shift_right_logical3A_486 : i32 to vector<16xi32>
        %shift_right_logical3A_488 = arith.shrui %get3A_485, %shift_right_logical3A_487 : vector<16xi32>
        %eq3A_489 = vector.broadcast %or3A_307 : i32 to vector<16xi32>
        %eq3A_490 = arith.cmpi eq, %shift_right_logical3A_488, %eq3A_489 : vector<16xi32>
        %shift_right_logical3A_491 = arith.constant 0 : i32
        %shift_right_logical3A_492 = vector.broadcast %shift_right_logical3A_491 : i32 to vector<16xi32>
        %shift_right_logical3A_493 = arith.shrui %get3A_485, %shift_right_logical3A_492 : vector<16xi32>
        %and3A_494 = vector.broadcast %scan3A_341 : i32 to vector<16xi32>
        %and3A_495 = arith.andi %shift_right_logical3A_493, %and3A_494 : vector<16xi32>
        tpu.vector_store_idx %arg7[%and3A_495], %broadcast_in_dim3A_33 masked %eq3A_490 {add = true} : memref<256xi32, #tpu.memory_space<vmem>>[vector<16xi32>], vector<16xi32>, vector<16xi1>
        %scan3A_496 = arith.constant 0 : i32
        scf.yield %scan3A_496 : i32
      }
      %scan3A_348 = arith.constant 16 : i32
      %scan3A_349 = arith.constant 0 : i32
      %scan3A_350 = arith.constant 0 : i32
      %scan3A_351 = arith.constant 0 : i32
      %scan3A_352 = arith.constant 0 : i32
      %scan3A_353 = arith.constant 8 : i32
      %scan3A_354 = arith.addi %scan3A_352, %scan3A_353 : i32
      %scan3A_355 = arith.constant 1 : i32
      %scan3A_356:3 = scf.for %scan3A_368 = %scan3A_352 to %scan3A_354 step %scan3A_355 iter_args(%scan3A_369 = %scan3A_349, %scan3A_370 = %scan3A_350, %scan3A_371 = %scan3A_351) -> (i32, i32, i32)  : i32 {
        %mul3A_372 = arith.constant 16 : i32
        %mul3A_373 = arith.muli %scan3A_368, %mul3A_372 : i32
        %get3A = arith.index_cast %mul3A_373 : i32 to index
        %get3A_374 = tpu.vector_load %arg6[%get3A] {strides = array<i32>} : memref<256xi32, #tpu.memory_space<vmem>>, vector<16xi32>,
        %mul3A_375 = arith.constant 16 : i32
        %mul3A_376 = arith.muli %scan3A_368, %mul3A_375 : i32
        %get3A_377 = arith.index_cast %mul3A_376 : i32 to index
        %get3A_378 = tpu.vector_load %arg7[%get3A_377] {strides = array<i32>} : memref<256xi32, #tpu.memory_space<vmem>>, vector<16xi32>,
        %add3A_379 = arith.addi %get3A_374, %get3A_378 : vector<16xi32>
        %broadcast_in_dim3A_380 = arith.constant true
        %broadcast_in_dim3A_381 = vector.broadcast %broadcast_in_dim3A_380 : i1 to vector<16xi1>
        %masked_cumsum3A = tpu.scan <sum>, %add3A_379 masked %broadcast_in_dim3A_381 : vector<16xi32>, vector<16xi1> -> vector<16xi32>
        %add3A_382 = vector.broadcast %scan3A_369 : i32 to vector<16xi32>
        %add3A_383 = arith.addi %masked_cumsum3A, %add3A_382 : vector<16xi32>
        %lt3A_384 = vector.broadcast %sub3A_308 : i32 to vector<16xi32>
        %lt3A_385 = arith.cmpi slt, %add3A_383, %lt3A_384 : vector<16xi32>
        %all_reduce_population_count3A = tpu.all_reduce %lt3A_385 {dim = 0 : i64, kind = #tpu.reduction_kind<sum>} : vector<16xi1> -> vector<16xi32>
        %reduce_max3A = arith.constant true
        %reduce_max3A_386 = vector.broadcast %reduce_max3A : i1 to vector<16xi1>
        %reduce_max3A_387 = arith.constant -2147483648 : i32
        %reduce_max3A_388 = vector.broadcast %reduce_max3A_387 : i32 to vector<16xi32>
        %reduce_max3A_389 = arith.xori %all_reduce_population_count3A, %reduce_max3A_388 : vector<16xi32>
        %reduce_max3A_390 = tpu.scan <max>, %reduce_max3A_389 masked %reduce_max3A_386 : vector<16xi32>, vector<16xi1> -> vector<16xi32>
        %reduce_max3A_391 = arith.xori %reduce_max3A_390, %reduce_max3A_388 : vector<16xi32>
        %reduce_max3A_392 = vector.extract %reduce_max3A_391[15] : i32 from vector<16xi32>
        %jit3A_393 = arith.constant 0 : i32
        %broadcast_in_dim3A_394 = vector.broadcast %jit3A_393 : i32 to vector<16xi32>
        %select_n3A_395 = arith.select %lt3A_385, %add3A_383, %broadcast_in_dim3A_394 : vector<16xi1>, vector<16xi32>
        %reduce_max3A_396 = arith.constant true
        %reduce_max3A_397 = vector.broadcast %reduce_max3A_396 : i1 to vector<16xi1>
        %reduce_max3A_398 = arith.constant -2147483648 : i32
        %reduce_max3A_399 = vector.broadcast %reduce_max3A_398 : i32 to vector<16xi32>
        %reduce_max3A_400 = arith.xori %select_n3A_395, %reduce_max3A_399 : vector<16xi32>
        %reduce_max3A_401 = tpu.scan <max>, %reduce_max3A_400 masked %reduce_max3A_397 : vector<16xi32>, vector<16xi1> -> vector<16xi32>
        %reduce_max3A_402 = arith.xori %reduce_max3A_401, %reduce_max3A_399 : vector<16xi32>
        %reduce_max3A_403 = vector.extract %reduce_max3A_402[15] : i32 from vector<16xi32>
        %reduce_max3A_404 = arith.constant true
        %reduce_max3A_405 = vector.broadcast %reduce_max3A_404 : i1 to vector<16xi1>
        %reduce_max3A_406 = arith.constant -2147483648 : i32
        %reduce_max3A_407 = vector.broadcast %reduce_max3A_406 : i32 to vector<16xi32>
        %reduce_max3A_408 = arith.xori %add3A_383, %reduce_max3A_407 : vector<16xi32>
        %reduce_max3A_409 = tpu.scan <max>, %reduce_max3A_408 masked %reduce_max3A_405 : vector<16xi32>, vector<16xi1> -> vector<16xi32>
        %reduce_max3A_410 = arith.xori %reduce_max3A_409, %reduce_max3A_407 : vector<16xi32>
        %reduce_max3A_411 = vector.extract %reduce_max3A_410[15] : i32 from vector<16xi32>
        %add3A_412 = arith.addi %scan3A_370, %reduce_max3A_392 : i32
        %max3A = arith.maxsi %scan3A_371, %reduce_max3A_403 : i32
        scf.yield %reduce_max3A_411, %add3A_412, %max3A : i32, i32, i32
      }
      %scan3A_357 = arith.constant 8 : i32
      %shift_left3A_358 = arith.constant 7 : i32
      %shift_left3A_359 = arith.shli %or3A_307, %shift_left3A_358 : i32
      %or3A_360 = arith.ori %shift_left3A_359, %scan3A_356#1 : i32
      %add3A_361 = vector.broadcast %scan3A_43 : i32 to vector<16xi32>
      %add3A_362 = arith.addi %broadcast_in_dim3A_35, %add3A_361 : vector<16xi32>
      %add3A_363 = vector.broadcast %or3A_360 : i32 to vector<16xi32>
      %add3A_364 = arith.addi %broadcast_in_dim3A_35, %add3A_363 : vector<16xi32>
      %eq3A_365 = arith.constant 0 : i32
      %eq3A_366 = vector.broadcast %eq3A_365 : i32 to vector<16xi32>
      %eq3A_367 = arith.cmpi eq, %iota3A, %eq3A_366 : vector<16xi32>
      tpu.vector_store_idx %arg8[%add3A_362], %add3A_364 masked %eq3A_367 : memref<256xi32, #tpu.memory_space<vmem>>[vector<16xi32>], vector<16xi32>, vector<16xi1>
    }
    %scan3A_40 = arith.constant 256 : i32
    %mul3A_41 = arith.constant 256 : i32
    %mul3A_42 = arith.muli %add3A, %mul3A_41 : i32
    "tpu.region"() ({
      %run_scoped3A = tpu.sem_alloc : memref<!tpu.dma_semaphore, #tpu.memory_space<semaphore_mem>>
      %dma_start3A = tpu.memref_slice %arg3[%mul3A_42] : memref<8192xi32, #tpu.memory_space<hbm>> -> memref<256xi32, #tpu.memory_space<hbm>>
      %dma_start3A_43 = tpu.memref_slice %arg3[%mul3A_42] : memref<8192xi32, #tpu.memory_space<hbm>> -> memref<256xi32, #tpu.memory_space<hbm>>
      tpu.enqueue_dma source(%arg8 : memref<256xi32, #tpu.memory_space<vmem>>) target(%dma_start3A_43 : memref<256xi32, #tpu.memory_space<hbm>>) target_semaphore(%run_scoped3A : memref<!tpu.dma_semaphore, #tpu.memory_space<semaphore_mem>>)
      %dma_wait3A = tpu.memref_slice %arg3[%mul3A_42] : memref<8192xi32, #tpu.memory_space<hbm>> -> memref<256xi32, #tpu.memory_space<hbm>>
      %dma_wait3A_44 = tpu.memref_slice %arg3[%mul3A_42] : memref<8192xi32, #tpu.memory_space<hbm>> -> memref<256xi32, #tpu.memory_space<hbm>>
      tpu.wait_dma2 semaphore(%run_scoped3A : memref<!tpu.dma_semaphore, #tpu.memory_space<semaphore_mem>>) src(%arg8 : memref<256xi32, #tpu.memory_space<vmem>>) dst(%dma_wait3A_44 : memref<256xi32, #tpu.memory_space<hbm>>)
      tpu.yield
    }) : () -> ()
    return
  }
}

module attributes {stable_mosaic.version = 14 : i64} {
  func.func @_prep_body(%arg0: i32, %arg1: memref<1x8x2048xf32, #tpu.memory_space<vmem>>, %arg2: memref<1x8x2048xf32, #tpu.memory_space<vmem>>) attributes {dimension_semantics = [#tpu.dimension_semantics<arbitrary>], iteration_bounds = array<i64: 4>, scalar_prefetch = 0 : i64, scratch_operands = 0 : i64, tpu.core_type = #tpu.core_type<tc>, window_params = [{transform_indices = @transform_0, window_bounds = array<i64: 1, 8, 2048>}, {transform_indices = @transform_1, window_bounds = array<i64: 1, 8, 2048>}]} {
    %get3A = arith.constant 0 : index
    %get3A_0 = arith.constant 0 : index
    %get3A_1 = arith.constant 0 : index
    %get3A_2 = vector.load %arg1[%get3A, %get3A_0, %get3A_1] : memref<1x8x2048xf32, #tpu.memory_space<vmem>>, vector<1x8x2048xf32>
    %get3A_3 = vector.shape_cast %get3A_2 : vector<1x8x2048xf32> to vector<8x2048xf32>
    %slice3A = vector.extract_strided_slice %get3A_3 {offsets = [0, 0], sizes = [1, 2048], strides = [1, 1]} : vector<8x2048xf32> to vector<1x2048xf32>
    %slice3A_4 = vector.extract_strided_slice %get3A_3 {offsets = [1, 0], sizes = [1, 2048], strides = [1, 1]} : vector<8x2048xf32> to vector<1x2048xf32>
    %slice3A_5 = vector.extract_strided_slice %get3A_3 {offsets = [2, 0], sizes = [1, 2048], strides = [1, 1]} : vector<8x2048xf32> to vector<1x2048xf32>
    %mul3A = arith.mulf %slice3A, %slice3A : vector<1x2048xf32>
    %mul3A_6 = arith.mulf %slice3A_4, %slice3A_4 : vector<1x2048xf32>
    %add3A = arith.addf %mul3A, %mul3A_6 : vector<1x2048xf32>
    %mul3A_7 = arith.mulf %slice3A_5, %slice3A_5 : vector<1x2048xf32>
    %add3A_8 = arith.addf %add3A, %mul3A_7 : vector<1x2048xf32>
    %broadcast_in_dim3A = arith.constant 0.000000e+00 : f32
    %broadcast_in_dim3A_9 = vector.broadcast %broadcast_in_dim3A : f32 to vector<1x2048xf32>
    %convert_element_type3A = arith.truncf %slice3A : vector<1x2048xf32> to vector<1x2048xbf16>
    %convert_element_type3A_10 = arith.extf %convert_element_type3A : vector<1x2048xbf16> to vector<1x2048xf32>
    %convert_element_type3A_11 = arith.truncf %slice3A_4 : vector<1x2048xf32> to vector<1x2048xbf16>
    %convert_element_type3A_12 = arith.extf %convert_element_type3A_11 : vector<1x2048xbf16> to vector<1x2048xf32>
    %convert_element_type3A_13 = arith.truncf %slice3A_5 : vector<1x2048xf32> to vector<1x2048xbf16>
    %convert_element_type3A_14 = arith.extf %convert_element_type3A_13 : vector<1x2048xbf16> to vector<1x2048xf32>
    %concatenate3A = tpu.concatenate %convert_element_type3A_10, %convert_element_type3A_12, %convert_element_type3A_14, %add3A_8, %slice3A, %slice3A_4, %slice3A_5, %broadcast_in_dim3A_9 in 0 : vector<1x2048xf32>, vector<1x2048xf32>, vector<1x2048xf32>, vector<1x2048xf32>, vector<1x2048xf32>, vector<1x2048xf32>, vector<1x2048xf32>, vector<1x2048xf32> -> vector<8x2048xf32>
    %swap3A = arith.constant 0 : index
    %swap3A_15 = arith.constant 0 : index
    %swap3A_16 = arith.constant 0 : index
    %swap3A_17 = vector.load %arg2[%swap3A, %swap3A_15, %swap3A_16] : memref<1x8x2048xf32, #tpu.memory_space<vmem>>, vector<1x8x2048xf32>
    %swap3A_18 = vector.shape_cast %swap3A_17 : vector<1x8x2048xf32> to vector<8x2048xf32>
    %swap3A_19 = vector.shape_cast %concatenate3A : vector<8x2048xf32> to vector<1x8x2048xf32>
    tpu.vector_store %arg2[%swap3A, %swap3A_15, %swap3A_16], %swap3A_19 {strides = array<i32>} : memref<1x8x2048xf32, #tpu.memory_space<vmem>>, vector<1x8x2048xf32>,
    return
  }
  func.func @transform_0(%arg0: i32) -> (i32, i32, i32) {
    %c0_i32 = arith.constant 0 : i32
    %c0_i32_0 = arith.constant 0 : i32
    %c0_i32_1 = arith.constant 0 : i32
    return %arg0, %c0_i32, %c0_i32_0 : i32, i32, i32
  }
  func.func @transform_1(%arg0: i32) -> (i32, i32, i32) {
    %c0_i32 = arith.constant 0 : i32
    %c0_i32_0 = arith.constant 0 : i32
    %c0_i32_1 = arith.constant 0 : i32
    return %arg0, %c0_i32, %c0_i32_0 : i32, i32, i32
  }
}

module attributes {stable_mosaic.version = 14 : i64} {
  func.func @_tc_body(%arg0: i32, %arg1: i32, %arg2: memref<1x128x8xf32, #tpu.memory_space<vmem>>, %arg3: memref<1x8x2048xf32, #tpu.memory_space<vmem>>, %arg4: memref<1x2048x64xf32, #tpu.memory_space<vmem>>, %arg5: memref<768x64xf32, #tpu.memory_space<vmem>>, %arg6: memref<1x64xf32, #tpu.memory_space<vmem>>, %arg7: memref<1x128x64xf32, #tpu.memory_space<vmem>>, %arg8: memref<128x2048xf32, #tpu.memory_space<vmem>>) attributes {dimension_semantics = [#tpu.dimension_semantics<parallel>, #tpu.dimension_semantics<parallel>], iteration_bounds = array<i64: 4, 16>, scalar_prefetch = 0 : i64, scratch_operands = 1 : i64, tpu.core_type = #tpu.core_type<tc>, window_params = [{transform_indices = @transform_0, window_bounds = array<i64: 1, 128, 8>}, {transform_indices = @transform_1, window_bounds = array<i64: 1, 8, 2048>}, {transform_indices = @transform_2, window_bounds = array<i64: 1, 2048, 64>}, {pipeline_mode = #tpu.pipeline_mode<synchronous>, transform_indices = @transform_3, window_bounds = array<i64: 768, 64>}, {pipeline_mode = #tpu.pipeline_mode<synchronous>, transform_indices = @transform_4, window_bounds = array<i64: 1, 64>}, {transform_indices = @transform_5, window_bounds = array<i64: 1, 128, 64>}]} {
    %get3A = arith.constant 0 : index
    %get3A_0 = arith.constant 0 : index
    %get3A_1 = arith.constant 0 : index
    %get3A_2 = vector.load %arg2[%get3A, %get3A_0, %get3A_1] : memref<1x128x8xf32, #tpu.memory_space<vmem>>, vector<1x128x8xf32>
    %get3A_3 = vector.shape_cast %get3A_2 : vector<1x128x8xf32> to vector<128x8xf32>
    %get3A_4 = arith.constant 0 : index
    %get3A_5 = arith.constant 0 : index
    %get3A_6 = arith.constant 0 : index
    %get3A_7 = vector.load %arg3[%get3A_4, %get3A_5, %get3A_6] : memref<1x8x2048xf32, #tpu.memory_space<vmem>>, vector<1x8x2048xf32>
    %get3A_8 = vector.shape_cast %get3A_7 : vector<1x8x2048xf32> to vector<8x2048xf32>
    %get3A_9 = arith.constant 0 : index
    %get3A_10 = arith.constant 0 : index
    %get3A_11 = arith.constant 0 : index
    %get3A_12 = vector.load %arg4[%get3A_9, %get3A_10, %get3A_11] : memref<1x2048x64xf32, #tpu.memory_space<vmem>>, vector<1x2048x64xf32>
    %get3A_13 = vector.shape_cast %get3A_12 : vector<1x2048x64xf32> to vector<2048x64xf32>
    %slice3A = vector.extract_strided_slice %get3A_3 {offsets = [0, 0], sizes = [128, 1], strides = [1, 1]} : vector<128x8xf32> to vector<128x1xf32>
    %slice3A_14 = vector.extract_strided_slice %get3A_3 {offsets = [0, 1], sizes = [128, 1], strides = [1, 1]} : vector<128x8xf32> to vector<128x1xf32>
    %slice3A_15 = vector.extract_strided_slice %get3A_3 {offsets = [0, 2], sizes = [128, 1], strides = [1, 1]} : vector<128x8xf32> to vector<128x1xf32>
    %slice3A_16 = vector.extract_strided_slice %get3A_3 {offsets = [0, 3], sizes = [128, 1], strides = [1, 1]} : vector<128x8xf32> to vector<128x1xf32>
    %bitcast_convert_type3A = tpu.bitcast %slice3A_16 : vector<128x1xf32> -> vector<128x1xi32>
    %slice3A_17 = vector.extract_strided_slice %get3A_8 {offsets = [0, 0], sizes = [1, 2048], strides = [1, 1]} : vector<8x2048xf32> to vector<1x2048xf32>
    %slice3A_18 = vector.extract_strided_slice %get3A_8 {offsets = [1, 0], sizes = [1, 2048], strides = [1, 1]} : vector<8x2048xf32> to vector<1x2048xf32>
    %slice3A_19 = vector.extract_strided_slice %get3A_8 {offsets = [2, 0], sizes = [1, 2048], strides = [1, 1]} : vector<8x2048xf32> to vector<1x2048xf32>
    %mul3A = arith.mulf %slice3A, %slice3A : vector<128x1xf32>
    %mul3A_20 = arith.mulf %slice3A_14, %slice3A_14 : vector<128x1xf32>
    %add3A = arith.addf %mul3A, %mul3A_20 : vector<128x1xf32>
    %mul3A_21 = arith.mulf %slice3A_15, %slice3A_15 : vector<128x1xf32>
    %add3A_22 = arith.addf %add3A, %mul3A_21 : vector<128x1xf32>
    %mul3A_23 = arith.mulf %slice3A_17, %slice3A_17 : vector<1x2048xf32>
    %mul3A_24 = arith.mulf %slice3A_18, %slice3A_18 : vector<1x2048xf32>
    %add3A_25 = arith.addf %mul3A_23, %mul3A_24 : vector<1x2048xf32>
    %mul3A_26 = arith.mulf %slice3A_19, %slice3A_19 : vector<1x2048xf32>
    %add3A_27 = arith.addf %add3A_25, %mul3A_26 : vector<1x2048xf32>
    %convert_element_type3A = arith.truncf %slice3A : vector<128x1xf32> to vector<128x1xbf16>
    %convert_element_type3A_28 = arith.extf %convert_element_type3A : vector<128x1xbf16> to vector<128x1xf32>
    %convert_element_type3A_29 = arith.truncf %slice3A_17 : vector<1x2048xf32> to vector<1x2048xbf16>
    %convert_element_type3A_30 = arith.extf %convert_element_type3A_29 : vector<1x2048xbf16> to vector<1x2048xf32>
    %mul3A_31 = vector.broadcast %convert_element_type3A_28 : vector<128x1xf32> to vector<128x2048xf32>
    %mul3A_32 = vector.broadcast %convert_element_type3A_30 : vector<1x2048xf32> to vector<128x2048xf32>
    %mul3A_33 = arith.mulf %mul3A_31, %mul3A_32 : vector<128x2048xf32>
    %convert_element_type3A_34 = arith.truncf %slice3A_14 : vector<128x1xf32> to vector<128x1xbf16>
    %convert_element_type3A_35 = arith.extf %convert_element_type3A_34 : vector<128x1xbf16> to vector<128x1xf32>
    %convert_element_type3A_36 = arith.truncf %slice3A_18 : vector<1x2048xf32> to vector<1x2048xbf16>
    %convert_element_type3A_37 = arith.extf %convert_element_type3A_36 : vector<1x2048xbf16> to vector<1x2048xf32>
    %mul3A_38 = vector.broadcast %convert_element_type3A_35 : vector<128x1xf32> to vector<128x2048xf32>
    %mul3A_39 = vector.broadcast %convert_element_type3A_37 : vector<1x2048xf32> to vector<128x2048xf32>
    %mul3A_40 = arith.mulf %mul3A_38, %mul3A_39 : vector<128x2048xf32>
    %add3A_41 = arith.addf %mul3A_33, %mul3A_40 : vector<128x2048xf32>
    %convert_element_type3A_42 = arith.truncf %slice3A_15 : vector<128x1xf32> to vector<128x1xbf16>
    %convert_element_type3A_43 = arith.extf %convert_element_type3A_42 : vector<128x1xbf16> to vector<128x1xf32>
    %convert_element_type3A_44 = arith.truncf %slice3A_19 : vector<1x2048xf32> to vector<1x2048xbf16>
    %convert_element_type3A_45 = arith.extf %convert_element_type3A_44 : vector<1x2048xbf16> to vector<1x2048xf32>
    %mul3A_46 = vector.broadcast %convert_element_type3A_43 : vector<128x1xf32> to vector<128x2048xf32>
    %mul3A_47 = vector.broadcast %convert_element_type3A_45 : vector<1x2048xf32> to vector<128x2048xf32>
    %mul3A_48 = arith.mulf %mul3A_46, %mul3A_47 : vector<128x2048xf32>
    %add3A_49 = arith.addf %add3A_41, %mul3A_48 : vector<128x2048xf32>
    %mul3A_50 = arith.constant 2.000000e+00 : f32
    %mul3A_51 = vector.broadcast %mul3A_50 : f32 to vector<128x2048xf32>
    %mul3A_52 = arith.mulf %mul3A_51, %add3A_49 : vector<128x2048xf32>
    %sub3A = vector.broadcast %add3A_22 : vector<128x1xf32> to vector<128x2048xf32>
    %sub3A_53 = arith.subf %sub3A, %mul3A_52 : vector<128x2048xf32>
    %add3A_54 = vector.broadcast %add3A_27 : vector<1x2048xf32> to vector<128x2048xf32>
    %add3A_55 = arith.addf %sub3A_53, %add3A_54 : vector<128x2048xf32>
    %swap3A = arith.constant 0 : index
    %swap3A_56 = arith.constant 0 : index
    %swap3A_57 = vector.load %arg8[%swap3A, %swap3A_56] : memref<128x2048xf32, #tpu.memory_space<vmem>>, vector<128x2048xf32>
    tpu.vector_store %arg8[%swap3A, %swap3A_56], %add3A_55 {strides = array<i32>} : memref<128x2048xf32, #tpu.memory_space<vmem>>, vector<128x2048xf32>,
    %get3A_58 = arith.constant 0 : index
    %get3A_59 = arith.constant 0 : index
    %get3A_60 = vector.load %arg8[%get3A_58, %get3A_59] : memref<128x2048xf32, #tpu.memory_space<vmem>>, vector<128x2048xf32>
    %max3A = arith.constant 0.000000e+00 : f32
    %max3A_61 = vector.broadcast %max3A : f32 to vector<128x2048xf32>
    %max3A_62 = arith.maximumf %get3A_60, %max3A_61 : vector<128x2048xf32>
    %bitcast_convert_type3A_63 = tpu.bitcast %max3A_62 : vector<128x2048xf32> -> vector<128x2048xi32>
    %le3A = vector.broadcast %bitcast_convert_type3A : vector<128x1xi32> to vector<128x2048xi32>
    %le3A_64 = arith.cmpi sle, %bitcast_convert_type3A_63, %le3A : vector<128x2048xi32>
    %convert_element_type3A_65 = arith.extui %le3A_64 : vector<128x2048xi1> to vector<128x2048xi32>
    %convert_element_type3A_66 = arith.sitofp %convert_element_type3A_65 : vector<128x2048xi32> to vector<128x2048xf32>
    %max3A_67 = arith.constant 9.99999974E-5 : f32
    %max3A_68 = vector.broadcast %max3A_67 : f32 to vector<128x2048xf32>
    %max3A_69 = arith.maximumf %get3A_60, %max3A_68 : vector<128x2048xf32>
    %sqrt3A = math.sqrt %max3A_69 : vector<128x2048xf32>
    %mul3A_70 = arith.mulf %sqrt3A, %sqrt3A : vector<128x2048xf32>
    %neg3A = arith.constant 0.000000e+00 : f32
    %neg3A_71 = vector.broadcast %neg3A : f32 to vector<128x2048xf32>
    %neg3A_72 = arith.subf %neg3A_71, %mul3A_70 : vector<128x2048xf32>
    %mul3A_73 = arith.constant 1.125000e+00 : f32
    %mul3A_74 = vector.broadcast %mul3A_73 : f32 to vector<128x2048xf32>
    %mul3A_75 = arith.mulf %neg3A_72, %mul3A_74 : vector<128x2048xf32>
    %exp3A = math.exp %mul3A_75 : vector<128x2048xf32>
    %mul3A_76 = arith.mulf %convert_element_type3A_66, %exp3A : vector<128x2048xf32>
    %reduce_sum3A = arith.constant dense<0.000000e+00> : vector<128xf32>
    %reduce_sum3A_77 = vector.multi_reduction <add>, %mul3A_76, %reduce_sum3A [1] : vector<128x2048xf32> to vector<128xf32>
    %broadcast_in_dim3A = vector.shape_cast %reduce_sum3A_77 : vector<128xf32> to vector<128x1xf32>
    %mul3A_78 = arith.constant 0.282094806 : f32
    %mul3A_79 = vector.broadcast %mul3A_78 : f32 to vector<128x1xf32>
    %mul3A_80 = arith.mulf %broadcast_in_dim3A, %mul3A_79 : vector<128x1xf32>
    %add3A_81 = arith.constant 9.99999997E-7 : f32
    %add3A_82 = vector.broadcast %add3A_81 : f32 to vector<128x1xf32>
    %add3A_83 = arith.addf %mul3A_80, %add3A_82 : vector<128x1xf32>
    %div3A = arith.constant 1.000000e+00 : f32
    %div3A_84 = vector.broadcast %div3A : f32 to vector<128x1xf32>
    %div3A_85 = arith.divf %div3A_84, %add3A_83 : vector<128x1xf32>
    %mul3A_86 = vector.broadcast %div3A_85 : vector<128x1xf32> to vector<128x2048xf32>
    %mul3A_87 = arith.mulf %convert_element_type3A_66, %mul3A_86 : vector<128x2048xf32>
    %broadcast_in_dim3A_88 = arith.constant 0.000000e+00 : f32
    %broadcast_in_dim3A_89 = vector.broadcast %broadcast_in_dim3A_88 : f32 to vector<4608x64xf32>
    %slice3A_90 = vector.extract_strided_slice %sqrt3A {offsets = [0, 0], sizes = [128, 512], strides = [1, 1]} : vector<128x2048xf32> to vector<128x512xf32>
    %slice3A_91 = vector.extract_strided_slice %mul3A_87 {offsets = [0, 0], sizes = [128, 512], strides = [1, 1]} : vector<128x2048xf32> to vector<128x512xf32>
    %slice3A_92 = vector.extract_strided_slice %slice3A_17 {offsets = [0, 0], sizes = [1, 512], strides = [1, 1]} : vector<1x2048xf32> to vector<1x512xf32>
    %sub3A_93 = vector.broadcast %slice3A_92 : vector<1x512xf32> to vector<128x512xf32>
    %sub3A_94 = vector.broadcast %slice3A : vector<128x1xf32> to vector<128x512xf32>
    %sub3A_95 = arith.subf %sub3A_93, %sub3A_94 : vector<128x512xf32>
    %slice3A_96 = vector.extract_strided_slice %slice3A_18 {offsets = [0, 0], sizes = [1, 512], strides = [1, 1]} : vector<1x2048xf32> to vector<1x512xf32>
    %sub3A_97 = vector.broadcast %slice3A_96 : vector<1x512xf32> to vector<128x512xf32>
    %sub3A_98 = vector.broadcast %slice3A_14 : vector<128x1xf32> to vector<128x512xf32>
    %sub3A_99 = arith.subf %sub3A_97, %sub3A_98 : vector<128x512xf32>
    %slice3A_100 = vector.extract_strided_slice %slice3A_19 {offsets = [0, 0], sizes = [1, 512], strides = [1, 1]} : vector<1x2048xf32> to vector<1x512xf32>
    %sub3A_101 = vector.broadcast %slice3A_100 : vector<1x512xf32> to vector<128x512xf32>
    %sub3A_102 = vector.broadcast %slice3A_15 : vector<128x1xf32> to vector<128x512xf32>
    %sub3A_103 = arith.subf %sub3A_101, %sub3A_102 : vector<128x512xf32>
    %mul3A_104 = arith.mulf %sub3A_95, %sub3A_95 : vector<128x512xf32>
    %mul3A_105 = arith.mulf %sub3A_99, %sub3A_99 : vector<128x512xf32>
    %add3A_106 = arith.addf %mul3A_104, %mul3A_105 : vector<128x512xf32>
    %mul3A_107 = arith.mulf %sub3A_103, %sub3A_103 : vector<128x512xf32>
    %add3A_108 = arith.addf %add3A_106, %mul3A_107 : vector<128x512xf32>
    %add3A_109 = arith.constant 9.99999993E-9 : f32
    %add3A_110 = vector.broadcast %add3A_109 : f32 to vector<128x512xf32>
    %add3A_111 = arith.addf %add3A_108, %add3A_110 : vector<128x512xf32>
    %rsqrt3A = math.rsqrt %add3A_111 : vector<128x512xf32>
    %mul3A_112 = arith.mulf %sub3A_95, %rsqrt3A : vector<128x512xf32>
    %mul3A_113 = arith.mulf %sub3A_99, %rsqrt3A : vector<128x512xf32>
    %mul3A_114 = arith.mulf %sub3A_103, %rsqrt3A : vector<128x512xf32>
    %broadcast_in_dim3A_115 = arith.constant 0.282094806 : f32
    %broadcast_in_dim3A_116 = vector.broadcast %broadcast_in_dim3A_115 : f32 to vector<128x512xf32>
    %mul3A_117 = arith.constant 0.488602519 : f32
    %mul3A_118 = vector.broadcast %mul3A_117 : f32 to vector<128x512xf32>
    %mul3A_119 = arith.mulf %mul3A_118, %mul3A_113 : vector<128x512xf32>
    %mul3A_120 = arith.constant 0.488602519 : f32
    %mul3A_121 = vector.broadcast %mul3A_120 : f32 to vector<128x512xf32>
    %mul3A_122 = arith.mulf %mul3A_121, %mul3A_114 : vector<128x512xf32>
    %mul3A_123 = arith.constant 0.488602519 : f32
    %mul3A_124 = vector.broadcast %mul3A_123 : f32 to vector<128x512xf32>
    %mul3A_125 = arith.mulf %mul3A_124, %mul3A_112 : vector<128x512xf32>
    %mul3A_126 = arith.constant 1.09254849 : f32
    %mul3A_127 = vector.broadcast %mul3A_126 : f32 to vector<128x512xf32>
    %mul3A_128 = arith.mulf %mul3A_127, %mul3A_112 : vector<128x512xf32>
    %mul3A_129 = arith.mulf %mul3A_128, %mul3A_113 : vector<128x512xf32>
    %mul3A_130 = arith.constant 1.09254849 : f32
    %mul3A_131 = vector.broadcast %mul3A_130 : f32 to vector<128x512xf32>
    %mul3A_132 = arith.mulf %mul3A_131, %mul3A_113 : vector<128x512xf32>
    %mul3A_133 = arith.mulf %mul3A_132, %mul3A_114 : vector<128x512xf32>
    %mul3A_134 = arith.constant 3.000000e+00 : f32
    %mul3A_135 = vector.broadcast %mul3A_134 : f32 to vector<128x512xf32>
    %mul3A_136 = arith.mulf %mul3A_135, %mul3A_114 : vector<128x512xf32>
    %mul3A_137 = arith.mulf %mul3A_136, %mul3A_114 : vector<128x512xf32>
    %sub3A_138 = arith.constant 1.000000e+00 : f32
    %sub3A_139 = vector.broadcast %sub3A_138 : f32 to vector<128x512xf32>
    %sub3A_140 = arith.subf %mul3A_137, %sub3A_139 : vector<128x512xf32>
    %mul3A_141 = arith.constant 0.31539157 : f32
    %mul3A_142 = vector.broadcast %mul3A_141 : f32 to vector<128x512xf32>
    %mul3A_143 = arith.mulf %mul3A_142, %sub3A_140 : vector<128x512xf32>
    %mul3A_144 = arith.constant 1.09254849 : f32
    %mul3A_145 = vector.broadcast %mul3A_144 : f32 to vector<128x512xf32>
    %mul3A_146 = arith.mulf %mul3A_145, %mul3A_112 : vector<128x512xf32>
    %mul3A_147 = arith.mulf %mul3A_146, %mul3A_114 : vector<128x512xf32>
    %mul3A_148 = arith.mulf %mul3A_112, %mul3A_112 : vector<128x512xf32>
    %mul3A_149 = arith.mulf %mul3A_113, %mul3A_113 : vector<128x512xf32>
    %sub3A_150 = arith.subf %mul3A_148, %mul3A_149 : vector<128x512xf32>
    %mul3A_151 = arith.constant 0.546274245 : f32
    %mul3A_152 = vector.broadcast %mul3A_151 : f32 to vector<128x512xf32>
    %mul3A_153 = arith.mulf %mul3A_152, %sub3A_150 : vector<128x512xf32>
    %sub3A_154 = arith.constant 0.000000e+00 : f32
    %sub3A_155 = vector.broadcast %sub3A_154 : f32 to vector<128x512xf32>
    %sub3A_156 = arith.subf %slice3A_90, %sub3A_155 : vector<128x512xf32>
    %mul3A_157 = arith.mulf %sub3A_156, %sub3A_156 : vector<128x512xf32>
    %neg3A_158 = arith.constant 0.000000e+00 : f32
    %neg3A_159 = vector.broadcast %neg3A_158 : f32 to vector<128x512xf32>
    %neg3A_160 = arith.subf %neg3A_159, %mul3A_157 : vector<128x512xf32>
    %mul3A_161 = arith.constant 1.125000e+00 : f32
    %mul3A_162 = vector.broadcast %mul3A_161 : f32 to vector<128x512xf32>
    %mul3A_163 = arith.mulf %neg3A_160, %mul3A_162 : vector<128x512xf32>
    %exp3A_164 = math.exp %mul3A_163 : vector<128x512xf32>
    %mul3A_165 = arith.mulf %slice3A_91, %exp3A_164 : vector<128x512xf32>
    %mul3A_166 = arith.mulf %mul3A_165, %broadcast_in_dim3A_116 : vector<128x512xf32>
    %mul3A_167 = arith.mulf %mul3A_165, %mul3A_119 : vector<128x512xf32>
    %mul3A_168 = arith.mulf %mul3A_165, %mul3A_122 : vector<128x512xf32>
    %mul3A_169 = arith.mulf %mul3A_165, %mul3A_125 : vector<128x512xf32>
    %mul3A_170 = arith.mulf %mul3A_165, %mul3A_129 : vector<128x512xf32>
    %mul3A_171 = arith.mulf %mul3A_165, %mul3A_133 : vector<128x512xf32>
    %mul3A_172 = arith.mulf %mul3A_165, %mul3A_143 : vector<128x512xf32>
    %mul3A_173 = arith.mulf %mul3A_165, %mul3A_147 : vector<128x512xf32>
    %mul3A_174 = arith.mulf %mul3A_165, %mul3A_153 : vector<128x512xf32>
    %sub3A_175 = arith.constant 0.666666686 : f32
    %sub3A_176 = vector.broadcast %sub3A_175 : f32 to vector<128x512xf32>
    %sub3A_177 = arith.subf %slice3A_90, %sub3A_176 : vector<128x512xf32>
    %mul3A_178 = arith.mulf %sub3A_177, %sub3A_177 : vector<128x512xf32>
    %neg3A_179 = arith.constant 0.000000e+00 : f32
    %neg3A_180 = vector.broadcast %neg3A_179 : f32 to vector<128x512xf32>
    %neg3A_181 = arith.subf %neg3A_180, %mul3A_178 : vector<128x512xf32>
    %mul3A_182 = arith.constant 1.125000e+00 : f32
    %mul3A_183 = vector.broadcast %mul3A_182 : f32 to vector<128x512xf32>
    %mul3A_184 = arith.mulf %neg3A_181, %mul3A_183 : vector<128x512xf32>
    %exp3A_185 = math.exp %mul3A_184 : vector<128x512xf32>
    %mul3A_186 = arith.mulf %slice3A_91, %exp3A_185 : vector<128x512xf32>
    %mul3A_187 = arith.mulf %mul3A_186, %broadcast_in_dim3A_116 : vector<128x512xf32>
    %mul3A_188 = arith.mulf %mul3A_186, %mul3A_119 : vector<128x512xf32>
    %mul3A_189 = arith.mulf %mul3A_186, %mul3A_122 : vector<128x512xf32>
    %mul3A_190 = arith.mulf %mul3A_186, %mul3A_125 : vector<128x512xf32>
    %mul3A_191 = arith.mulf %mul3A_186, %mul3A_129 : vector<128x512xf32>
    %mul3A_192 = arith.mulf %mul3A_186, %mul3A_133 : vector<128x512xf32>
    %mul3A_193 = arith.mulf %mul3A_186, %mul3A_143 : vector<128x512xf32>
    %mul3A_194 = arith.mulf %mul3A_186, %mul3A_147 : vector<128x512xf32>
    %mul3A_195 = arith.mulf %mul3A_186, %mul3A_153 : vector<128x512xf32>
    %sub3A_196 = arith.constant 1.33333337 : f32
    %sub3A_197 = vector.broadcast %sub3A_196 : f32 to vector<128x512xf32>
    %sub3A_198 = arith.subf %slice3A_90, %sub3A_197 : vector<128x512xf32>
    %mul3A_199 = arith.mulf %sub3A_198, %sub3A_198 : vector<128x512xf32>
    %neg3A_200 = arith.constant 0.000000e+00 : f32
    %neg3A_201 = vector.broadcast %neg3A_200 : f32 to vector<128x512xf32>
    %neg3A_202 = arith.subf %neg3A_201, %mul3A_199 : vector<128x512xf32>
    %mul3A_203 = arith.constant 1.125000e+00 : f32
    %mul3A_204 = vector.broadcast %mul3A_203 : f32 to vector<128x512xf32>
    %mul3A_205 = arith.mulf %neg3A_202, %mul3A_204 : vector<128x512xf32>
    %exp3A_206 = math.exp %mul3A_205 : vector<128x512xf32>
    %mul3A_207 = arith.mulf %slice3A_91, %exp3A_206 : vector<128x512xf32>
    %mul3A_208 = arith.mulf %mul3A_207, %broadcast_in_dim3A_116 : vector<128x512xf32>
    %mul3A_209 = arith.mulf %mul3A_207, %mul3A_119 : vector<128x512xf32>
    %mul3A_210 = arith.mulf %mul3A_207, %mul3A_122 : vector<128x512xf32>
    %mul3A_211 = arith.mulf %mul3A_207, %mul3A_125 : vector<128x512xf32>
    %mul3A_212 = arith.mulf %mul3A_207, %mul3A_129 : vector<128x512xf32>
    %mul3A_213 = arith.mulf %mul3A_207, %mul3A_133 : vector<128x512xf32>
    %mul3A_214 = arith.mulf %mul3A_207, %mul3A_143 : vector<128x512xf32>
    %mul3A_215 = arith.mulf %mul3A_207, %mul3A_147 : vector<128x512xf32>
    %mul3A_216 = arith.mulf %mul3A_207, %mul3A_153 : vector<128x512xf32>
    %sub3A_217 = arith.constant 2.000000e+00 : f32
    %sub3A_218 = vector.broadcast %sub3A_217 : f32 to vector<128x512xf32>
    %sub3A_219 = arith.subf %slice3A_90, %sub3A_218 : vector<128x512xf32>
    %mul3A_220 = arith.mulf %sub3A_219, %sub3A_219 : vector<128x512xf32>
    %neg3A_221 = arith.constant 0.000000e+00 : f32
    %neg3A_222 = vector.broadcast %neg3A_221 : f32 to vector<128x512xf32>
    %neg3A_223 = arith.subf %neg3A_222, %mul3A_220 : vector<128x512xf32>
    %mul3A_224 = arith.constant 1.125000e+00 : f32
    %mul3A_225 = vector.broadcast %mul3A_224 : f32 to vector<128x512xf32>
    %mul3A_226 = arith.mulf %neg3A_223, %mul3A_225 : vector<128x512xf32>
    %exp3A_227 = math.exp %mul3A_226 : vector<128x512xf32>
    %mul3A_228 = arith.mulf %slice3A_91, %exp3A_227 : vector<128x512xf32>
    %mul3A_229 = arith.mulf %mul3A_228, %broadcast_in_dim3A_116 : vector<128x512xf32>
    %mul3A_230 = arith.mulf %mul3A_228, %mul3A_119 : vector<128x512xf32>
    %mul3A_231 = arith.mulf %mul3A_228, %mul3A_122 : vector<128x512xf32>
    %mul3A_232 = arith.mulf %mul3A_228, %mul3A_125 : vector<128x512xf32>
    %mul3A_233 = arith.mulf %mul3A_228, %mul3A_129 : vector<128x512xf32>
    %mul3A_234 = arith.mulf %mul3A_228, %mul3A_133 : vector<128x512xf32>
    %mul3A_235 = arith.mulf %mul3A_228, %mul3A_143 : vector<128x512xf32>
    %mul3A_236 = arith.mulf %mul3A_228, %mul3A_147 : vector<128x512xf32>
    %mul3A_237 = arith.mulf %mul3A_228, %mul3A_153 : vector<128x512xf32>
    %concatenate3A = tpu.concatenate %mul3A_166, %mul3A_167, %mul3A_168, %mul3A_169, %mul3A_170, %mul3A_171, %mul3A_172, %mul3A_173, %mul3A_174, %mul3A_187, %mul3A_188, %mul3A_189, %mul3A_190, %mul3A_191, %mul3A_192, %mul3A_193, %mul3A_194, %mul3A_195, %mul3A_208, %mul3A_209, %mul3A_210, %mul3A_211, %mul3A_212, %mul3A_213, %mul3A_214, %mul3A_215, %mul3A_216, %mul3A_229, %mul3A_230, %mul3A_231, %mul3A_232, %mul3A_233, %mul3A_234, %mul3A_235, %mul3A_236, %mul3A_237 in 0 : vector<128x512xf32>, vector<128x512xf32>, vector<128x512xf32>, vector<128x512xf32>, vector<128x512xf32>, vector<128x512xf32>, vector<128x512xf32>, vector<128x512xf32>, vector<128x512xf32>, vector<128x512xf32>, vector<128x512xf32>, vector<128x512xf32>, vector<128x512xf32>, vector<128x512xf32>, vector<128x512xf32>, vector<128x512xf32>, vector<128x512xf32>, vector<128x512xf32>, vector<128x512xf32>, vector<128x512xf32>, vector<128x512xf32>, vector<128x512xf32>, vector<128x512xf32>, vector<128x512xf32>, vector<128x512xf32>, vector<128x512xf32>, vector<128x512xf32>, vector<128x512xf32>, vector<128x512xf32>, vector<128x512xf32>, vector<128x512xf32>, vector<128x512xf32>, vector<128x512xf32>, vector<128x512xf32>, vector<128x512xf32>, vector<128x512xf32> -> vector<4608x512xf32>
    %convert_element_type3A_238 = arith.truncf %concatenate3A : vector<4608x512xf32> to vector<4608x512xbf16>
    %slice3A_239 = vector.extract_strided_slice %get3A_13 {offsets = [0, 0], sizes = [512, 64], strides = [1, 1]} : vector<2048x64xf32> to vector<512x64xf32>
    %convert_element_type3A_240 = arith.truncf %slice3A_239 : vector<512x64xf32> to vector<512x64xbf16>
    %dot_general3A = arith.constant dense<0.000000e+00> : vector<4608x64xf32>
    %dot_general3A_241 = tpu.matmul %convert_element_type3A_238, %convert_element_type3A_240, %dot_general3A {dimension_numbers = #tpu.dot_dimension_numbers<[1], [0], [0], [1], [0, 0, 1, 1], [], []>, transpose_lhs_hint = false} : vector<4608x512xbf16>, vector<512x64xbf16>, vector<4608x64xf32> -> vector<4608x64xf32>
    %add3A_242 = arith.addf %broadcast_in_dim3A_89, %dot_general3A_241 : vector<4608x64xf32>
    %slice3A_243 = vector.extract_strided_slice %sqrt3A {offsets = [0, 512], sizes = [128, 512], strides = [1, 1]} : vector<128x2048xf32> to vector<128x512xf32>
    %slice3A_244 = vector.extract_strided_slice %mul3A_87 {offsets = [0, 512], sizes = [128, 512], strides = [1, 1]} : vector<128x2048xf32> to vector<128x512xf32>
    %slice3A_245 = vector.extract_strided_slice %slice3A_17 {offsets = [0, 512], sizes = [1, 512], strides = [1, 1]} : vector<1x2048xf32> to vector<1x512xf32>
    %sub3A_246 = vector.broadcast %slice3A_245 : vector<1x512xf32> to vector<128x512xf32>
    %sub3A_247 = vector.broadcast %slice3A : vector<128x1xf32> to vector<128x512xf32>
    %sub3A_248 = arith.subf %sub3A_246, %sub3A_247 : vector<128x512xf32>
    %slice3A_249 = vector.extract_strided_slice %slice3A_18 {offsets = [0, 512], sizes = [1, 512], strides = [1, 1]} : vector<1x2048xf32> to vector<1x512xf32>
    %sub3A_250 = vector.broadcast %slice3A_249 : vector<1x512xf32> to vector<128x512xf32>
    %sub3A_251 = vector.broadcast %slice3A_14 : vector<128x1xf32> to vector<128x512xf32>
    %sub3A_252 = arith.subf %sub3A_250, %sub3A_251 : vector<128x512xf32>
    %slice3A_253 = vector.extract_strided_slice %slice3A_19 {offsets = [0, 512], sizes = [1, 512], strides = [1, 1]} : vector<1x2048xf32> to vector<1x512xf32>
    %sub3A_254 = vector.broadcast %slice3A_253 : vector<1x512xf32> to vector<128x512xf32>
    %sub3A_255 = vector.broadcast %slice3A_15 : vector<128x1xf32> to vector<128x512xf32>
    %sub3A_256 = arith.subf %sub3A_254, %sub3A_255 : vector<128x512xf32>
    %mul3A_257 = arith.mulf %sub3A_248, %sub3A_248 : vector<128x512xf32>
    %mul3A_258 = arith.mulf %sub3A_252, %sub3A_252 : vector<128x512xf32>
    %add3A_259 = arith.addf %mul3A_257, %mul3A_258 : vector<128x512xf32>
    %mul3A_260 = arith.mulf %sub3A_256, %sub3A_256 : vector<128x512xf32>
    %add3A_261 = arith.addf %add3A_259, %mul3A_260 : vector<128x512xf32>
    %add3A_262 = arith.constant 9.99999993E-9 : f32
    %add3A_263 = vector.broadcast %add3A_262 : f32 to vector<128x512xf32>
    %add3A_264 = arith.addf %add3A_261, %add3A_263 : vector<128x512xf32>
    %rsqrt3A_265 = math.rsqrt %add3A_264 : vector<128x512xf32>
    %mul3A_266 = arith.mulf %sub3A_248, %rsqrt3A_265 : vector<128x512xf32>
    %mul3A_267 = arith.mulf %sub3A_252, %rsqrt3A_265 : vector<128x512xf32>
    %mul3A_268 = arith.mulf %sub3A_256, %rsqrt3A_265 : vector<128x512xf32>
    %broadcast_in_dim3A_269 = arith.constant 0.282094806 : f32
    %broadcast_in_dim3A_270 = vector.broadcast %broadcast_in_dim3A_269 : f32 to vector<128x512xf32>
    %mul3A_271 = arith.constant 0.488602519 : f32
    %mul3A_272 = vector.broadcast %mul3A_271 : f32 to vector<128x512xf32>
    %mul3A_273 = arith.mulf %mul3A_272, %mul3A_267 : vector<128x512xf32>
    %mul3A_274 = arith.constant 0.488602519 : f32
    %mul3A_275 = vector.broadcast %mul3A_274 : f32 to vector<128x512xf32>
    %mul3A_276 = arith.mulf %mul3A_275, %mul3A_268 : vector<128x512xf32>
    %mul3A_277 = arith.constant 0.488602519 : f32
    %mul3A_278 = vector.broadcast %mul3A_277 : f32 to vector<128x512xf32>
    %mul3A_279 = arith.mulf %mul3A_278, %mul3A_266 : vector<128x512xf32>
    %mul3A_280 = arith.constant 1.09254849 : f32
    %mul3A_281 = vector.broadcast %mul3A_280 : f32 to vector<128x512xf32>
    %mul3A_282 = arith.mulf %mul3A_281, %mul3A_266 : vector<128x512xf32>
    %mul3A_283 = arith.mulf %mul3A_282, %mul3A_267 : vector<128x512xf32>
    %mul3A_284 = arith.constant 1.09254849 : f32
    %mul3A_285 = vector.broadcast %mul3A_284 : f32 to vector<128x512xf32>
    %mul3A_286 = arith.mulf %mul3A_285, %mul3A_267 : vector<128x512xf32>
    %mul3A_287 = arith.mulf %mul3A_286, %mul3A_268 : vector<128x512xf32>
    %mul3A_288 = arith.constant 3.000000e+00 : f32
    %mul3A_289 = vector.broadcast %mul3A_288 : f32 to vector<128x512xf32>
    %mul3A_290 = arith.mulf %mul3A_289, %mul3A_268 : vector<128x512xf32>
    %mul3A_291 = arith.mulf %mul3A_290, %mul3A_268 : vector<128x512xf32>
    %sub3A_292 = arith.constant 1.000000e+00 : f32
    %sub3A_293 = vector.broadcast %sub3A_292 : f32 to vector<128x512xf32>
    %sub3A_294 = arith.subf %mul3A_291, %sub3A_293 : vector<128x512xf32>
    %mul3A_295 = arith.constant 0.31539157 : f32
    %mul3A_296 = vector.broadcast %mul3A_295 : f32 to vector<128x512xf32>
    %mul3A_297 = arith.mulf %mul3A_296, %sub3A_294 : vector<128x512xf32>
    %mul3A_298 = arith.constant 1.09254849 : f32
    %mul3A_299 = vector.broadcast %mul3A_298 : f32 to vector<128x512xf32>
    %mul3A_300 = arith.mulf %mul3A_299, %mul3A_266 : vector<128x512xf32>
    %mul3A_301 = arith.mulf %mul3A_300, %mul3A_268 : vector<128x512xf32>
    %mul3A_302 = arith.mulf %mul3A_266, %mul3A_266 : vector<128x512xf32>
    %mul3A_303 = arith.mulf %mul3A_267, %mul3A_267 : vector<128x512xf32>
    %sub3A_304 = arith.subf %mul3A_302, %mul3A_303 : vector<128x512xf32>
    %mul3A_305 = arith.constant 0.546274245 : f32
    %mul3A_306 = vector.broadcast %mul3A_305 : f32 to vector<128x512xf32>
    %mul3A_307 = arith.mulf %mul3A_306, %sub3A_304 : vector<128x512xf32>
    %sub3A_308 = arith.constant 0.000000e+00 : f32
    %sub3A_309 = vector.broadcast %sub3A_308 : f32 to vector<128x512xf32>
    %sub3A_310 = arith.subf %slice3A_243, %sub3A_309 : vector<128x512xf32>
    %mul3A_311 = arith.mulf %sub3A_310, %sub3A_310 : vector<128x512xf32>
    %neg3A_312 = arith.constant 0.000000e+00 : f32
    %neg3A_313 = vector.broadcast %neg3A_312 : f32 to vector<128x512xf32>
    %neg3A_314 = arith.subf %neg3A_313, %mul3A_311 : vector<128x512xf32>
    %mul3A_315 = arith.constant 1.125000e+00 : f32
    %mul3A_316 = vector.broadcast %mul3A_315 : f32 to vector<128x512xf32>
    %mul3A_317 = arith.mulf %neg3A_314, %mul3A_316 : vector<128x512xf32>
    %exp3A_318 = math.exp %mul3A_317 : vector<128x512xf32>
    %mul3A_319 = arith.mulf %slice3A_244, %exp3A_318 : vector<128x512xf32>
    %mul3A_320 = arith.mulf %mul3A_319, %broadcast_in_dim3A_270 : vector<128x512xf32>
    %mul3A_321 = arith.mulf %mul3A_319, %mul3A_273 : vector<128x512xf32>
    %mul3A_322 = arith.mulf %mul3A_319, %mul3A_276 : vector<128x512xf32>
    %mul3A_323 = arith.mulf %mul3A_319, %mul3A_279 : vector<128x512xf32>
    %mul3A_324 = arith.mulf %mul3A_319, %mul3A_283 : vector<128x512xf32>
    %mul3A_325 = arith.mulf %mul3A_319, %mul3A_287 : vector<128x512xf32>
    %mul3A_326 = arith.mulf %mul3A_319, %mul3A_297 : vector<128x512xf32>
    %mul3A_327 = arith.mulf %mul3A_319, %mul3A_301 : vector<128x512xf32>
    %mul3A_328 = arith.mulf %mul3A_319, %mul3A_307 : vector<128x512xf32>
    %sub3A_329 = arith.constant 0.666666686 : f32
    %sub3A_330 = vector.broadcast %sub3A_329 : f32 to vector<128x512xf32>
    %sub3A_331 = arith.subf %slice3A_243, %sub3A_330 : vector<128x512xf32>
    %mul3A_332 = arith.mulf %sub3A_331, %sub3A_331 : vector<128x512xf32>
    %neg3A_333 = arith.constant 0.000000e+00 : f32
    %neg3A_334 = vector.broadcast %neg3A_333 : f32 to vector<128x512xf32>
    %neg3A_335 = arith.subf %neg3A_334, %mul3A_332 : vector<128x512xf32>
    %mul3A_336 = arith.constant 1.125000e+00 : f32
    %mul3A_337 = vector.broadcast %mul3A_336 : f32 to vector<128x512xf32>
    %mul3A_338 = arith.mulf %neg3A_335, %mul3A_337 : vector<128x512xf32>
    %exp3A_339 = math.exp %mul3A_338 : vector<128x512xf32>
    %mul3A_340 = arith.mulf %slice3A_244, %exp3A_339 : vector<128x512xf32>
    %mul3A_341 = arith.mulf %mul3A_340, %broadcast_in_dim3A_270 : vector<128x512xf32>
    %mul3A_342 = arith.mulf %mul3A_340, %mul3A_273 : vector<128x512xf32>
    %mul3A_343 = arith.mulf %mul3A_340, %mul3A_276 : vector<128x512xf32>
    %mul3A_344 = arith.mulf %mul3A_340, %mul3A_279 : vector<128x512xf32>
    %mul3A_345 = arith.mulf %mul3A_340, %mul3A_283 : vector<128x512xf32>
    %mul3A_346 = arith.mulf %mul3A_340, %mul3A_287 : vector<128x512xf32>
    %mul3A_347 = arith.mulf %mul3A_340, %mul3A_297 : vector<128x512xf32>
    %mul3A_348 = arith.mulf %mul3A_340, %mul3A_301 : vector<128x512xf32>
    %mul3A_349 = arith.mulf %mul3A_340, %mul3A_307 : vector<128x512xf32>
    %sub3A_350 = arith.constant 1.33333337 : f32
    %sub3A_351 = vector.broadcast %sub3A_350 : f32 to vector<128x512xf32>
    %sub3A_352 = arith.subf %slice3A_243, %sub3A_351 : vector<128x512xf32>
    %mul3A_353 = arith.mulf %sub3A_352, %sub3A_352 : vector<128x512xf32>
    %neg3A_354 = arith.constant 0.000000e+00 : f32
    %neg3A_355 = vector.broadcast %neg3A_354 : f32 to vector<128x512xf32>
    %neg3A_356 = arith.subf %neg3A_355, %mul3A_353 : vector<128x512xf32>
    %mul3A_357 = arith.constant 1.125000e+00 : f32
    %mul3A_358 = vector.broadcast %mul3A_357 : f32 to vector<128x512xf32>
    %mul3A_359 = arith.mulf %neg3A_356, %mul3A_358 : vector<128x512xf32>
    %exp3A_360 = math.exp %mul3A_359 : vector<128x512xf32>
    %mul3A_361 = arith.mulf %slice3A_244, %exp3A_360 : vector<128x512xf32>
    %mul3A_362 = arith.mulf %mul3A_361, %broadcast_in_dim3A_270 : vector<128x512xf32>
    %mul3A_363 = arith.mulf %mul3A_361, %mul3A_273 : vector<128x512xf32>
    %mul3A_364 = arith.mulf %mul3A_361, %mul3A_276 : vector<128x512xf32>
    %mul3A_365 = arith.mulf %mul3A_361, %mul3A_279 : vector<128x512xf32>
    %mul3A_366 = arith.mulf %mul3A_361, %mul3A_283 : vector<128x512xf32>
    %mul3A_367 = arith.mulf %mul3A_361, %mul3A_287 : vector<128x512xf32>
    %mul3A_368 = arith.mulf %mul3A_361, %mul3A_297 : vector<128x512xf32>
    %mul3A_369 = arith.mulf %mul3A_361, %mul3A_301 : vector<128x512xf32>
    %mul3A_370 = arith.mulf %mul3A_361, %mul3A_307 : vector<128x512xf32>
    %sub3A_371 = arith.constant 2.000000e+00 : f32
    %sub3A_372 = vector.broadcast %sub3A_371 : f32 to vector<128x512xf32>
    %sub3A_373 = arith.subf %slice3A_243, %sub3A_372 : vector<128x512xf32>
    %mul3A_374 = arith.mulf %sub3A_373, %sub3A_373 : vector<128x512xf32>
    %neg3A_375 = arith.constant 0.000000e+00 : f32
    %neg3A_376 = vector.broadcast %neg3A_375 : f32 to vector<128x512xf32>
    %neg3A_377 = arith.subf %neg3A_376, %mul3A_374 : vector<128x512xf32>
    %mul3A_378 = arith.constant 1.125000e+00 : f32
    %mul3A_379 = vector.broadcast %mul3A_378 : f32 to vector<128x512xf32>
    %mul3A_380 = arith.mulf %neg3A_377, %mul3A_379 : vector<128x512xf32>
    %exp3A_381 = math.exp %mul3A_380 : vector<128x512xf32>
    %mul3A_382 = arith.mulf %slice3A_244, %exp3A_381 : vector<128x512xf32>
    %mul3A_383 = arith.mulf %mul3A_382, %broadcast_in_dim3A_270 : vector<128x512xf32>
    %mul3A_384 = arith.mulf %mul3A_382, %mul3A_273 : vector<128x512xf32>
    %mul3A_385 = arith.mulf %mul3A_382, %mul3A_276 : vector<128x512xf32>
    %mul3A_386 = arith.mulf %mul3A_382, %mul3A_279 : vector<128x512xf32>
    %mul3A_387 = arith.mulf %mul3A_382, %mul3A_283 : vector<128x512xf32>
    %mul3A_388 = arith.mulf %mul3A_382, %mul3A_287 : vector<128x512xf32>
    %mul3A_389 = arith.mulf %mul3A_382, %mul3A_297 : vector<128x512xf32>
    %mul3A_390 = arith.mulf %mul3A_382, %mul3A_301 : vector<128x512xf32>
    %mul3A_391 = arith.mulf %mul3A_382, %mul3A_307 : vector<128x512xf32>
    %concatenate3A_392 = tpu.concatenate %mul3A_320, %mul3A_321, %mul3A_322, %mul3A_323, %mul3A_324, %mul3A_325, %mul3A_326, %mul3A_327, %mul3A_328, %mul3A_341, %mul3A_342, %mul3A_343, %mul3A_344, %mul3A_345, %mul3A_346, %mul3A_347, %mul3A_348, %mul3A_349, %mul3A_362, %mul3A_363, %mul3A_364, %mul3A_365, %mul3A_366, %mul3A_367, %mul3A_368, %mul3A_369, %mul3A_370, %mul3A_383, %mul3A_384, %mul3A_385, %mul3A_386, %mul3A_387, %mul3A_388, %mul3A_389, %mul3A_390, %mul3A_391 in 0 : vector<128x512xf32>, vector<128x512xf32>, vector<128x512xf32>, vector<128x512xf32>, vector<128x512xf32>, vector<128x512xf32>, vector<128x512xf32>, vector<128x512xf32>, vector<128x512xf32>, vector<128x512xf32>, vector<128x512xf32>, vector<128x512xf32>, vector<128x512xf32>, vector<128x512xf32>, vector<128x512xf32>, vector<128x512xf32>, vector<128x512xf32>, vector<128x512xf32>, vector<128x512xf32>, vector<128x512xf32>, vector<128x512xf32>, vector<128x512xf32>, vector<128x512xf32>, vector<128x512xf32>, vector<128x512xf32>, vector<128x512xf32>, vector<128x512xf32>, vector<128x512xf32>, vector<128x512xf32>, vector<128x512xf32>, vector<128x512xf32>, vector<128x512xf32>, vector<128x512xf32>, vector<128x512xf32>, vector<128x512xf32>, vector<128x512xf32> -> vector<4608x512xf32>
    %convert_element_type3A_393 = arith.truncf %concatenate3A_392 : vector<4608x512xf32> to vector<4608x512xbf16>
    %slice3A_394 = vector.extract_strided_slice %get3A_13 {offsets = [512, 0], sizes = [512, 64], strides = [1, 1]} : vector<2048x64xf32> to vector<512x64xf32>
    %convert_element_type3A_395 = arith.truncf %slice3A_394 : vector<512x64xf32> to vector<512x64xbf16>
    %dot_general3A_396 = arith.constant dense<0.000000e+00> : vector<4608x64xf32>
    %dot_general3A_397 = tpu.matmul %convert_element_type3A_393, %convert_element_type3A_395, %dot_general3A_396 {dimension_numbers = #tpu.dot_dimension_numbers<[1], [0], [0], [1], [0, 0, 1, 1], [], []>, transpose_lhs_hint = false} : vector<4608x512xbf16>, vector<512x64xbf16>, vector<4608x64xf32> -> vector<4608x64xf32>
    %add3A_398 = arith.addf %add3A_242, %dot_general3A_397 : vector<4608x64xf32>
    %slice3A_399 = vector.extract_strided_slice %sqrt3A {offsets = [0, 1024], sizes = [128, 512], strides = [1, 1]} : vector<128x2048xf32> to vector<128x512xf32>
    %slice3A_400 = vector.extract_strided_slice %mul3A_87 {offsets = [0, 1024], sizes = [128, 512], strides = [1, 1]} : vector<128x2048xf32> to vector<128x512xf32>
    %slice3A_401 = vector.extract_strided_slice %slice3A_17 {offsets = [0, 1024], sizes = [1, 512], strides = [1, 1]} : vector<1x2048xf32> to vector<1x512xf32>
    %sub3A_402 = vector.broadcast %slice3A_401 : vector<1x512xf32> to vector<128x512xf32>
    %sub3A_403 = vector.broadcast %slice3A : vector<128x1xf32> to vector<128x512xf32>
    %sub3A_404 = arith.subf %sub3A_402, %sub3A_403 : vector<128x512xf32>
    %slice3A_405 = vector.extract_strided_slice %slice3A_18 {offsets = [0, 1024], sizes = [1, 512], strides = [1, 1]} : vector<1x2048xf32> to vector<1x512xf32>
    %sub3A_406 = vector.broadcast %slice3A_405 : vector<1x512xf32> to vector<128x512xf32>
    %sub3A_407 = vector.broadcast %slice3A_14 : vector<128x1xf32> to vector<128x512xf32>
    %sub3A_408 = arith.subf %sub3A_406, %sub3A_407 : vector<128x512xf32>
    %slice3A_409 = vector.extract_strided_slice %slice3A_19 {offsets = [0, 1024], sizes = [1, 512], strides = [1, 1]} : vector<1x2048xf32> to vector<1x512xf32>
    %sub3A_410 = vector.broadcast %slice3A_409 : vector<1x512xf32> to vector<128x512xf32>
    %sub3A_411 = vector.broadcast %slice3A_15 : vector<128x1xf32> to vector<128x512xf32>
    %sub3A_412 = arith.subf %sub3A_410, %sub3A_411 : vector<128x512xf32>
    %mul3A_413 = arith.mulf %sub3A_404, %sub3A_404 : vector<128x512xf32>
    %mul3A_414 = arith.mulf %sub3A_408, %sub3A_408 : vector<128x512xf32>
    %add3A_415 = arith.addf %mul3A_413, %mul3A_414 : vector<128x512xf32>
    %mul3A_416 = arith.mulf %sub3A_412, %sub3A_412 : vector<128x512xf32>
    %add3A_417 = arith.addf %add3A_415, %mul3A_416 : vector<128x512xf32>
    %add3A_418 = arith.constant 9.99999993E-9 : f32
    %add3A_419 = vector.broadcast %add3A_418 : f32 to vector<128x512xf32>
    %add3A_420 = arith.addf %add3A_417, %add3A_419 : vector<128x512xf32>
    %rsqrt3A_421 = math.rsqrt %add3A_420 : vector<128x512xf32>
    %mul3A_422 = arith.mulf %sub3A_404, %rsqrt3A_421 : vector<128x512xf32>
    %mul3A_423 = arith.mulf %sub3A_408, %rsqrt3A_421 : vector<128x512xf32>
    %mul3A_424 = arith.mulf %sub3A_412, %rsqrt3A_421 : vector<128x512xf32>
    %broadcast_in_dim3A_425 = arith.constant 0.282094806 : f32
    %broadcast_in_dim3A_426 = vector.broadcast %broadcast_in_dim3A_425 : f32 to vector<128x512xf32>
    %mul3A_427 = arith.constant 0.488602519 : f32
    %mul3A_428 = vector.broadcast %mul3A_427 : f32 to vector<128x512xf32>
    %mul3A_429 = arith.mulf %mul3A_428, %mul3A_423 : vector<128x512xf32>
    %mul3A_430 = arith.constant 0.488602519 : f32
    %mul3A_431 = vector.broadcast %mul3A_430 : f32 to vector<128x512xf32>
    %mul3A_432 = arith.mulf %mul3A_431, %mul3A_424 : vector<128x512xf32>
    %mul3A_433 = arith.constant 0.488602519 : f32
    %mul3A_434 = vector.broadcast %mul3A_433 : f32 to vector<128x512xf32>
    %mul3A_435 = arith.mulf %mul3A_434, %mul3A_422 : vector<128x512xf32>
    %mul3A_436 = arith.constant 1.09254849 : f32
    %mul3A_437 = vector.broadcast %mul3A_436 : f32 to vector<128x512xf32>
    %mul3A_438 = arith.mulf %mul3A_437, %mul3A_422 : vector<128x512xf32>
    %mul3A_439 = arith.mulf %mul3A_438, %mul3A_423 : vector<128x512xf32>
    %mul3A_440 = arith.constant 1.09254849 : f32
    %mul3A_441 = vector.broadcast %mul3A_440 : f32 to vector<128x512xf32>
    %mul3A_442 = arith.mulf %mul3A_441, %mul3A_423 : vector<128x512xf32>
    %mul3A_443 = arith.mulf %mul3A_442, %mul3A_424 : vector<128x512xf32>
    %mul3A_444 = arith.constant 3.000000e+00 : f32
    %mul3A_445 = vector.broadcast %mul3A_444 : f32 to vector<128x512xf32>
    %mul3A_446 = arith.mulf %mul3A_445, %mul3A_424 : vector<128x512xf32>
    %mul3A_447 = arith.mulf %mul3A_446, %mul3A_424 : vector<128x512xf32>
    %sub3A_448 = arith.constant 1.000000e+00 : f32
    %sub3A_449 = vector.broadcast %sub3A_448 : f32 to vector<128x512xf32>
    %sub3A_450 = arith.subf %mul3A_447, %sub3A_449 : vector<128x512xf32>
    %mul3A_451 = arith.constant 0.31539157 : f32
    %mul3A_452 = vector.broadcast %mul3A_451 : f32 to vector<128x512xf32>
    %mul3A_453 = arith.mulf %mul3A_452, %sub3A_450 : vector<128x512xf32>
    %mul3A_454 = arith.constant 1.09254849 : f32
    %mul3A_455 = vector.broadcast %mul3A_454 : f32 to vector<128x512xf32>
    %mul3A_456 = arith.mulf %mul3A_455, %mul3A_422 : vector<128x512xf32>
    %mul3A_457 = arith.mulf %mul3A_456, %mul3A_424 : vector<128x512xf32>
    %mul3A_458 = arith.mulf %mul3A_422, %mul3A_422 : vector<128x512xf32>
    %mul3A_459 = arith.mulf %mul3A_423, %mul3A_423 : vector<128x512xf32>
    %sub3A_460 = arith.subf %mul3A_458, %mul3A_459 : vector<128x512xf32>
    %mul3A_461 = arith.constant 0.546274245 : f32
    %mul3A_462 = vector.broadcast %mul3A_461 : f32 to vector<128x512xf32>
    %mul3A_463 = arith.mulf %mul3A_462, %sub3A_460 : vector<128x512xf32>
    %sub3A_464 = arith.constant 0.000000e+00 : f32
    %sub3A_465 = vector.broadcast %sub3A_464 : f32 to vector<128x512xf32>
    %sub3A_466 = arith.subf %slice3A_399, %sub3A_465 : vector<128x512xf32>
    %mul3A_467 = arith.mulf %sub3A_466, %sub3A_466 : vector<128x512xf32>
    %neg3A_468 = arith.constant 0.000000e+00 : f32
    %neg3A_469 = vector.broadcast %neg3A_468 : f32 to vector<128x512xf32>
    %neg3A_470 = arith.subf %neg3A_469, %mul3A_467 : vector<128x512xf32>
    %mul3A_471 = arith.constant 1.125000e+00 : f32
    %mul3A_472 = vector.broadcast %mul3A_471 : f32 to vector<128x512xf32>
    %mul3A_473 = arith.mulf %neg3A_470, %mul3A_472 : vector<128x512xf32>
    %exp3A_474 = math.exp %mul3A_473 : vector<128x512xf32>
    %mul3A_475 = arith.mulf %slice3A_400, %exp3A_474 : vector<128x512xf32>
    %mul3A_476 = arith.mulf %mul3A_475, %broadcast_in_dim3A_426 : vector<128x512xf32>
    %mul3A_477 = arith.mulf %mul3A_475, %mul3A_429 : vector<128x512xf32>
    %mul3A_478 = arith.mulf %mul3A_475, %mul3A_432 : vector<128x512xf32>
    %mul3A_479 = arith.mulf %mul3A_475, %mul3A_435 : vector<128x512xf32>
    %mul3A_480 = arith.mulf %mul3A_475, %mul3A_439 : vector<128x512xf32>
    %mul3A_481 = arith.mulf %mul3A_475, %mul3A_443 : vector<128x512xf32>
    %mul3A_482 = arith.mulf %mul3A_475, %mul3A_453 : vector<128x512xf32>
    %mul3A_483 = arith.mulf %mul3A_475, %mul3A_457 : vector<128x512xf32>
    %mul3A_484 = arith.mulf %mul3A_475, %mul3A_463 : vector<128x512xf32>
    %sub3A_485 = arith.constant 0.666666686 : f32
    %sub3A_486 = vector.broadcast %sub3A_485 : f32 to vector<128x512xf32>
    %sub3A_487 = arith.subf %slice3A_399, %sub3A_486 : vector<128x512xf32>
    %mul3A_488 = arith.mulf %sub3A_487, %sub3A_487 : vector<128x512xf32>
    %neg3A_489 = arith.constant 0.000000e+00 : f32
    %neg3A_490 = vector.broadcast %neg3A_489 : f32 to vector<128x512xf32>
    %neg3A_491 = arith.subf %neg3A_490, %mul3A_488 : vector<128x512xf32>
    %mul3A_492 = arith.constant 1.125000e+00 : f32
    %mul3A_493 = vector.broadcast %mul3A_492 : f32 to vector<128x512xf32>
    %mul3A_494 = arith.mulf %neg3A_491, %mul3A_493 : vector<128x512xf32>
    %exp3A_495 = math.exp %mul3A_494 : vector<128x512xf32>
    %mul3A_496 = arith.mulf %slice3A_400, %exp3A_495 : vector<128x512xf32>
    %mul3A_497 = arith.mulf %mul3A_496, %broadcast_in_dim3A_426 : vector<128x512xf32>
    %mul3A_498 = arith.mulf %mul3A_496, %mul3A_429 : vector<128x512xf32>
    %mul3A_499 = arith.mulf %mul3A_496, %mul3A_432 : vector<128x512xf32>
    %mul3A_500 = arith.mulf %mul3A_496, %mul3A_435 : vector<128x512xf32>
    %mul3A_501 = arith.mulf %mul3A_496, %mul3A_439 : vector<128x512xf32>
    %mul3A_502 = arith.mulf %mul3A_496, %mul3A_443 : vector<128x512xf32>
    %mul3A_503 = arith.mulf %mul3A_496, %mul3A_453 : vector<128x512xf32>
    %mul3A_504 = arith.mulf %mul3A_496, %mul3A_457 : vector<128x512xf32>
    %mul3A_505 = arith.mulf %mul3A_496, %mul3A_463 : vector<128x512xf32>
    %sub3A_506 = arith.constant 1.33333337 : f32
    %sub3A_507 = vector.broadcast %sub3A_506 : f32 to vector<128x512xf32>
    %sub3A_508 = arith.subf %slice3A_399, %sub3A_507 : vector<128x512xf32>
    %mul3A_509 = arith.mulf %sub3A_508, %sub3A_508 : vector<128x512xf32>
    %neg3A_510 = arith.constant 0.000000e+00 : f32
    %neg3A_511 = vector.broadcast %neg3A_510 : f32 to vector<128x512xf32>
    %neg3A_512 = arith.subf %neg3A_511, %mul3A_509 : vector<128x512xf32>
    %mul3A_513 = arith.constant 1.125000e+00 : f32
    %mul3A_514 = vector.broadcast %mul3A_513 : f32 to vector<128x512xf32>
    %mul3A_515 = arith.mulf %neg3A_512, %mul3A_514 : vector<128x512xf32>
    %exp3A_516 = math.exp %mul3A_515 : vector<128x512xf32>
    %mul3A_517 = arith.mulf %slice3A_400, %exp3A_516 : vector<128x512xf32>
    %mul3A_518 = arith.mulf %mul3A_517, %broadcast_in_dim3A_426 : vector<128x512xf32>
    %mul3A_519 = arith.mulf %mul3A_517, %mul3A_429 : vector<128x512xf32>
    %mul3A_520 = arith.mulf %mul3A_517, %mul3A_432 : vector<128x512xf32>
    %mul3A_521 = arith.mulf %mul3A_517, %mul3A_435 : vector<128x512xf32>
    %mul3A_522 = arith.mulf %mul3A_517, %mul3A_439 : vector<128x512xf32>
    %mul3A_523 = arith.mulf %mul3A_517, %mul3A_443 : vector<128x512xf32>
    %mul3A_524 = arith.mulf %mul3A_517, %mul3A_453 : vector<128x512xf32>
    %mul3A_525 = arith.mulf %mul3A_517, %mul3A_457 : vector<128x512xf32>
    %mul3A_526 = arith.mulf %mul3A_517, %mul3A_463 : vector<128x512xf32>
    %sub3A_527 = arith.constant 2.000000e+00 : f32
    %sub3A_528 = vector.broadcast %sub3A_527 : f32 to vector<128x512xf32>
    %sub3A_529 = arith.subf %slice3A_399, %sub3A_528 : vector<128x512xf32>
    %mul3A_530 = arith.mulf %sub3A_529, %sub3A_529 : vector<128x512xf32>
    %neg3A_531 = arith.constant 0.000000e+00 : f32
    %neg3A_532 = vector.broadcast %neg3A_531 : f32 to vector<128x512xf32>
    %neg3A_533 = arith.subf %neg3A_532, %mul3A_530 : vector<128x512xf32>
    %mul3A_534 = arith.constant 1.125000e+00 : f32
    %mul3A_535 = vector.broadcast %mul3A_534 : f32 to vector<128x512xf32>
    %mul3A_536 = arith.mulf %neg3A_533, %mul3A_535 : vector<128x512xf32>
    %exp3A_537 = math.exp %mul3A_536 : vector<128x512xf32>
    %mul3A_538 = arith.mulf %slice3A_400, %exp3A_537 : vector<128x512xf32>
    %mul3A_539 = arith.mulf %mul3A_538, %broadcast_in_dim3A_426 : vector<128x512xf32>
    %mul3A_540 = arith.mulf %mul3A_538, %mul3A_429 : vector<128x512xf32>
    %mul3A_541 = arith.mulf %mul3A_538, %mul3A_432 : vector<128x512xf32>
    %mul3A_542 = arith.mulf %mul3A_538, %mul3A_435 : vector<128x512xf32>
    %mul3A_543 = arith.mulf %mul3A_538, %mul3A_439 : vector<128x512xf32>
    %mul3A_544 = arith.mulf %mul3A_538, %mul3A_443 : vector<128x512xf32>
    %mul3A_545 = arith.mulf %mul3A_538, %mul3A_453 : vector<128x512xf32>
    %mul3A_546 = arith.mulf %mul3A_538, %mul3A_457 : vector<128x512xf32>
    %mul3A_547 = arith.mulf %mul3A_538, %mul3A_463 : vector<128x512xf32>
    %concatenate3A_548 = tpu.concatenate %mul3A_476, %mul3A_477, %mul3A_478, %mul3A_479, %mul3A_480, %mul3A_481, %mul3A_482, %mul3A_483, %mul3A_484, %mul3A_497, %mul3A_498, %mul3A_499, %mul3A_500, %mul3A_501, %mul3A_502, %mul3A_503, %mul3A_504, %mul3A_505, %mul3A_518, %mul3A_519, %mul3A_520, %mul3A_521, %mul3A_522, %mul3A_523, %mul3A_524, %mul3A_525, %mul3A_526, %mul3A_539, %mul3A_540, %mul3A_541, %mul3A_542, %mul3A_543, %mul3A_544, %mul3A_545, %mul3A_546, %mul3A_547 in 0 : vector<128x512xf32>, vector<128x512xf32>, vector<128x512xf32>, vector<128x512xf32>, vector<128x512xf32>, vector<128x512xf32>, vector<128x512xf32>, vector<128x512xf32>, vector<128x512xf32>, vector<128x512xf32>, vector<128x512xf32>, vector<128x512xf32>, vector<128x512xf32>, vector<128x512xf32>, vector<128x512xf32>, vector<128x512xf32>, vector<128x512xf32>, vector<128x512xf32>, vector<128x512xf32>, vector<128x512xf32>, vector<128x512xf32>, vector<128x512xf32>, vector<128x512xf32>, vector<128x512xf32>, vector<128x512xf32>, vector<128x512xf32>, vector<128x512xf32>, vector<128x512xf32>, vector<128x512xf32>, vector<128x512xf32>, vector<128x512xf32>, vector<128x512xf32>, vector<128x512xf32>, vector<128x512xf32>, vector<128x512xf32>, vector<128x512xf32> -> vector<4608x512xf32>
    %convert_element_type3A_549 = arith.truncf %concatenate3A_548 : vector<4608x512xf32> to vector<4608x512xbf16>
    %slice3A_550 = vector.extract_strided_slice %get3A_13 {offsets = [1024, 0], sizes = [512, 64], strides = [1, 1]} : vector<2048x64xf32> to vector<512x64xf32>
    %convert_element_type3A_551 = arith.truncf %slice3A_550 : vector<512x64xf32> to vector<512x64xbf16>
    %dot_general3A_552 = arith.constant dense<0.000000e+00> : vector<4608x64xf32>
    %dot_general3A_553 = tpu.matmul %convert_element_type3A_549, %convert_element_type3A_551, %dot_general3A_552 {dimension_numbers = #tpu.dot_dimension_numbers<[1], [0], [0], [1], [0, 0, 1, 1], [], []>, transpose_lhs_hint = false} : vector<4608x512xbf16>, vector<512x64xbf16>, vector<4608x64xf32> -> vector<4608x64xf32>
    %add3A_554 = arith.addf %add3A_398, %dot_general3A_553 : vector<4608x64xf32>
    %slice3A_555 = vector.extract_strided_slice %sqrt3A {offsets = [0, 1536], sizes = [128, 512], strides = [1, 1]} : vector<128x2048xf32> to vector<128x512xf32>
    %slice3A_556 = vector.extract_strided_slice %mul3A_87 {offsets = [0, 1536], sizes = [128, 512], strides = [1, 1]} : vector<128x2048xf32> to vector<128x512xf32>
    %slice3A_557 = vector.extract_strided_slice %slice3A_17 {offsets = [0, 1536], sizes = [1, 512], strides = [1, 1]} : vector<1x2048xf32> to vector<1x512xf32>
    %sub3A_558 = vector.broadcast %slice3A_557 : vector<1x512xf32> to vector<128x512xf32>
    %sub3A_559 = vector.broadcast %slice3A : vector<128x1xf32> to vector<128x512xf32>
    %sub3A_560 = arith.subf %sub3A_558, %sub3A_559 : vector<128x512xf32>
    %slice3A_561 = vector.extract_strided_slice %slice3A_18 {offsets = [0, 1536], sizes = [1, 512], strides = [1, 1]} : vector<1x2048xf32> to vector<1x512xf32>
    %sub3A_562 = vector.broadcast %slice3A_561 : vector<1x512xf32> to vector<128x512xf32>
    %sub3A_563 = vector.broadcast %slice3A_14 : vector<128x1xf32> to vector<128x512xf32>
    %sub3A_564 = arith.subf %sub3A_562, %sub3A_563 : vector<128x512xf32>
    %slice3A_565 = vector.extract_strided_slice %slice3A_19 {offsets = [0, 1536], sizes = [1, 512], strides = [1, 1]} : vector<1x2048xf32> to vector<1x512xf32>
    %sub3A_566 = vector.broadcast %slice3A_565 : vector<1x512xf32> to vector<128x512xf32>
    %sub3A_567 = vector.broadcast %slice3A_15 : vector<128x1xf32> to vector<128x512xf32>
    %sub3A_568 = arith.subf %sub3A_566, %sub3A_567 : vector<128x512xf32>
    %mul3A_569 = arith.mulf %sub3A_560, %sub3A_560 : vector<128x512xf32>
    %mul3A_570 = arith.mulf %sub3A_564, %sub3A_564 : vector<128x512xf32>
    %add3A_571 = arith.addf %mul3A_569, %mul3A_570 : vector<128x512xf32>
    %mul3A_572 = arith.mulf %sub3A_568, %sub3A_568 : vector<128x512xf32>
    %add3A_573 = arith.addf %add3A_571, %mul3A_572 : vector<128x512xf32>
    %add3A_574 = arith.constant 9.99999993E-9 : f32
    %add3A_575 = vector.broadcast %add3A_574 : f32 to vector<128x512xf32>
    %add3A_576 = arith.addf %add3A_573, %add3A_575 : vector<128x512xf32>
    %rsqrt3A_577 = math.rsqrt %add3A_576 : vector<128x512xf32>
    %mul3A_578 = arith.mulf %sub3A_560, %rsqrt3A_577 : vector<128x512xf32>
    %mul3A_579 = arith.mulf %sub3A_564, %rsqrt3A_577 : vector<128x512xf32>
    %mul3A_580 = arith.mulf %sub3A_568, %rsqrt3A_577 : vector<128x512xf32>
    %broadcast_in_dim3A_581 = arith.constant 0.282094806 : f32
    %broadcast_in_dim3A_582 = vector.broadcast %broadcast_in_dim3A_581 : f32 to vector<128x512xf32>
    %mul3A_583 = arith.constant 0.488602519 : f32
    %mul3A_584 = vector.broadcast %mul3A_583 : f32 to vector<128x512xf32>
    %mul3A_585 = arith.mulf %mul3A_584, %mul3A_579 : vector<128x512xf32>
    %mul3A_586 = arith.constant 0.488602519 : f32
    %mul3A_587 = vector.broadcast %mul3A_586 : f32 to vector<128x512xf32>
    %mul3A_588 = arith.mulf %mul3A_587, %mul3A_580 : vector<128x512xf32>
    %mul3A_589 = arith.constant 0.488602519 : f32
    %mul3A_590 = vector.broadcast %mul3A_589 : f32 to vector<128x512xf32>
    %mul3A_591 = arith.mulf %mul3A_590, %mul3A_578 : vector<128x512xf32>
    %mul3A_592 = arith.constant 1.09254849 : f32
    %mul3A_593 = vector.broadcast %mul3A_592 : f32 to vector<128x512xf32>
    %mul3A_594 = arith.mulf %mul3A_593, %mul3A_578 : vector<128x512xf32>
    %mul3A_595 = arith.mulf %mul3A_594, %mul3A_579 : vector<128x512xf32>
    %mul3A_596 = arith.constant 1.09254849 : f32
    %mul3A_597 = vector.broadcast %mul3A_596 : f32 to vector<128x512xf32>
    %mul3A_598 = arith.mulf %mul3A_597, %mul3A_579 : vector<128x512xf32>
    %mul3A_599 = arith.mulf %mul3A_598, %mul3A_580 : vector<128x512xf32>
    %mul3A_600 = arith.constant 3.000000e+00 : f32
    %mul3A_601 = vector.broadcast %mul3A_600 : f32 to vector<128x512xf32>
    %mul3A_602 = arith.mulf %mul3A_601, %mul3A_580 : vector<128x512xf32>
    %mul3A_603 = arith.mulf %mul3A_602, %mul3A_580 : vector<128x512xf32>
    %sub3A_604 = arith.constant 1.000000e+00 : f32
    %sub3A_605 = vector.broadcast %sub3A_604 : f32 to vector<128x512xf32>
    %sub3A_606 = arith.subf %mul3A_603, %sub3A_605 : vector<128x512xf32>
    %mul3A_607 = arith.constant 0.31539157 : f32
    %mul3A_608 = vector.broadcast %mul3A_607 : f32 to vector<128x512xf32>
    %mul3A_609 = arith.mulf %mul3A_608, %sub3A_606 : vector<128x512xf32>
    %mul3A_610 = arith.constant 1.09254849 : f32
    %mul3A_611 = vector.broadcast %mul3A_610 : f32 to vector<128x512xf32>
    %mul3A_612 = arith.mulf %mul3A_611, %mul3A_578 : vector<128x512xf32>
    %mul3A_613 = arith.mulf %mul3A_612, %mul3A_580 : vector<128x512xf32>
    %mul3A_614 = arith.mulf %mul3A_578, %mul3A_578 : vector<128x512xf32>
    %mul3A_615 = arith.mulf %mul3A_579, %mul3A_579 : vector<128x512xf32>
    %sub3A_616 = arith.subf %mul3A_614, %mul3A_615 : vector<128x512xf32>
    %mul3A_617 = arith.constant 0.546274245 : f32
    %mul3A_618 = vector.broadcast %mul3A_617 : f32 to vector<128x512xf32>
    %mul3A_619 = arith.mulf %mul3A_618, %sub3A_616 : vector<128x512xf32>
    %sub3A_620 = arith.constant 0.000000e+00 : f32
    %sub3A_621 = vector.broadcast %sub3A_620 : f32 to vector<128x512xf32>
    %sub3A_622 = arith.subf %slice3A_555, %sub3A_621 : vector<128x512xf32>
    %mul3A_623 = arith.mulf %sub3A_622, %sub3A_622 : vector<128x512xf32>
    %neg3A_624 = arith.constant 0.000000e+00 : f32
    %neg3A_625 = vector.broadcast %neg3A_624 : f32 to vector<128x512xf32>
    %neg3A_626 = arith.subf %neg3A_625, %mul3A_623 : vector<128x512xf32>
    %mul3A_627 = arith.constant 1.125000e+00 : f32
    %mul3A_628 = vector.broadcast %mul3A_627 : f32 to vector<128x512xf32>
    %mul3A_629 = arith.mulf %neg3A_626, %mul3A_628 : vector<128x512xf32>
    %exp3A_630 = math.exp %mul3A_629 : vector<128x512xf32>
    %mul3A_631 = arith.mulf %slice3A_556, %exp3A_630 : vector<128x512xf32>
    %mul3A_632 = arith.mulf %mul3A_631, %broadcast_in_dim3A_582 : vector<128x512xf32>
    %mul3A_633 = arith.mulf %mul3A_631, %mul3A_585 : vector<128x512xf32>
    %mul3A_634 = arith.mulf %mul3A_631, %mul3A_588 : vector<128x512xf32>
    %mul3A_635 = arith.mulf %mul3A_631, %mul3A_591 : vector<128x512xf32>
    %mul3A_636 = arith.mulf %mul3A_631, %mul3A_595 : vector<128x512xf32>
    %mul3A_637 = arith.mulf %mul3A_631, %mul3A_599 : vector<128x512xf32>
    %mul3A_638 = arith.mulf %mul3A_631, %mul3A_609 : vector<128x512xf32>
    %mul3A_639 = arith.mulf %mul3A_631, %mul3A_613 : vector<128x512xf32>
    %mul3A_640 = arith.mulf %mul3A_631, %mul3A_619 : vector<128x512xf32>
    %sub3A_641 = arith.constant 0.666666686 : f32
    %sub3A_642 = vector.broadcast %sub3A_641 : f32 to vector<128x512xf32>
    %sub3A_643 = arith.subf %slice3A_555, %sub3A_642 : vector<128x512xf32>
    %mul3A_644 = arith.mulf %sub3A_643, %sub3A_643 : vector<128x512xf32>
    %neg3A_645 = arith.constant 0.000000e+00 : f32
    %neg3A_646 = vector.broadcast %neg3A_645 : f32 to vector<128x512xf32>
    %neg3A_647 = arith.subf %neg3A_646, %mul3A_644 : vector<128x512xf32>
    %mul3A_648 = arith.constant 1.125000e+00 : f32
    %mul3A_649 = vector.broadcast %mul3A_648 : f32 to vector<128x512xf32>
    %mul3A_650 = arith.mulf %neg3A_647, %mul3A_649 : vector<128x512xf32>
    %exp3A_651 = math.exp %mul3A_650 : vector<128x512xf32>
    %mul3A_652 = arith.mulf %slice3A_556, %exp3A_651 : vector<128x512xf32>
    %mul3A_653 = arith.mulf %mul3A_652, %broadcast_in_dim3A_582 : vector<128x512xf32>
    %mul3A_654 = arith.mulf %mul3A_652, %mul3A_585 : vector<128x512xf32>
    %mul3A_655 = arith.mulf %mul3A_652, %mul3A_588 : vector<128x512xf32>
    %mul3A_656 = arith.mulf %mul3A_652, %mul3A_591 : vector<128x512xf32>
    %mul3A_657 = arith.mulf %mul3A_652, %mul3A_595 : vector<128x512xf32>
    %mul3A_658 = arith.mulf %mul3A_652, %mul3A_599 : vector<128x512xf32>
    %mul3A_659 = arith.mulf %mul3A_652, %mul3A_609 : vector<128x512xf32>
    %mul3A_660 = arith.mulf %mul3A_652, %mul3A_613 : vector<128x512xf32>
    %mul3A_661 = arith.mulf %mul3A_652, %mul3A_619 : vector<128x512xf32>
    %sub3A_662 = arith.constant 1.33333337 : f32
    %sub3A_663 = vector.broadcast %sub3A_662 : f32 to vector<128x512xf32>
    %sub3A_664 = arith.subf %slice3A_555, %sub3A_663 : vector<128x512xf32>
    %mul3A_665 = arith.mulf %sub3A_664, %sub3A_664 : vector<128x512xf32>
    %neg3A_666 = arith.constant 0.000000e+00 : f32
    %neg3A_667 = vector.broadcast %neg3A_666 : f32 to vector<128x512xf32>
    %neg3A_668 = arith.subf %neg3A_667, %mul3A_665 : vector<128x512xf32>
    %mul3A_669 = arith.constant 1.125000e+00 : f32
    %mul3A_670 = vector.broadcast %mul3A_669 : f32 to vector<128x512xf32>
    %mul3A_671 = arith.mulf %neg3A_668, %mul3A_670 : vector<128x512xf32>
    %exp3A_672 = math.exp %mul3A_671 : vector<128x512xf32>
    %mul3A_673 = arith.mulf %slice3A_556, %exp3A_672 : vector<128x512xf32>
    %mul3A_674 = arith.mulf %mul3A_673, %broadcast_in_dim3A_582 : vector<128x512xf32>
    %mul3A_675 = arith.mulf %mul3A_673, %mul3A_585 : vector<128x512xf32>
    %mul3A_676 = arith.mulf %mul3A_673, %mul3A_588 : vector<128x512xf32>
    %mul3A_677 = arith.mulf %mul3A_673, %mul3A_591 : vector<128x512xf32>
    %mul3A_678 = arith.mulf %mul3A_673, %mul3A_595 : vector<128x512xf32>
    %mul3A_679 = arith.mulf %mul3A_673, %mul3A_599 : vector<128x512xf32>
    %mul3A_680 = arith.mulf %mul3A_673, %mul3A_609 : vector<128x512xf32>
    %mul3A_681 = arith.mulf %mul3A_673, %mul3A_613 : vector<128x512xf32>
    %mul3A_682 = arith.mulf %mul3A_673, %mul3A_619 : vector<128x512xf32>
    %sub3A_683 = arith.constant 2.000000e+00 : f32
    %sub3A_684 = vector.broadcast %sub3A_683 : f32 to vector<128x512xf32>
    %sub3A_685 = arith.subf %slice3A_555, %sub3A_684 : vector<128x512xf32>
    %mul3A_686 = arith.mulf %sub3A_685, %sub3A_685 : vector<128x512xf32>
    %neg3A_687 = arith.constant 0.000000e+00 : f32
    %neg3A_688 = vector.broadcast %neg3A_687 : f32 to vector<128x512xf32>
    %neg3A_689 = arith.subf %neg3A_688, %mul3A_686 : vector<128x512xf32>
    %mul3A_690 = arith.constant 1.125000e+00 : f32
    %mul3A_691 = vector.broadcast %mul3A_690 : f32 to vector<128x512xf32>
    %mul3A_692 = arith.mulf %neg3A_689, %mul3A_691 : vector<128x512xf32>
    %exp3A_693 = math.exp %mul3A_692 : vector<128x512xf32>
    %mul3A_694 = arith.mulf %slice3A_556, %exp3A_693 : vector<128x512xf32>
    %mul3A_695 = arith.mulf %mul3A_694, %broadcast_in_dim3A_582 : vector<128x512xf32>
    %mul3A_696 = arith.mulf %mul3A_694, %mul3A_585 : vector<128x512xf32>
    %mul3A_697 = arith.mulf %mul3A_694, %mul3A_588 : vector<128x512xf32>
    %mul3A_698 = arith.mulf %mul3A_694, %mul3A_591 : vector<128x512xf32>
    %mul3A_699 = arith.mulf %mul3A_694, %mul3A_595 : vector<128x512xf32>
    %mul3A_700 = arith.mulf %mul3A_694, %mul3A_599 : vector<128x512xf32>
    %mul3A_701 = arith.mulf %mul3A_694, %mul3A_609 : vector<128x512xf32>
    %mul3A_702 = arith.mulf %mul3A_694, %mul3A_613 : vector<128x512xf32>
    %mul3A_703 = arith.mulf %mul3A_694, %mul3A_619 : vector<128x512xf32>
    %concatenate3A_704 = tpu.concatenate %mul3A_632, %mul3A_633, %mul3A_634, %mul3A_635, %mul3A_636, %mul3A_637, %mul3A_638, %mul3A_639, %mul3A_640, %mul3A_653, %mul3A_654, %mul3A_655, %mul3A_656, %mul3A_657, %mul3A_658, %mul3A_659, %mul3A_660, %mul3A_661, %mul3A_674, %mul3A_675, %mul3A_676, %mul3A_677, %mul3A_678, %mul3A_679, %mul3A_680, %mul3A_681, %mul3A_682, %mul3A_695, %mul3A_696, %mul3A_697, %mul3A_698, %mul3A_699, %mul3A_700, %mul3A_701, %mul3A_702, %mul3A_703 in 0 : vector<128x512xf32>, vector<128x512xf32>, vector<128x512xf32>, vector<128x512xf32>, vector<128x512xf32>, vector<128x512xf32>, vector<128x512xf32>, vector<128x512xf32>, vector<128x512xf32>, vector<128x512xf32>, vector<128x512xf32>, vector<128x512xf32>, vector<128x512xf32>, vector<128x512xf32>, vector<128x512xf32>, vector<128x512xf32>, vector<128x512xf32>, vector<128x512xf32>, vector<128x512xf32>, vector<128x512xf32>, vector<128x512xf32>, vector<128x512xf32>, vector<128x512xf32>, vector<128x512xf32>, vector<128x512xf32>, vector<128x512xf32>, vector<128x512xf32>, vector<128x512xf32>, vector<128x512xf32>, vector<128x512xf32>, vector<128x512xf32>, vector<128x512xf32>, vector<128x512xf32>, vector<128x512xf32>, vector<128x512xf32>, vector<128x512xf32> -> vector<4608x512xf32>
    %convert_element_type3A_705 = arith.truncf %concatenate3A_704 : vector<4608x512xf32> to vector<4608x512xbf16>
    %slice3A_706 = vector.extract_strided_slice %get3A_13 {offsets = [1536, 0], sizes = [512, 64], strides = [1, 1]} : vector<2048x64xf32> to vector<512x64xf32>
    %convert_element_type3A_707 = arith.truncf %slice3A_706 : vector<512x64xf32> to vector<512x64xbf16>
    %dot_general3A_708 = arith.constant dense<0.000000e+00> : vector<4608x64xf32>
    %dot_general3A_709 = tpu.matmul %convert_element_type3A_705, %convert_element_type3A_707, %dot_general3A_708 {dimension_numbers = #tpu.dot_dimension_numbers<[1], [0], [0], [1], [0, 0, 1, 1], [], []>, transpose_lhs_hint = false} : vector<4608x512xbf16>, vector<512x64xbf16>, vector<4608x64xf32> -> vector<4608x64xf32>
    %add3A_710 = arith.addf %add3A_554, %dot_general3A_709 : vector<4608x64xf32>
    %mul3A_711 = arith.mulf %add3A_710, %add3A_710 : vector<4608x64xf32>
    %slice3A_712 = vector.extract_strided_slice %mul3A_711 {offsets = [0, 0], sizes = [128, 64], strides = [1, 1]} : vector<4608x64xf32> to vector<128x64xf32>
    %slice3A_713 = vector.extract_strided_slice %mul3A_711 {offsets = [128, 0], sizes = [128, 64], strides = [1, 1]} : vector<4608x64xf32> to vector<128x64xf32>
    %slice3A_714 = vector.extract_strided_slice %mul3A_711 {offsets = [256, 0], sizes = [128, 64], strides = [1, 1]} : vector<4608x64xf32> to vector<128x64xf32>
    %add3A_715 = arith.addf %slice3A_713, %slice3A_714 : vector<128x64xf32>
    %slice3A_716 = vector.extract_strided_slice %mul3A_711 {offsets = [384, 0], sizes = [128, 64], strides = [1, 1]} : vector<4608x64xf32> to vector<128x64xf32>
    %add3A_717 = arith.addf %add3A_715, %slice3A_716 : vector<128x64xf32>
    %slice3A_718 = vector.extract_strided_slice %mul3A_711 {offsets = [512, 0], sizes = [128, 64], strides = [1, 1]} : vector<4608x64xf32> to vector<128x64xf32>
    %slice3A_719 = vector.extract_strided_slice %mul3A_711 {offsets = [640, 0], sizes = [128, 64], strides = [1, 1]} : vector<4608x64xf32> to vector<128x64xf32>
    %add3A_720 = arith.addf %slice3A_718, %slice3A_719 : vector<128x64xf32>
    %slice3A_721 = vector.extract_strided_slice %mul3A_711 {offsets = [768, 0], sizes = [128, 64], strides = [1, 1]} : vector<4608x64xf32> to vector<128x64xf32>
    %add3A_722 = arith.addf %add3A_720, %slice3A_721 : vector<128x64xf32>
    %slice3A_723 = vector.extract_strided_slice %mul3A_711 {offsets = [896, 0], sizes = [128, 64], strides = [1, 1]} : vector<4608x64xf32> to vector<128x64xf32>
    %add3A_724 = arith.addf %add3A_722, %slice3A_723 : vector<128x64xf32>
    %slice3A_725 = vector.extract_strided_slice %mul3A_711 {offsets = [1024, 0], sizes = [128, 64], strides = [1, 1]} : vector<4608x64xf32> to vector<128x64xf32>
    %add3A_726 = arith.addf %add3A_724, %slice3A_725 : vector<128x64xf32>
    %slice3A_727 = vector.extract_strided_slice %mul3A_711 {offsets = [1152, 0], sizes = [128, 64], strides = [1, 1]} : vector<4608x64xf32> to vector<128x64xf32>
    %slice3A_728 = vector.extract_strided_slice %mul3A_711 {offsets = [1280, 0], sizes = [128, 64], strides = [1, 1]} : vector<4608x64xf32> to vector<128x64xf32>
    %slice3A_729 = vector.extract_strided_slice %mul3A_711 {offsets = [1408, 0], sizes = [128, 64], strides = [1, 1]} : vector<4608x64xf32> to vector<128x64xf32>
    %add3A_730 = arith.addf %slice3A_728, %slice3A_729 : vector<128x64xf32>
    %slice3A_731 = vector.extract_strided_slice %mul3A_711 {offsets = [1536, 0], sizes = [128, 64], strides = [1, 1]} : vector<4608x64xf32> to vector<128x64xf32>
    %add3A_732 = arith.addf %add3A_730, %slice3A_731 : vector<128x64xf32>
    %slice3A_733 = vector.extract_strided_slice %mul3A_711 {offsets = [1664, 0], sizes = [128, 64], strides = [1, 1]} : vector<4608x64xf32> to vector<128x64xf32>
    %slice3A_734 = vector.extract_strided_slice %mul3A_711 {offsets = [1792, 0], sizes = [128, 64], strides = [1, 1]} : vector<4608x64xf32> to vector<128x64xf32>
    %add3A_735 = arith.addf %slice3A_733, %slice3A_734 : vector<128x64xf32>
    %slice3A_736 = vector.extract_strided_slice %mul3A_711 {offsets = [1920, 0], sizes = [128, 64], strides = [1, 1]} : vector<4608x64xf32> to vector<128x64xf32>
    %add3A_737 = arith.addf %add3A_735, %slice3A_736 : vector<128x64xf32>
    %slice3A_738 = vector.extract_strided_slice %mul3A_711 {offsets = [2048, 0], sizes = [128, 64], strides = [1, 1]} : vector<4608x64xf32> to vector<128x64xf32>
    %add3A_739 = arith.addf %add3A_737, %slice3A_738 : vector<128x64xf32>
    %slice3A_740 = vector.extract_strided_slice %mul3A_711 {offsets = [2176, 0], sizes = [128, 64], strides = [1, 1]} : vector<4608x64xf32> to vector<128x64xf32>
    %add3A_741 = arith.addf %add3A_739, %slice3A_740 : vector<128x64xf32>
    %slice3A_742 = vector.extract_strided_slice %mul3A_711 {offsets = [2304, 0], sizes = [128, 64], strides = [1, 1]} : vector<4608x64xf32> to vector<128x64xf32>
    %slice3A_743 = vector.extract_strided_slice %mul3A_711 {offsets = [2432, 0], sizes = [128, 64], strides = [1, 1]} : vector<4608x64xf32> to vector<128x64xf32>
    %slice3A_744 = vector.extract_strided_slice %mul3A_711 {offsets = [2560, 0], sizes = [128, 64], strides = [1, 1]} : vector<4608x64xf32> to vector<128x64xf32>
    %add3A_745 = arith.addf %slice3A_743, %slice3A_744 : vector<128x64xf32>
    %slice3A_746 = vector.extract_strided_slice %mul3A_711 {offsets = [2688, 0], sizes = [128, 64], strides = [1, 1]} : vector<4608x64xf32> to vector<128x64xf32>
    %add3A_747 = arith.addf %add3A_745, %slice3A_746 : vector<128x64xf32>
    %slice3A_748 = vector.extract_strided_slice %mul3A_711 {offsets = [2816, 0], sizes = [128, 64], strides = [1, 1]} : vector<4608x64xf32> to vector<128x64xf32>
    %slice3A_749 = vector.extract_strided_slice %mul3A_711 {offsets = [2944, 0], sizes = [128, 64], strides = [1, 1]} : vector<4608x64xf32> to vector<128x64xf32>
    %add3A_750 = arith.addf %slice3A_748, %slice3A_749 : vector<128x64xf32>
    %slice3A_751 = vector.extract_strided_slice %mul3A_711 {offsets = [3072, 0], sizes = [128, 64], strides = [1, 1]} : vector<4608x64xf32> to vector<128x64xf32>
    %add3A_752 = arith.addf %add3A_750, %slice3A_751 : vector<128x64xf32>
    %slice3A_753 = vector.extract_strided_slice %mul3A_711 {offsets = [3200, 0], sizes = [128, 64], strides = [1, 1]} : vector<4608x64xf32> to vector<128x64xf32>
    %add3A_754 = arith.addf %add3A_752, %slice3A_753 : vector<128x64xf32>
    %slice3A_755 = vector.extract_strided_slice %mul3A_711 {offsets = [3328, 0], sizes = [128, 64], strides = [1, 1]} : vector<4608x64xf32> to vector<128x64xf32>
    %add3A_756 = arith.addf %add3A_754, %slice3A_755 : vector<128x64xf32>
    %slice3A_757 = vector.extract_strided_slice %mul3A_711 {offsets = [3456, 0], sizes = [128, 64], strides = [1, 1]} : vector<4608x64xf32> to vector<128x64xf32>
    %slice3A_758 = vector.extract_strided_slice %mul3A_711 {offsets = [3584, 0], sizes = [128, 64], strides = [1, 1]} : vector<4608x64xf32> to vector<128x64xf32>
    %slice3A_759 = vector.extract_strided_slice %mul3A_711 {offsets = [3712, 0], sizes = [128, 64], strides = [1, 1]} : vector<4608x64xf32> to vector<128x64xf32>
    %add3A_760 = arith.addf %slice3A_758, %slice3A_759 : vector<128x64xf32>
    %slice3A_761 = vector.extract_strided_slice %mul3A_711 {offsets = [3840, 0], sizes = [128, 64], strides = [1, 1]} : vector<4608x64xf32> to vector<128x64xf32>
    %add3A_762 = arith.addf %add3A_760, %slice3A_761 : vector<128x64xf32>
    %slice3A_763 = vector.extract_strided_slice %mul3A_711 {offsets = [3968, 0], sizes = [128, 64], strides = [1, 1]} : vector<4608x64xf32> to vector<128x64xf32>
    %slice3A_764 = vector.extract_strided_slice %mul3A_711 {offsets = [4096, 0], sizes = [128, 64], strides = [1, 1]} : vector<4608x64xf32> to vector<128x64xf32>
    %add3A_765 = arith.addf %slice3A_763, %slice3A_764 : vector<128x64xf32>
    %slice3A_766 = vector.extract_strided_slice %mul3A_711 {offsets = [4224, 0], sizes = [128, 64], strides = [1, 1]} : vector<4608x64xf32> to vector<128x64xf32>
    %add3A_767 = arith.addf %add3A_765, %slice3A_766 : vector<128x64xf32>
    %slice3A_768 = vector.extract_strided_slice %mul3A_711 {offsets = [4352, 0], sizes = [128, 64], strides = [1, 1]} : vector<4608x64xf32> to vector<128x64xf32>
    %add3A_769 = arith.addf %add3A_767, %slice3A_768 : vector<128x64xf32>
    %slice3A_770 = vector.extract_strided_slice %mul3A_711 {offsets = [4480, 0], sizes = [128, 64], strides = [1, 1]} : vector<4608x64xf32> to vector<128x64xf32>
    %add3A_771 = arith.addf %add3A_769, %slice3A_770 : vector<128x64xf32>
    %concatenate3A_772 = tpu.concatenate %slice3A_712, %add3A_717, %add3A_726, %slice3A_727, %add3A_732, %add3A_741, %slice3A_742, %add3A_747, %add3A_756, %slice3A_757, %add3A_762, %add3A_771 in 1 : vector<128x64xf32>, vector<128x64xf32>, vector<128x64xf32>, vector<128x64xf32>, vector<128x64xf32>, vector<128x64xf32>, vector<128x64xf32>, vector<128x64xf32>, vector<128x64xf32>, vector<128x64xf32>, vector<128x64xf32>, vector<128x64xf32> -> vector<128x768xf32>
    %max3A_773 = arith.constant 9.99999974E-5 : f32
    %max3A_774 = vector.broadcast %max3A_773 : f32 to vector<128x768xf32>
    %max3A_775 = arith.maximumf %concatenate3A_772, %max3A_774 : vector<128x768xf32>
    %sqrt3A_776 = math.sqrt %max3A_775 : vector<128x768xf32>
    %convert_element_type3A_777 = arith.truncf %sqrt3A_776 : vector<128x768xf32> to vector<128x768xbf16>
    %get3A_778 = arith.constant 0 : index
    %get3A_779 = arith.constant 0 : index
    %get3A_780 = vector.load %arg5[%get3A_778, %get3A_779] : memref<768x64xf32, #tpu.memory_space<vmem>>, vector<768x64xf32>
    %convert_element_type3A_781 = arith.truncf %get3A_780 : vector<768x64xf32> to vector<768x64xbf16>
    %dot_general3A_782 = arith.constant dense<0.000000e+00> : vector<128x64xf32>
    %dot_general3A_783 = tpu.matmul %convert_element_type3A_777, %convert_element_type3A_781, %dot_general3A_782 {dimension_numbers = #tpu.dot_dimension_numbers<[1], [0], [0], [1], [0, 0, 1, 1], [], []>, transpose_lhs_hint = false} : vector<128x768xbf16>, vector<768x64xbf16>, vector<128x64xf32> -> vector<128x64xf32>
    %get3A_784 = arith.constant 0 : index
    %get3A_785 = arith.constant 0 : index
    %get3A_786 = vector.load %arg6[%get3A_784, %get3A_785] : memref<1x64xf32, #tpu.memory_space<vmem>>, vector<1x64xf32>
    %add3A_787 = vector.broadcast %get3A_786 : vector<1x64xf32> to vector<128x64xf32>
    %add3A_788 = arith.addf %dot_general3A_783, %add3A_787 : vector<128x64xf32>
    %swap3A_789 = arith.constant 0 : index
    %swap3A_790 = arith.constant 0 : index
    %swap3A_791 = arith.constant 0 : index
    %swap3A_792 = vector.load %arg7[%swap3A_789, %swap3A_790, %swap3A_791] : memref<1x128x64xf32, #tpu.memory_space<vmem>>, vector<1x128x64xf32>
    %swap3A_793 = vector.shape_cast %swap3A_792 : vector<1x128x64xf32> to vector<128x64xf32>
    %swap3A_794 = vector.shape_cast %add3A_788 : vector<128x64xf32> to vector<1x128x64xf32>
    tpu.vector_store %arg7[%swap3A_789, %swap3A_790, %swap3A_791], %swap3A_794 {strides = array<i32>} : memref<1x128x64xf32, #tpu.memory_space<vmem>>, vector<1x128x64xf32>,
    return
  }
  func.func @transform_0(%arg0: i32, %arg1: i32) -> (i32, i32, i32) {
    %c0_i32 = arith.constant 0 : i32
    %c0_i32_0 = arith.constant 0 : i32
    return %arg0, %arg1, %c0_i32 : i32, i32, i32
  }
  func.func @transform_1(%arg0: i32, %arg1: i32) -> (i32, i32, i32) {
    %c0_i32 = arith.constant 0 : i32
    %c0_i32_0 = arith.constant 0 : i32
    %c0_i32_1 = arith.constant 0 : i32
    return %arg0, %c0_i32, %c0_i32_0 : i32, i32, i32
  }
  func.func @transform_2(%arg0: i32, %arg1: i32) -> (i32, i32, i32) {
    %c0_i32 = arith.constant 0 : i32
    %c0_i32_0 = arith.constant 0 : i32
    %c0_i32_1 = arith.constant 0 : i32
    return %arg0, %c0_i32, %c0_i32_0 : i32, i32, i32
  }
  func.func @transform_3(%arg0: i32, %arg1: i32) -> (i32, i32) {
    %c0_i32 = arith.constant 0 : i32
    %c0_i32_0 = arith.constant 0 : i32
    %c0_i32_1 = arith.constant 0 : i32
    return %c0_i32, %c0_i32_0 : i32, i32
  }
  func.func @transform_4(%arg0: i32, %arg1: i32) -> (i32, i32) {
    %c0_i32 = arith.constant 0 : i32
    %c0_i32_0 = arith.constant 0 : i32
    %c0_i32_1 = arith.constant 0 : i32
    return %c0_i32, %c0_i32_0 : i32, i32
  }
  func.func @transform_5(%arg0: i32, %arg1: i32) -> (i32, i32, i32) {
    %c0_i32 = arith.constant 0 : i32
    %c0_i32_0 = arith.constant 0 : i32
    return %arg0, %arg1, %c0_i32 : i32, i32, i32
  }
}

</mosaic_0001>

<sc_bundles>
// kernel: kernel.5.cloned.1.call-start
scs
__scs_entry_jumppad:
0x0: {  	(pc) =	sbr.rel $0x88, $3  }
0x1: {  	(tag) =	ssettag $0x0;
	lr =	simm.s32 $0x1  }
0x2: {  	[smem:$0x3F9D] =	sst lr;
	_ =	strace $0xD0000000  }
0x3: {  	_ = 	snop  }
0x4: {  	_ = 	snop  }
0x5: {  	_ = 	snop  }
0x6: {  	_ = 	snop  }
0x7: {  	_ = 	snop  }
__scs_overlays_trampoline_lowered:
0x8: {  	[smem:$0x3FAC] =	sst s0  }
0x9: {  	[smem:$0x3FAD] =	sst s1  }
0xa: {  	[smem:$0x3FAE] =	sst s2  }
0xb: {  	[smem:$0x3FAF] =	sst s3  }
0xc: {  	[smem:$0x3FB0] =	sst s4  }
0xd: {  	[smem:$0x3FB1] =	sst s5  }
0xe: {  	[smem:$0x3FB2] =	sst s6  }
0xf: {  	[smem:$0x3FB3] =	sst s7  }
0x10: {  	[smem:$0x3FB4] =	sst s8  }
0x11: {  	[smem:$0x3FB5] =	sst s9;
	s0 =	simm.s32 @!p0 $0x0  }
0x12: {  	s1 =	sld [smem:$0x3F9B];
	s0 =	simm.s32 @p0 $0x1  }
0x13: {  	[smem:$0x3FB6] =	sst s0;
	s0 =	simm.s32 @!p1 $0x0  }
0x14: {  	s2 =	sld [smem:$0x3F9A];
	s0 =	simm.s32 @p1 $0x1  }
0x15: {  	[smem:$0x3FB7] =	sst s0;
	s0 =	simm.s32 @!p2 $0x0  }
0x16: {  	s3 =	sld [smem:$0x3FDB];
	s0 =	simm.s32 @p2 $0x1  }
0x17: {  	s4 =	simm.s32 $0x1BF5;
	[smem:$0x3FB9] =	sst s0  }
0x18: {  	s0 =	sld [smem:$0x3F9C];
	_ =	swait.ge [sflag:s4], $0x0  }
0x19: {  	s7 =	sld [smem:$0x3F9D]  }
0x1a: {  	s8 =	sadd.s32 $0xFFFFE003, lr  }
0x1b: {  	s9 =	sadd.s32 $0xFFFFFEF7, lr;
	s5 =	simm.s32 $0xFFFFFFFF;
	p2 =	slt.u32 s8, $0xFFFFF086  }
0x1c: {  	p1 =	slt.u32 s9, $0xF7A;
	s5 =	simm.s32 @!p2 $0x0  }
0x1d: {  	s5 =	simm.s32 @p1 $0x1;
	p0 =	seq.s32 s7, s2  }
0x1e: {  	s7 =	smul.u32 @!p0 $0xF7A, s2;
	p2 =	seq.s32 @!p0 s5, $0x0  }
0x1f: {  	s9 =	smul.u32 $0xF7A, s1;
	s8 =	simm.s32 @!p0 $0x1BF5;
	p2 =	por !p2, p0  }
0x20: {  	[sflag:s8] =	ssyncset.s32 @!p0 $0xFFFFF086;
	s6 =	sadd.s32 @!p0 s3, s7;
	s7 =	simm.s32 @!p0 $0x108  }
0x21: {  	s3 =	sadd.s32 s3, s9;
	s6 =	sadd.s32 @!p0 $0x88, s6;
	s7 =	simm.s32 @p2 $0x1082  }
0x22: {  	[simem:s7], [sflag:s8] =	dma.local @!p0 [hbm:s6], $0xF7A  }
0x23: {  	s9 =	sor.u32 $0xD0000000, s2;
	s6 =	simm.s32 $0x108;
	_ =	swait.ge @!p0 [sflag:s8], $0x0  }
0x24: {  	s3 =	sadd.s32 $0x88, s3;
	s6 =	simm.s32 @!p1 $0x1082;
	[sflag:s4] =	ssyncset.s32 $0xFFFFF086  }
0x25: {  	[simem:s6], [sflag:s4] =	dma.local [hbm:s3], $0xF7A  }
0x26: {  	[smem:$0x3F9D] =	sst s1;
	(tag) =	ssettag s2;
	_ =	strace s9  }
0x27: {  	s1 =	sld [smem:$0x3FAD]  }
0x28: {  	s2 =	sld [smem:$0x3FAE]  }
0x29: {  	s4 =	sld [smem:$0x3FB0]  }
0x2a: {  	p0 =	seq.s32 s5, $0x0;
	s5 =	sld [smem:$0x3FB1]  }
0x2b: {  	s6 =	sld [smem:$0x3FB2]  }
0x2c: {  	s7 =	sld [smem:$0x3FB3]  }
0x2d: {  	s3 =	simm.s32 $0x108;
	s8 =	sld [smem:$0x3FB4]  }
0x2e: {  	s3 =	simm.s32 @!p0 $0x1082;
	s9 =	sld [smem:$0x3FB5]  }
0x2f: {  	lr =	sadd.s32 s0, s3;
	s0 =	sld [smem:$0x3FAC]  }
0x30: {  	s3 =	sld [smem:$0x3FAF]  }
0x31: {  	[smem:$0x3FB8] =	sst s10  }
0x32: {  	s10 =	sld [smem:$0x3FB6];
	_ =	sdelay $0x3  }
0x33: {  	p0 =	seq.s32 s10, $0x1;
	s10 =	sld [smem:$0x3FB8];
	_ =	sdelay $0x3  }
0x34: {  	[smem:$0x3FB8] =	sst s10  }
0x35: {  	s10 =	sld [smem:$0x3FB7];
	_ =	sdelay $0x3  }
0x36: {  	p1 =	seq.s32 s10, $0x1;
	s10 =	sld [smem:$0x3FB8];
	_ =	sdelay $0x3  }
0x37: {  	[smem:$0x3FB8] =	sst s10  }
0x38: {  	s10 =	sld [smem:$0x3FB9]  }
0x39: {  	_ = 	snop;
	(pc) =	sbr.ind lr, $3  }
0x3a: {  	_ = 	snop  }
0x3b: {  	_ = 	snop  }
0x3c: {  	p2 =	seq.s32 s10, $0x1;
	s10 =	sld [smem:$0x3FB8]  }
0x3d: {  	_ =	shalt  }
0x3e: {  	_ =	shalt  }
0x3f: {  	_ =	shalt  }
0x40: {  	_ =	shalt  }
0x41: {  	_ =	shalt  }
0x42: {  	_ =	shalt  }
0x43: {  	_ =	shalt  }
0x44: {  	_ =	shalt  }
0x45: {  	_ =	shalt  }
0x46: {  	_ =	shalt  }
0x47: {  	_ =	shalt  }
0x48: {  	_ =	shalt  }
0x49: {  	_ =	shalt  }
0x4a: {  	_ =	shalt  }
0x4b: {  	_ =	shalt  }
0x4c: {  	_ =	shalt  }
0x4d: {  	_ =	shalt  }
0x4e: {  	_ =	shalt  }
0x4f: {  	_ =	shalt  }
0x50: {  	_ =	shalt  }
0x51: {  	_ =	shalt  }
0x52: {  	_ =	shalt  }
0x53: {  	_ =	shalt  }
0x54: {  	_ =	shalt  }
0x55: {  	_ =	shalt  }
0x56: {  	_ =	shalt  }
0x57: {  	_ =	shalt  }
0x58: {  	_ =	shalt  }
0x59: {  	_ =	shalt  }
0x5a: {  	_ =	shalt  }
0x5b: {  	_ =	shalt  }
0x5c: {  	_ =	shalt  }
0x5d: {  	_ =	shalt  }
0x5e: {  	_ =	shalt  }
0x5f: {  	_ =	shalt  }
0x60: {  	_ =	shalt  }
0x61: {  	_ =	shalt  }
0x62: {  	_ =	shalt  }
0x63: {  	_ =	shalt  }
0x64: {  	_ =	shalt  }
0x65: {  	_ =	shalt  }
0x66: {  	_ =	shalt  }
0x67: {  	_ =	shalt  }
0x68: {  	_ =	shalt  }
0x69: {  	_ =	shalt  }
0x6a: {  	_ =	shalt  }
0x6b: {  	_ =	shalt  }
0x6c: {  	_ =	shalt  }
0x6d: {  	_ =	shalt  }
0x6e: {  	_ =	shalt  }
0x6f: {  	_ =	shalt  }
0x70: {  	_ =	shalt  }
0x71: {  	_ =	shalt  }
0x72: {  	_ =	shalt  }
0x73: {  	_ =	shalt  }
0x74: {  	_ =	shalt  }
0x75: {  	_ =	shalt  }
0x76: {  	_ =	shalt  }
0x77: {  	_ =	shalt  }
0x78: {  	_ =	shalt  }
0x79: {  	_ =	shalt  }
0x7a: {  	_ =	shalt  }
0x7b: {  	_ =	shalt  }
0x7c: {  	_ =	shalt  }
0x7d: {  	_ =	shalt  }
0x7e: {  	_ =	shalt  }
0x7f: {  	_ =	shalt  }
0x80: {  	_ =	shalt  }
0x81: {  	_ =	shalt  }
0x82: {  	_ =	shalt  }
0x83: {  	_ =	shalt  }
0x84: {  	_ =	shalt  }
0x85: {  	_ =	shalt  }
0x86: {  	_ =	shalt  }
0x87: {  	_ =	shalt  }
.Lfunc_end0:
.L_simem_size_0:
called_computation_lowered:
.L_overlay_start_0:
0x88: {  	s2 =	sld [smem:$0x3FD9]  }
0x89: {  	s3 =	sld [smem:$0x3FFE];
	_ =	sdelay $0x1  }
0x8a: {  	s1 =	srdreg.scid  }
0x8b: {  	s0 =	sand.u32 $0x1, s1  }
0x8c: {  	s17 =	sshll.u32 s0, $0xA;
	s2 =	sadd.s32 s3, s2  }
0x8d: {  	s2 =	sadd.s32 s2, s17  }
0x8e: {  	[smem:$0x3FC4] =	sst s2  }
0x8f: {  	_ = 	snop  }
0x90: {  	s2 =	sld [smem:$0x3FD0];
	(tm) =	ssettm $0x1  }
0x91: {  	s18 =	sld [smem:$0x3FFB];
	_ =	sdelay $0x3  }
0x92: {  	_ =	strace s18  }
0x93: {  	s3 =	sld [smem:$0x3FFC];
	_ =	sdelay $0x3  }
0x94: {  	_ =	strace s3  }
0x95: {  	s3 =	sld [smem:$0x3FFD];
	_ =	sdelay $0x3  }
0x96: {  	_ =	strace s3  }
0x97: {  	_ =	strace $0x8FFFFFFF  }
0x98: {  	s19 =	sld [smem:$0x3FDB];
	_ =	sdelay $0x1  }
0x99: {  	s4 =	simm.s32 $_scs_section_size  }
0x9a: {  	s5 =	simm.s32 $_size__tile_overlayer_lowered;
	s6 =	simm.s32 $_tile_overlayer_lowered  }
0x9b: {  	s22 =	simm.s32 $0x1BFF;
	s21 =	sshll.u32 s6, $0x1;
	s3 =	sadd.s32 s4, s19  }
0x9c: {  	s7 =	simm.s32 $0x0;
	s20 =	sshll.u32 s5, $0x1;
	s5 =	sadd.s32 s21, s3  }
0x9d: {  	[timem:s7], [sflag:s22] =	dma.local [hbm:s5], s20  }
0x9e: {  	_ =	swait.ge [sflag:s22], s20  }
0x9f: {  	s4 =	ssub.s32 $0x0, s20;
	[sflag:s22] =	ssyncset.done $0x0  }
0xa0: {  	[sflag:s22] =	ssyncadd.s32 s4;
	_ =	sdelay $0x1  }
0xa1: {  	s23 =	simm.s32 $0x1B8B  }
0xa2: {  	_ =	swait.ge [sflag:s23], $0x1  }
0xa3: {  	[sflag:s23] =	ssyncset.done $0x0  }
0xa4: {  	s25 =	simm.s32 $0x1B8E;
	s24 =	sld [smem:$0x3FFE];
	[sflag:s23] =	ssyncadd.s32 $0xFFFFFFFF  }
0xa5: {  	s26 =	simm.s32 $execute0_lowered;
	[smem:$0x3FD2] =	sst s25  }
0xa6: {  	s5 =	sshll.u32 s26, $0x1;
	_ =	strace $0x80000046;
	[dreg:$0x1] =	wrdreg $0xFFFFFFFF  }
0xa7: {  	s28 =	simm.s32 $_size_execute0_lowered;
	s3 =	sadd.s32 s3, s5;
	[dreg:$0x0] =	wrdreg $0x0  }
0xa8: {  	s5 =	sshll.u32 s28, $0x1;
	[dreg:$0x2] =	wrdreg s3  }
0xa9: {  	[dreg:$0x3] =	wrdreg s5  }
0xaa: {  	[dreg:$0x4] =	wrdreg $0xC0  }
0xab: {  	_ =	task [dreg:s7], $0x5FFFF  }
0xac: {  	[dreg:$0x1] =	wrdreg $0xFFFFFFFF  }
0xad: {  	[dreg:$0x0] =	wrdreg $0x60  }
0xae: {  	[dreg:$0x2] =	wrdreg s2  }
0xaf: {  	[dreg:$0x3] =	wrdreg s24  }
0xb0: {  	[dreg:$0x4] =	wrdreg $0x9  }
0xb1: {  	_ =	task.clear_ibuf [dreg:s7], $0x5FFFF;
	_ =	strace $0x90000046  }
0xb2: {  	s29 =	simm.s32 $0x9;
	_ =	strace $0x80000048  }
0xb3: {  	_ =	swait.ge [sflag:s29], $0x1  }
0xb4: {  	[sflag:s29] =	ssyncadd.s32 $0xFFFFFFFF  }
0xb5: {  	_ =	strace $0x90000048  }
0xb6: {  	_ =	sfence  }
0xb7: {  	s30 =	sld [smem:$0x0];
	_ =	sdelay $0x2  }
0xb8: {  	s31 =	sshll.u32 s1, $0xD;
	s1 =	sshrl.u32 s1, $0x2  }
0xb9: {  	s3 =	sand.u32 $0x4000, s31;
	s1 =	sadd.s32 s1, s30  }
0xba: {  	s0 =	sor.u32 s3, s0;
	s1 =	sshll.u32 s1, $0x11  }
0xbb: {  	s0 =	sor.u32 s1, s0  }
0xbc: {  	s0 =	sadd.s32 $0x8F2B, s0  }
0xbd: {  	[sflag:s0] =	ssyncadd.remote.s32 $0x1  }
0xbe: {  	_ =	sfence.sel $0xFFFF  }
0xbf: {  	[dreg:$0x0] =	wrdreg $0xFFFFFFFF;
	(pc) =	sbr.abs _section_cstart, $3  }
0xc0: {  	[dreg:$0x1] =	wrdreg $0xFFFFFFFF  }
0xc1: {  	_ =	task.clear_ibuf [dreg:s7], $0x2FFFF;
	_ =	strace $0x9FFFFFFF  }
0xc2: {  	(tm) =	ssettm $0x7FFFFFFF  }
0xc3: {  	_ =	shalt  }
tec
execute0_lowered:
.L_overlay_start_1:
0x0: {  	(tag) =	ssettag $0x1  }
0x1: {  	s4 =	rddreg [dreg:$0x0]  }
0x2: {  	s3 =	rddreg [dreg:$0x1]  }
0x3: {  	s0 =	rddreg [dreg:$0x2];
	s5 =	srdreg.scid  }
0x4: {  	s1 =	stileid.u32;
	s2 =	simm.s32 $0x0;
	s10 =	simm.s32 $0x4A00  }
0x5: {  	s11 =	simm.s32 $0x0;
	s5 =	sand.u32 $0x1, s5;
	s6 =	sshll.u32 s1, $0x1  }
0x6: {  	[smem:$0x7FF] =	sst s2;
	s8 =	sshll.u32 s1, $0x9;
	s6 =	sor.u32 s5, s6  }
0x7: {  	_ =	strace $0x80000047;
	s5 =	ssub.s32 $0x2, s5;
	s31 =	sand.u32 $0x1800, s8  }
0x8: {  	s8 =	simm.s32 $0x4800;
	s7 =	sshll.u32 s6, $0x5;
	s29 =	sshrl.u32 s5, $0x1  }
0x9: {  	s30 =	sshll.u32 s6, $0x8;
	s4 =	sadd.s32 s4, s31;
	s7 =	sadd.s32 s7, s3  }
0xa: {  	s9 =	ssub.s32 s5, s29;
	s3 =	sand.u32 $0x700, s30;
	s5 =	sadd.s32 $0xC00, s7  }
0xb: {  	v0 =	vimm.s32 $0x0;
	v1 =	vimm.s32 $0x1;
	s6 =	smax.u32 s9, $0x1;
	s7 =	simm.s32 $0x1;
	s9 =	simm.s32 $0x4900  }
.LBB2_1:
0xc: {  	[tilespmem:s2], [sflag:$0x1] =	stream.linear.gather [hbm4b:s4+s2], $0x4000, $0x38;
	[tilespmem:$0x4B00] =	vst v63  }
0xd: {  	_ =	swait.ge [sflag:s7], $0x4000  }
0xe: {  	[sflag:s7] =	ssyncset.done $0x0  }
0xf: {  	s12 =	simm.s32 $0x0;
	[sflag:s7] =	ssyncadd.s32 $0xFFFFC000  }
.LBB2_2:
0x10: {  	s13 =	sor.u32 s3, s12  }
0x11: {  	v2 =	vmov s13  }
0x12: {  	v3 =	vshll.u32 v2, $0x3  }
0x13: {  	v2 =	vand.u32 $0x7F, v2;
	v3 =	vand.u32 $0x3C00, v3  }
0x14: {  	v2 =	vor.u32 v2, v3  }
0x15: {  	v3 =	vor.u32 $0x80, v2  }
0x16: {  	v4 =	vor.u32 $0x100, v2  }
0x17: {  	v5 =	vor.u32 $0x180, v2  }
0x18: {  	s13 =	simm.s32 $0x0  }
0x19: {  	v2 =	vld.idx.msk [tilespmem:v2+s13+$0x0], $0xffff  }
0x1a: {  	v3 =	vld.idx.msk [tilespmem:v3+s13+$0x0], $0xffff  }
0x1b: {  	v4 =	vld.idx.msk [tilespmem:v4+s13+$0x0], $0xffff  }
0x1c: {  	v5 =	vld.idx.msk [tilespmem:v5+s13+$0x0], $0xffff;
	[tilespmem:$0x4800] =	vst v0  }
0x1d: {  	[tilespmem:$0x4900] =	vst v0  }
0x1e: {  	[tilespmem:$0x4810] =	vst v0  }
0x1f: {  	[tilespmem:$0x4910] =	vst v0  }
0x20: {  	[tilespmem:$0x4820] =	vst v0  }
0x21: {  	[tilespmem:$0x4920] =	vst v0  }
0x22: {  	[tilespmem:$0x4830] =	vst v0  }
0x23: {  	[tilespmem:$0x4930] =	vst v0  }
0x24: {  	[tilespmem:$0x4840] =	vst v0  }
0x25: {  	[tilespmem:$0x4940] =	vst v0  }
0x26: {  	[tilespmem:$0x4850] =	vst v0  }
0x27: {  	[tilespmem:$0x4950] =	vst v0  }
0x28: {  	[tilespmem:$0x4860] =	vst v0  }
0x29: {  	[tilespmem:$0x4960] =	vst v0  }
0x2a: {  	[tilespmem:$0x4870] =	vst v0  }
0x2b: {  	[tilespmem:$0x4970] =	vst v0  }
0x2c: {  	[tilespmem:$0x4880] =	vst v0  }
0x2d: {  	[tilespmem:$0x4980] =	vst v0  }
0x2e: {  	[tilespmem:$0x4890] =	vst v0  }
0x2f: {  	[tilespmem:$0x4990] =	vst v0  }
0x30: {  	[tilespmem:$0x48A0] =	vst v0  }
0x31: {  	[tilespmem:$0x49A0] =	vst v0  }
0x32: {  	[tilespmem:$0x48B0] =	vst v0  }
0x33: {  	[tilespmem:$0x49B0] =	vst v0  }
0x34: {  	[tilespmem:$0x48C0] =	vst v0  }
0x35: {  	[tilespmem:$0x49C0] =	vst v0  }
0x36: {  	[tilespmem:$0x48D0] =	vst v0  }
0x37: {  	[tilespmem:$0x49D0] =	vst v0  }
0x38: {  	[tilespmem:$0x48E0] =	vst v0  }
0x39: {  	[tilespmem:$0x49E0] =	vst v0  }
0x3a: {  	[tilespmem:$0x48F0] =	vst v0  }
0x3b: {  	s14 =	simm.s32 $0x100;
	s15 =	simm.s32 $0x0;
	[tilespmem:$0x49F0] =	vst v0  }
.LBB2_3:
0x3c: {  	v6 =	vld [tilespmem:s14+$0xFFFFFF00]  }
0x3d: {  	v7 =	vld [tilespmem:s14+$0xFFFFFF80];
	_ =	sdelay $0x1  }
0x3e: {  	v8 =	vld [tilespmem:s14+$0x0];
	_ =	sdelay $0x2  }
0x3f: {  	v6 =	vmul.f32 v6, v2;
	v7 =	vmul.f32 v7, v3;
	_ =	sdelay $0x1  }
0x40: {  	v6 =	vadd.f32 v7, v6;
	v7 =	vmul.f32 v8, v4;
	_ =	sdelay $0x1  }
0x41: {  	v6 =	vadd.f32 v7, v6  }
0x42: {  	v7 =	vld [tilespmem:s14+$0x80]  }
0x43: {  	v6 =	vadd.f32 v6, v6;
	_ =	sdelay $0x1  }
0x44: {  	v6 =	vsub.f32 v5, v6;
	_ =	sdelay $0x1  }
0x45: {  	v6 =	vadd.f32 v6, v7;
	_ =	sdelay $0x1  }
0x46: {  	v6 =	vmax.f32 v6, $0.0e+00  }
0x47: {  	v7 =	vshrl.u32 v6, $0x17;
	_ =	sdelay $0x2  }
0x48: {  	s16 =	sshra.s32 s15, $0x2  }
0x49: {  	[tilespmem:s16+$0x4000] =	vst v6  }
0x4a: {  	[tilespmem:v7+s8+$0x0] =	vst.idx.add.s32.msk $0xffff, v1  }
0x4b: {  	v6 =	vld [tilespmem:s14+$0xFFFFFF10]  }
0x4c: {  	v7 =	vld [tilespmem:s14+$0xFFFFFF90];
	_ =	sdelay $0x1  }
0x4d: {  	v57 =	vld [tilespmem:s14+$0x10];
	_ =	sdelay $0x2  }
0x4e: {  	v6 =	vmul.f32 v6, v2;
	v7 =	vmul.f32 v7, v3;
	_ =	sdelay $0x1  }
0x4f: {  	v6 =	vadd.f32 v7, v6;
	v7 =	vmul.f32 v57, v4;
	_ =	sdelay $0x1  }
0x50: {  	v6 =	vadd.f32 v7, v6  }
0x51: {  	v7 =	vld [tilespmem:s14+$0x90]  }
0x52: {  	v6 =	vadd.f32 v6, v6;
	_ =	sdelay $0x1  }
0x53: {  	v6 =	vsub.f32 v5, v6;
	_ =	sdelay $0x1  }
0x54: {  	v6 =	vadd.f32 v6, v7;
	_ =	sdelay $0x1  }
0x55: {  	v6 =	vmax.f32 v6, $0.0e+00  }
0x56: {  	v7 =	vshrl.u32 v6, $0x17;
	_ =	sdelay $0x3  }
0x57: {  	[tilespmem:s16+$0x4010] =	vst v6  }
0x58: {  	[tilespmem:v7+s9+$0x0] =	vst.idx.add.s32.msk $0xffff, v1  }
0x59: {  	v6 =	vld [tilespmem:s14+$0xFFFFFF20]  }
0x5a: {  	v7 =	vld [tilespmem:s14+$0xFFFFFFA0];
	_ =	sdelay $0x1  }
0x5b: {  	v58 =	vld [tilespmem:s14+$0x20];
	_ =	sdelay $0x2  }
0x5c: {  	v6 =	vmul.f32 v6, v2;
	v7 =	vmul.f32 v7, v3;
	_ =	sdelay $0x1  }
0x5d: {  	v6 =	vadd.f32 v7, v6;
	v7 =	vmul.f32 v58, v4;
	_ =	sdelay $0x1  }
0x5e: {  	v6 =	vadd.f32 v7, v6  }
0x5f: {  	v7 =	vld [tilespmem:s14+$0xA0]  }
0x60: {  	v6 =	vadd.f32 v6, v6;
	_ =	sdelay $0x1  }
0x61: {  	v6 =	vsub.f32 v5, v6;
	_ =	sdelay $0x1  }
0x62: {  	v6 =	vadd.f32 v6, v7;
	_ =	sdelay $0x1  }
0x63: {  	v6 =	vmax.f32 v6, $0.0e+00  }
0x64: {  	v7 =	vshrl.u32 v6, $0x17;
	_ =	sdelay $0x3  }
0x65: {  	[tilespmem:s16+$0x4020] =	vst v6  }
0x66: {  	[tilespmem:v7+s8+$0x0] =	vst.idx.add.s32.msk $0xffff, v1  }
0x67: {  	v6 =	vld [tilespmem:s14+$0xFFFFFF30]  }
0x68: {  	v7 =	vld [tilespmem:s14+$0xFFFFFFB0];
	_ =	sdelay $0x1  }
0x69: {  	v59 =	vld [tilespmem:s14+$0x30];
	_ =	sdelay $0x2  }
0x6a: {  	v6 =	vmul.f32 v6, v2;
	v7 =	vmul.f32 v7, v3;
	_ =	sdelay $0x1  }
0x6b: {  	v6 =	vadd.f32 v7, v6;
	v7 =	vmul.f32 v59, v4;
	_ =	sdelay $0x1  }
0x6c: {  	v6 =	vadd.f32 v7, v6  }
0x6d: {  	v7 =	vld [tilespmem:s14+$0xB0]  }
0x6e: {  	v6 =	vadd.f32 v6, v6;
	_ =	sdelay $0x1  }
0x6f: {  	v6 =	vsub.f32 v5, v6;
	_ =	sdelay $0x1  }
0x70: {  	v6 =	vadd.f32 v6, v7;
	_ =	sdelay $0x1  }
0x71: {  	v6 =	vmax.f32 v6, $0.0e+00  }
0x72: {  	v7 =	vshrl.u32 v6, $0x17;
	_ =	sdelay $0x3  }
0x73: {  	[tilespmem:s16+$0x4030] =	vst v6  }
0x74: {  	[tilespmem:v7+s9+$0x0] =	vst.idx.add.s32.msk $0xffff, v1  }
0x75: {  	v6 =	vld [tilespmem:s14+$0xFFFFFF40]  }
0x76: {  	v7 =	vld [tilespmem:s14+$0xFFFFFFC0];
	_ =	sdelay $0x1  }
0x77: {  	v60 =	vld [tilespmem:s14+$0x40];
	_ =	sdelay $0x2  }
0x78: {  	v6 =	vmul.f32 v6, v2;
	v7 =	vmul.f32 v7, v3;
	_ =	sdelay $0x1  }
0x79: {  	v6 =	vadd.f32 v7, v6;
	v7 =	vmul.f32 v60, v4;
	_ =	sdelay $0x1  }
0x7a: {  	v6 =	vadd.f32 v7, v6  }
0x7b: {  	v7 =	vld [tilespmem:s14+$0xC0]  }
0x7c: {  	v6 =	vadd.f32 v6, v6;
	_ =	sdelay $0x1  }
0x7d: {  	v6 =	vsub.f32 v5, v6;
	_ =	sdelay $0x1  }
0x7e: {  	v6 =	vadd.f32 v6, v7;
	_ =	sdelay $0x1  }
0x7f: {  	v6 =	vmax.f32 v6, $0.0e+00  }
0x80: {  	v7 =	vshrl.u32 v6, $0x17;
	_ =	sdelay $0x3  }
0x81: {  	[tilespmem:s16+$0x4040] =	vst v6  }
0x82: {  	[tilespmem:v7+s8+$0x0] =	vst.idx.add.s32.msk $0xffff, v1  }
0x83: {  	v6 =	vld [tilespmem:s14+$0xFFFFFF50]  }
0x84: {  	v7 =	vld [tilespmem:s14+$0xFFFFFFD0];
	_ =	sdelay $0x1  }
0x85: {  	v61 =	vld [tilespmem:s14+$0x50];
	_ =	sdelay $0x2  }
0x86: {  	v6 =	vmul.f32 v6, v2;
	v7 =	vmul.f32 v7, v3;
	_ =	sdelay $0x1  }
0x87: {  	v6 =	vadd.f32 v7, v6;
	v7 =	vmul.f32 v61, v4;
	_ =	sdelay $0x1  }
0x88: {  	v6 =	vadd.f32 v7, v6  }
0x89: {  	v7 =	vld [tilespmem:s14+$0xD0]  }
0x8a: {  	v6 =	vadd.f32 v6, v6;
	_ =	sdelay $0x1  }
0x8b: {  	v6 =	vsub.f32 v5, v6;
	_ =	sdelay $0x1  }
0x8c: {  	v6 =	vadd.f32 v6, v7;
	_ =	sdelay $0x1  }
0x8d: {  	v6 =	vmax.f32 v6, $0.0e+00  }
0x8e: {  	v7 =	vshrl.u32 v6, $0x17;
	_ =	sdelay $0x3  }
0x8f: {  	[tilespmem:s16+$0x4050] =	vst v6  }
0x90: {  	[tilespmem:v7+s9+$0x0] =	vst.idx.add.s32.msk $0xffff, v1  }
0x91: {  	v6 =	vld [tilespmem:s14+$0xFFFFFF60]  }
0x92: {  	v7 =	vld [tilespmem:s14+$0xFFFFFFE0];
	_ =	sdelay $0x1  }
0x93: {  	v62 =	vld [tilespmem:s14+$0x60];
	_ =	sdelay $0x2  }
0x94: {  	v6 =	vmul.f32 v6, v2;
	v7 =	vmul.f32 v7, v3;
	_ =	sdelay $0x1  }
0x95: {  	v6 =	vadd.f32 v7, v6;
	v7 =	vmul.f32 v62, v4;
	_ =	sdelay $0x1  }
0x96: {  	v6 =	vadd.f32 v7, v6  }
0x97: {  	v7 =	vld [tilespmem:s14+$0xE0]  }
0x98: {  	v6 =	vadd.f32 v6, v6;
	_ =	sdelay $0x1  }
0x99: {  	v6 =	vsub.f32 v5, v6;
	_ =	sdelay $0x1  }
0x9a: {  	v6 =	vadd.f32 v6, v7;
	_ =	sdelay $0x1  }
0x9b: {  	v6 =	vmax.f32 v6, $0.0e+00  }
0x9c: {  	v7 =	vshrl.u32 v6, $0x17;
	_ =	sdelay $0x3  }
0x9d: {  	[tilespmem:s16+$0x4060] =	vst v6  }
0x9e: {  	[tilespmem:v7+s8+$0x0] =	vst.idx.add.s32.msk $0xffff, v1  }
0x9f: {  	v6 =	vld [tilespmem:s14+$0xFFFFFF70]  }
0xa0: {  	v7 =	vld [tilespmem:s14+$0xFFFFFFF0];
	_ =	sdelay $0x1  }
0xa1: {  	v63 =	vld [tilespmem:s14+$0x70];
	_ =	sdelay $0x2  }
0xa2: {  	v6 =	vmul.f32 v6, v2;
	v7 =	vmul.f32 v7, v3;
	_ =	sdelay $0x1  }
0xa3: {  	v6 =	vadd.f32 v7, v6;
	v7 =	vmul.f32 v63, v4;
	_ =	sdelay $0x1  }
0xa4: {  	v6 =	vadd.f32 v7, v6  }
0xa5: {  	v7 =	vld [tilespmem:s14+$0xF0]  }
0xa6: {  	v6 =	vadd.f32 v6, v6;
	_ =	sdelay $0x1  }
0xa7: {  	v6 =	vsub.f32 v5, v6;
	_ =	sdelay $0x1  }
0xa8: {  	v6 =	vadd.f32 v6, v7;
	_ =	sdelay $0x1  }
0xa9: {  	v6 =	vmax.f32 v6, $0.0e+00  }
0xaa: {  	p0 =	sne.s32 s15, $0x1E00;
	v7 =	vshrl.u32 v6, $0x17  }
.Ltmp0:
0xab: {  	_ = 	snop;
	(pc) =	sbr.rel @p0 .LBB2_3-.Ltmp0, $3  }
0xac: {  	_ =	sdelay $0x1  }
0xad: {  	[tilespmem:s16+$0x4070] =	vst v6  }
0xae: {  	s15 =	sadd.s32 $0x200, s15;
	s14 =	sadd.s32 $0x400, s14;
	[tilespmem:v7+s9+$0x0] =	vst.idx.add.s32.msk $0xffff, v1  }
0xaf: {  	s14 =	simm.s32 $0x0  }
0xb0: {  	v2 =	vld [tilespmem:s14+$0x4800]  }
0xb1: {  	v3 =	vld [tilespmem:s14+$0x4900];
	_ =	sdelay $0x4  }
0xb2: {  	v2 =	vadd.s32 v2, v3  }
0xb3: {  	(xrf0) =	vadd.scan.msk.s32 $0xffff, v2;
	_ =	sdelay $0x5  }
0xb4: {  	v2, _, _ =	vpop (xrf0)  }
0xb5: {  	v2 =	vadd.s32 s13, v2  }
0xb6: {  	v3 =	vxor.u32 $0x80000000, v2  }
0xb7: {  	vm0 =	vlt.s32 v2, $0x40;
	(xrf0) =	vmax.scan.msk.u32 $0xffff, v3  }
0xb8: {  	v2 =	vmpcnt.ones.xlane vm0;
	v3 =	vnsel vm0, $0x80000000, v3  }
0xb9: {  	(xrf0) =	vmax.scan.msk.u32 $0xffff, v3  }
0xba: {  	v2 =	vxor.u32 $0x80000000, v2  }
0xbb: {  	(xrf0) =	vmax.scan.msk.u32 $0xffff, v2;
	_ =	sdelay $0x1  }
0xbc: {  	s15 =	simm.s32 $0x40;
	s16 =	simm.s32 $0x80;
	s14 =	simm.s32 $0x0;
	v2, _, _ =	vpop (xrf0)  }
.LBB2_5:
0xbd: {  	s17 =	smov.u32 s13  }
0xbe: {  	p0 =	sne.s32 s16, $0x3C0;
	v3, _, _ =	vpop (xrf0);
	(v2sf) =	vpush v2, $0xF  }
0xbf: {  	(v2sf) =	vpush v3, $0xF  }
0xc0: {  	s13 =	sshra.s32 s15, $0x2;
	s15 =	smov.u32 s16;
	v2, _, _ =	vpop (xrf0)  }
0xc1: {  	v3 =	vld [tilespmem:s13+$0x4800];
	(v2sf) =	vpush v2, $0xF  }
0xc2: {  	v2 =	vld [tilespmem:s13+$0x4900];
	_ =	sdelay $0x4  }
0xc3: {  	v2 =	vadd.s32 v3, v2  }
0xc4: {  	(xrf0) =	vadd.scan.msk.s32 $0xffff, v2;
	_ =	sdelay $0x4  }
0xc5: {  	s13 =	spop (v2sf)  }
0xc6: {  	v2, _, _ =	vpop (xrf0);
	s13 =	sxor.u32 $0x80000000, s13;
	s18 =	spop (v2sf)  }
0xc7: {  	v2 =	vadd.s32 s13, v2;
	s13 =	sxor.u32 $0x80000000, s18  }
0xc8: {  	vm0 =	vlt.s32 v2, $0x40;
	v2 =	vxor.u32 $0x80000000, v2;
	p1 =	sgt.s32 s17, s13;
	s18 =	spop (v2sf)  }
0xc9: {  	v3 =	vmpcnt.ones.xlane vm0;
	v4 =	vnsel vm0, $0x80000000, v2;
	(xrf0) =	vmax.scan.msk.u32 $0xffff, v2;
	s14 =	sadd.s32 s18, s14;
	s13 =	smov.u32 @p1 s17  }
0xca: {  	(xrf0) =	vmax.scan.msk.u32 $0xffff, v4;
	s14 =	sadd.s32 $0x80000000, s14  }
.Ltmp1:
0xcb: {  	v2 =	vxor.u32 $0x80000000, v3;
	(pc) =	sbr.rel @p0 .LBB2_5-.Ltmp1, $2  }
0xcc: {  	(xrf0) =	vmax.scan.msk.u32 $0xffff, v2;
	_ =	sdelay $0x2  }
0xcd: {  	s16 =	sadd.s32 $0x40, s16;
	v2, _, _ =	vpop (xrf0)  }
0xce: {  	(v2sf) =	vpush v2, $0xF;
	_ =	sdelay $0x1  }
0xcf: {  	s15 =	sshra.s32 s15, $0x2  }
0xd0: {  	v2 =	vld [tilespmem:s15+$0x4800]  }
0xd1: {  	v3 =	vld [tilespmem:s15+$0x4900];
	_ =	sdelay $0x4  }
0xd2: {  	v2 =	vadd.s32 v2, v3  }
0xd3: {  	(xrf0) =	vadd.scan.msk.s32 $0xffff, v2;
	_ =	sdelay $0x3  }
0xd4: {  	v2, _, _ =	vpop (xrf0)  }
0xd5: {  	v3, _, _ =	vpop (xrf0);
	s29 =	spop (v2sf)  }
0xd6: {  	[tilespmem:$0x4800] =	vst v0;
	v4, _, _ =	vpop (xrf0);
	s15 =	sxor.u32 $0x80000000, s29  }
0xd7: {  	[tilespmem:$0x4900] =	vst v0;
	v4 =	vadd.s32 s15, v4  }
0xd8: {  	[tilespmem:$0x4810] =	vst v0;
	vm0 =	vlt.s32 v4, $0x40  }
0xd9: {  	[tilespmem:$0x4910] =	vst v0;
	v4 =	vxor.u32 $0x80000000, v4;
	v5 =	vmpcnt.ones.xlane vm0  }
0xda: {  	[tilespmem:$0x4820] =	vst v0;
	(xrf0) =	vmax.scan.msk.u32 $0xffff, v4;
	v4 =	vnsel vm0, $0x80000000, v4  }
0xdb: {  	[tilespmem:$0x4920] =	vst v0;
	(xrf0) =	vmax.scan.msk.u32 $0xffff, v4;
	v63 =	vxor.u32 $0x80000000, v5  }
0xdc: {  	[tilespmem:$0x4830] =	vst v0;
	(xrf0) =	vmax.scan.msk.u32 $0xffff, v63  }
0xdd: {  	[tilespmem:$0x4930] =	vst v0  }
0xde: {  	[tilespmem:$0x4840] =	vst v0  }
0xdf: {  	[tilespmem:$0x4940] =	vst v0;
	(v2sf) =	vpush v2, $0xF  }
0xe0: {  	[tilespmem:$0x4850] =	vst v0;
	(v2sf) =	vpush v3, $0xF;
	v2, _, _ =	vpop (xrf0)  }
0xe1: {  	[tilespmem:$0x4950] =	vst v0;
	v3, _, _ =	vpop (xrf0);
	(v2sf) =	vpush v2, $0xF  }
0xe2: {  	[tilespmem:$0x4860] =	vst v0;
	(v2sf) =	vpush v3, $0xF;
	v2, _, _ =	vpop (xrf0)  }
0xe3: {  	[tilespmem:$0x4960] =	vst v0;
	(v2sf) =	vpush v2, $0xF  }
0xe4: {  	[tilespmem:$0x4870] =	vst v0  }
0xe5: {  	[tilespmem:$0x4970] =	vst v0  }
0xe6: {  	[tilespmem:$0x4880] =	vst v0  }
0xe7: {  	[tilespmem:$0x4980] =	vst v0  }
0xe8: {  	[tilespmem:$0x4890] =	vst v0  }
0xe9: {  	[tilespmem:$0x4990] =	vst v0  }
0xea: {  	[tilespmem:$0x48A0] =	vst v0  }
0xeb: {  	[tilespmem:$0x49A0] =	vst v0  }
0xec: {  	[tilespmem:$0x48B0] =	vst v0  }
0xed: {  	[tilespmem:$0x49B0] =	vst v0  }
0xee: {  	[tilespmem:$0x48C0] =	vst v0;
	s30 =	spop (v2sf)  }
0xef: {  	[tilespmem:$0x49C0] =	vst v0;
	s16 =	spop (v2sf)  }
0xf0: {  	[tilespmem:$0x48D0] =	vst v0;
	s17 =	spop (v2sf)  }
0xf1: {  	[tilespmem:$0x49D0] =	vst v0;
	s15 =	sxor.u32 $0x80000000, s30;
	s14 =	sadd.s32 s16, s14;
	s31 =	spop (v2sf)  }
0xf2: {  	[tilespmem:$0x48E0] =	vst v0;
	p0 =	sgt.s32 s13, s15;
	s14 =	sadd.s32 $0x80000000, s14;
	s17 =	spop (v2sf)  }
0xf3: {  	[tilespmem:$0x49E0] =	vst v0;
	s15 =	smov.u32 @p0 s13;
	s13 =	sxor.u32 $0x80000000, s31;
	s14 =	sadd.s32 s17, s14  }
0xf4: {  	[tilespmem:$0x48F0] =	vst v0;
	p0 =	sgt.s32 s15, s13;
	s14 =	sadd.s32 $0x80000000, s14  }
0xf5: {  	[tilespmem:$0x49F0] =	vst v0;
	s13 =	smov.u32 @p0 s15;
	s15 =	simm.s32 $0x0;
	v2 =	vmov s14  }
.LBB2_7:
0xf6: {  	s16 =	sshra.s32 s15, $0x2  }
0xf7: {  	v3 =	vld [tilespmem:s16+$0x4000];
	_ =	sdelay $0x4  }
0xf8: {  	v4 =	vshrl.u32 v3, $0x17  }
0xf9: {  	v3 =	vshrl.u32 v3, $0xF;
	vm0 =	veq.s32 v4, v2  }
0xfa: {  	v3 =	vand.u32 $0xFF, v3;
	_ =	sdelay $0x4  }
0xfb: {  	[tilespmem:v3+s8+$0x0] =	vst.idx.add.s32.msk vm0, v1  }
0xfc: {  	v3 =	vld [tilespmem:s16+$0x4010];
	_ =	sdelay $0x4  }
0xfd: {  	v57 =	vshrl.u32 v3, $0x17  }
0xfe: {  	v3 =	vshrl.u32 v3, $0xF;
	vm9 =	veq.s32 v57, v2  }
0xff: {  	v3 =	vand.u32 $0xFF, v3;
	_ =	sdelay $0x4  }
0x100: {  	[tilespmem:v3+s9+$0x0] =	vst.idx.add.s32.msk vm9, v1  }
0x101: {  	v3 =	vld [tilespmem:s16+$0x4020];
	_ =	sdelay $0x4  }
0x102: {  	v58 =	vshrl.u32 v3, $0x17  }
0x103: {  	v3 =	vshrl.u32 v3, $0xF;
	vm10 =	veq.s32 v58, v2  }
0x104: {  	v3 =	vand.u32 $0xFF, v3;
	_ =	sdelay $0x4  }
0x105: {  	[tilespmem:v3+s8+$0x0] =	vst.idx.add.s32.msk vm10, v1  }
0x106: {  	v3 =	vld [tilespmem:s16+$0x4030];
	_ =	sdelay $0x4  }
0x107: {  	v59 =	vshrl.u32 v3, $0x17  }
0x108: {  	v3 =	vshrl.u32 v3, $0xF;
	vm11 =	veq.s32 v59, v2  }
0x109: {  	v3 =	vand.u32 $0xFF, v3;
	_ =	sdelay $0x4  }
0x10a: {  	[tilespmem:v3+s9+$0x0] =	vst.idx.add.s32.msk vm11, v1  }
0x10b: {  	v3 =	vld [tilespmem:s16+$0x4040];
	_ =	sdelay $0x4  }
0x10c: {  	v60 =	vshrl.u32 v3, $0x17  }
0x10d: {  	v3 =	vshrl.u32 v3, $0xF;
	vm12 =	veq.s32 v60, v2  }
0x10e: {  	v3 =	vand.u32 $0xFF, v3;
	_ =	sdelay $0x4  }
0x10f: {  	[tilespmem:v3+s8+$0x0] =	vst.idx.add.s32.msk vm12, v1  }
0x110: {  	v3 =	vld [tilespmem:s16+$0x4050];
	_ =	sdelay $0x4  }
0x111: {  	v61 =	vshrl.u32 v3, $0x17  }
0x112: {  	v3 =	vshrl.u32 v3, $0xF;
	vm13 =	veq.s32 v61, v2  }
0x113: {  	v3 =	vand.u32 $0xFF, v3;
	_ =	sdelay $0x4  }
0x114: {  	[tilespmem:v3+s9+$0x0] =	vst.idx.add.s32.msk vm13, v1  }
0x115: {  	v3 =	vld [tilespmem:s16+$0x4060];
	_ =	sdelay $0x4  }
0x116: {  	v62 =	vshrl.u32 v3, $0x17  }
0x117: {  	v3 =	vshrl.u32 v3, $0xF;
	vm14 =	veq.s32 v62, v2  }
0x118: {  	v3 =	vand.u32 $0xFF, v3;
	_ =	sdelay $0x4  }
0x119: {  	[tilespmem:v3+s8+$0x0] =	vst.idx.add.s32.msk vm14, v1  }
0x11a: {  	v3 =	vld [tilespmem:s16+$0x4070];
	_ =	sdelay $0x4  }
0x11b: {  	v63 =	vshrl.u32 v3, $0x17  }
0x11c: {  	v3 =	vshrl.u32 v3, $0xF;
	vm15 =	veq.s32 v63, v2  }
0x11d: {  	p0 =	seq.s32 s15, $0x1E00;
	v3 =	vand.u32 $0xFF, v3  }
.Ltmp2:
0x11e: {  	_ = 	snop;
	(pc) =	sbr.rel @!p0 .LBB2_7-.Ltmp2, $2  }
0x11f: {  	_ =	sdelay $0x2  }
0x120: {  	s15 =	sadd.s32 $0x200, s15;
	[tilespmem:v3+s9+$0x0] =	vst.idx.add.s32.msk vm15, v1  }
0x121: {  	s15 =	simm.s32 $0x0  }
0x122: {  	v3 =	vld [tilespmem:s15+$0x4800]  }
0x123: {  	v4 =	vld [tilespmem:s15+$0x4900];
	_ =	sdelay $0x4  }
0x124: {  	v3 =	vadd.s32 v3, v4  }
0x125: {  	(xrf0) =	vadd.scan.msk.s32 $0xffff, v3;
	_ =	sdelay $0x5  }
0x126: {  	s16 =	simm.s32 $0x0;
	v3, _, _ =	vpop (xrf0)  }
0x127: {  	s13 =	ssub.s32 $0x40, s13;
	v3 =	vadd.s32 s16, v3  }
0x128: {  	v2 =	vmov s13;
	v4 =	vxor.u32 $0x80000000, v3  }
0x129: {  	vm0 =	vlt.s32 v3, v2;
	(xrf0) =	vmax.scan.msk.u32 $0xffff, v4  }
0x12a: {  	v3 =	vmpcnt.ones.xlane vm0;
	v4 =	vnsel vm0, $0x80000000, v4  }
0x12b: {  	(xrf0) =	vmax.scan.msk.u32 $0xffff, v4  }
0x12c: {  	v3 =	vxor.u32 $0x80000000, v3  }
0x12d: {  	(xrf0) =	vmax.scan.msk.u32 $0xffff, v3;
	_ =	sdelay $0x1  }
0x12e: {  	s17 =	simm.s32 $0x40;
	s18 =	simm.s32 $0x80;
	s15 =	simm.s32 $0x0;
	v3, _, _ =	vpop (xrf0)  }
.LBB2_9:
0x12f: {  	s19 =	smov.u32 s16  }
0x130: {  	p0 =	sne.s32 s18, $0x3C0;
	v4, _, _ =	vpop (xrf0);
	(v2sf) =	vpush v3, $0xF  }
0x131: {  	(v2sf) =	vpush v4, $0xF  }
0x132: {  	s16 =	sshra.s32 s17, $0x2;
	s17 =	smov.u32 s18;
	v3, _, _ =	vpop (xrf0)  }
0x133: {  	v4 =	vld [tilespmem:s16+$0x4800];
	(v2sf) =	vpush v3, $0xF  }
0x134: {  	v3 =	vld [tilespmem:s16+$0x4900];
	_ =	sdelay $0x4  }
0x135: {  	v3 =	vadd.s32 v4, v3  }
0x136: {  	(xrf0) =	vadd.scan.msk.s32 $0xffff, v3;
	_ =	sdelay $0x4  }
0x137: {  	s16 =	spop (v2sf)  }
0x138: {  	v3, _, _ =	vpop (xrf0);
	s16 =	sxor.u32 $0x80000000, s16;
	s20 =	spop (v2sf)  }
0x139: {  	v3 =	vadd.s32 s16, v3;
	s16 =	sxor.u32 $0x80000000, s20  }
0x13a: {  	vm0 =	vlt.s32 v3, v2;
	v3 =	vxor.u32 $0x80000000, v3;
	p1 =	sgt.s32 s19, s16;
	s20 =	spop (v2sf)  }
0x13b: {  	v4 =	vmpcnt.ones.xlane vm0;
	v5 =	vnsel vm0, $0x80000000, v3;
	(xrf0) =	vmax.scan.msk.u32 $0xffff, v3;
	s15 =	sadd.s32 s20, s15;
	s16 =	smov.u32 @p1 s19  }
0x13c: {  	(xrf0) =	vmax.scan.msk.u32 $0xffff, v5;
	s15 =	sadd.s32 $0x80000000, s15  }
.Ltmp3:
0x13d: {  	v3 =	vxor.u32 $0x80000000, v4;
	(pc) =	sbr.rel @p0 .LBB2_9-.Ltmp3, $2  }
0x13e: {  	(xrf0) =	vmax.scan.msk.u32 $0xffff, v3;
	_ =	sdelay $0x2  }
0x13f: {  	s18 =	sadd.s32 $0x40, s18;
	v3, _, _ =	vpop (xrf0)  }
0x140: {  	(v2sf) =	vpush v3, $0xF;
	_ =	sdelay $0x1  }
0x141: {  	s17 =	sshra.s32 s17, $0x2  }
0x142: {  	v3 =	vld [tilespmem:s17+$0x4800]  }
0x143: {  	v4 =	vld [tilespmem:s17+$0x4900];
	_ =	sdelay $0x4  }
0x144: {  	v3 =	vadd.s32 v3, v4  }
0x145: {  	(xrf0) =	vadd.scan.msk.s32 $0xffff, v3;
	_ =	sdelay $0x3  }
0x146: {  	v3, _, _ =	vpop (xrf0)  }
0x147: {  	v62, _, _ =	vpop (xrf0);
	s28 =	spop (v2sf)  }
0x148: {  	v5, _, _ =	vpop (xrf0);
	s17 =	sxor.u32 $0x80000000, s28  }
0x149: {  	[tilespmem:$0x4800] =	vst v0;
	v5 =	vadd.s32 s17, v5  }
0x14a: {  	[tilespmem:$0x4900] =	vst v0;
	vm0 =	vlt.s32 v5, v2  }
0x14b: {  	[tilespmem:$0x4810] =	vst v0;
	v2 =	vxor.u32 $0x80000000, v5;
	v63 =	vmpcnt.ones.xlane vm0  }
0x14c: {  	[tilespmem:$0x4910] =	vst v0;
	(xrf0) =	vmax.scan.msk.u32 $0xffff, v2;
	v2 =	vnsel vm0, $0x80000000, v2  }
0x14d: {  	[tilespmem:$0x4820] =	vst v0;
	(xrf0) =	vmax.scan.msk.u32 $0xffff, v2;
	v2 =	vxor.u32 $0x80000000, v63  }
0x14e: {  	[tilespmem:$0x4920] =	vst v0;
	(xrf0) =	vmax.scan.msk.u32 $0xffff, v2  }
0x14f: {  	[tilespmem:$0x4830] =	vst v0  }
0x150: {  	[tilespmem:$0x4930] =	vst v0  }
0x151: {  	[tilespmem:$0x4840] =	vst v0;
	(v2sf) =	vpush v3, $0xF  }
0x152: {  	[tilespmem:$0x4940] =	vst v0;
	(v2sf) =	vpush v62, $0xF;
	v2, _, _ =	vpop (xrf0)  }
0x153: {  	[tilespmem:$0x4850] =	vst v0;
	v3, _, _ =	vpop (xrf0);
	(v2sf) =	vpush v2, $0xF  }
0x154: {  	[tilespmem:$0x4950] =	vst v0;
	(v2sf) =	vpush v3, $0xF;
	v2, _, _ =	vpop (xrf0)  }
0x155: {  	[tilespmem:$0x4860] =	vst v0;
	(v2sf) =	vpush v2, $0xF  }
0x156: {  	[tilespmem:$0x4960] =	vst v0  }
0x157: {  	[tilespmem:$0x4870] =	vst v0  }
0x158: {  	[tilespmem:$0x4970] =	vst v0  }
0x159: {  	[tilespmem:$0x4880] =	vst v0  }
0x15a: {  	[tilespmem:$0x4980] =	vst v0  }
0x15b: {  	[tilespmem:$0x4890] =	vst v0  }
0x15c: {  	[tilespmem:$0x4990] =	vst v0  }
0x15d: {  	[tilespmem:$0x48A0] =	vst v0  }
0x15e: {  	[tilespmem:$0x49A0] =	vst v0  }
0x15f: {  	[tilespmem:$0x48B0] =	vst v0  }
0x160: {  	[tilespmem:$0x49B0] =	vst v0;
	s29 =	spop (v2sf)  }
0x161: {  	[tilespmem:$0x48C0] =	vst v0;
	s18 =	spop (v2sf)  }
0x162: {  	[tilespmem:$0x49C0] =	vst v0;
	s19 =	spop (v2sf)  }
0x163: {  	[tilespmem:$0x48D0] =	vst v0;
	s15 =	sadd.s32 s18, s15;
	s30 =	spop (v2sf)  }
0x164: {  	[tilespmem:$0x49D0] =	vst v0;
	s17 =	sxor.u32 $0x80000000, s29;
	s15 =	sadd.s32 $0x80000000, s15;
	s19 =	spop (v2sf)  }
0x165: {  	s14 =	sshll.u32 s14, $0x8;
	[tilespmem:$0x48E0] =	vst v0;
	p0 =	sgt.s32 s16, s17;
	s31 =	sadd.s32 s19, s15  }
0x166: {  	[tilespmem:$0x49E0] =	vst v0;
	s17 =	smov.u32 @p0 s16;
	s15 =	sxor.u32 $0x80000000, s30;
	s16 =	sadd.s32 $0x80000000, s31  }
0x167: {  	[tilespmem:$0x48F0] =	vst v0;
	p0 =	sgt.s32 s17, s15;
	s14 =	sor.u32 s14, s16  }
0x168: {  	[tilespmem:$0x49F0] =	vst v0;
	s15 =	smov.u32 @p0 s17;
	s16 =	simm.s32 $0x0;
	v2 =	vmov s14  }
.LBB2_11:
0x169: {  	s17 =	sshra.s32 s16, $0x2  }
0x16a: {  	v3 =	vld [tilespmem:s17+$0x4000];
	_ =	sdelay $0x4  }
0x16b: {  	v4 =	vshrl.u32 v3, $0xF  }
0x16c: {  	v3 =	vshrl.u32 v3, $0x7;
	vm0 =	veq.s32 v4, v2  }
0x16d: {  	v3 =	vand.u32 $0xFF, v3;
	_ =	sdelay $0x4  }
0x16e: {  	[tilespmem:v3+s8+$0x0] =	vst.idx.add.s32.msk vm0, v1  }
0x16f: {  	v3 =	vld [tilespmem:s17+$0x4010];
	_ =	sdelay $0x4  }
0x170: {  	v57 =	vshrl.u32 v3, $0xF  }
0x171: {  	v3 =	vshrl.u32 v3, $0x7;
	vm9 =	veq.s32 v57, v2  }
0x172: {  	v3 =	vand.u32 $0xFF, v3;
	_ =	sdelay $0x4  }
0x173: {  	[tilespmem:v3+s9+$0x0] =	vst.idx.add.s32.msk vm9, v1  }
0x174: {  	v3 =	vld [tilespmem:s17+$0x4020];
	_ =	sdelay $0x4  }
0x175: {  	v58 =	vshrl.u32 v3, $0xF  }
0x176: {  	v3 =	vshrl.u32 v3, $0x7;
	vm10 =	veq.s32 v58, v2  }
0x177: {  	v3 =	vand.u32 $0xFF, v3;
	_ =	sdelay $0x4  }
0x178: {  	[tilespmem:v3+s8+$0x0] =	vst.idx.add.s32.msk vm10, v1  }
0x179: {  	v3 =	vld [tilespmem:s17+$0x4030];
	_ =	sdelay $0x4  }
0x17a: {  	v59 =	vshrl.u32 v3, $0xF  }
0x17b: {  	v3 =	vshrl.u32 v3, $0x7;
	vm11 =	veq.s32 v59, v2  }
0x17c: {  	v3 =	vand.u32 $0xFF, v3;
	_ =	sdelay $0x4  }
0x17d: {  	[tilespmem:v3+s9+$0x0] =	vst.idx.add.s32.msk vm11, v1  }
0x17e: {  	v3 =	vld [tilespmem:s17+$0x4040];
	_ =	sdelay $0x4  }
0x17f: {  	v60 =	vshrl.u32 v3, $0xF  }
0x180: {  	v3 =	vshrl.u32 v3, $0x7;
	vm12 =	veq.s32 v60, v2  }
0x181: {  	v3 =	vand.u32 $0xFF, v3;
	_ =	sdelay $0x4  }
0x182: {  	[tilespmem:v3+s8+$0x0] =	vst.idx.add.s32.msk vm12, v1  }
0x183: {  	v3 =	vld [tilespmem:s17+$0x4050];
	_ =	sdelay $0x4  }
0x184: {  	v61 =	vshrl.u32 v3, $0xF  }
0x185: {  	v3 =	vshrl.u32 v3, $0x7;
	vm13 =	veq.s32 v61, v2  }
0x186: {  	v3 =	vand.u32 $0xFF, v3;
	_ =	sdelay $0x4  }
0x187: {  	[tilespmem:v3+s9+$0x0] =	vst.idx.add.s32.msk vm13, v1  }
0x188: {  	v3 =	vld [tilespmem:s17+$0x4060];
	_ =	sdelay $0x4  }
0x189: {  	v62 =	vshrl.u32 v3, $0xF  }
0x18a: {  	v3 =	vshrl.u32 v3, $0x7;
	vm14 =	veq.s32 v62, v2  }
0x18b: {  	v3 =	vand.u32 $0xFF, v3;
	_ =	sdelay $0x4  }
0x18c: {  	[tilespmem:v3+s8+$0x0] =	vst.idx.add.s32.msk vm14, v1  }
0x18d: {  	v3 =	vld [tilespmem:s17+$0x4070];
	_ =	sdelay $0x4  }
0x18e: {  	v63 =	vshrl.u32 v3, $0xF  }
0x18f: {  	v3 =	vshrl.u32 v3, $0x7;
	vm15 =	veq.s32 v63, v2  }
0x190: {  	p0 =	seq.s32 s16, $0x1E00;
	v3 =	vand.u32 $0xFF, v3  }
.Ltmp4:
0x191: {  	_ = 	snop;
	(pc) =	sbr.rel @!p0 .LBB2_11-.Ltmp4, $2  }
0x192: {  	_ =	sdelay $0x2  }
0x193: {  	s16 =	sadd.s32 $0x200, s16;
	[tilespmem:v3+s9+$0x0] =	vst.idx.add.s32.msk vm15, v1  }
0x194: {  	s31 =	simm.s32 $0x0  }
0x195: {  	v3 =	vld [tilespmem:s31+$0x4800]  }
0x196: {  	v4 =	vld [tilespmem:s31+$0x4900];
	_ =	sdelay $0x4  }
0x197: {  	v3 =	vadd.s32 v3, v4  }
0x198: {  	(xrf0) =	vadd.scan.msk.s32 $0xffff, v3;
	_ =	sdelay $0x5  }
0x199: {  	s16 =	simm.s32 $0x0;
	v3, _, _ =	vpop (xrf0)  }
0x19a: {  	s13 =	ssub.s32 s13, s15;
	v3 =	vadd.s32 s16, v3  }
0x19b: {  	v2 =	vmov s13;
	v4 =	vxor.u32 $0x80000000, v3  }
0x19c: {  	vm0 =	vlt.s32 v3, v2;
	(xrf0) =	vmax.scan.msk.u32 $0xffff, v4  }
0x19d: {  	v3 =	vmpcnt.ones.xlane vm0;
	v4 =	vnsel vm0, $0x80000000, v4  }
0x19e: {  	(xrf0) =	vmax.scan.msk.u32 $0xffff, v4  }
0x19f: {  	v3 =	vxor.u32 $0x80000000, v3  }
0x1a0: {  	(xrf0) =	vmax.scan.msk.u32 $0xffff, v3;
	_ =	sdelay $0x1  }
0x1a1: {  	s17 =	simm.s32 $0x40;
	s18 =	simm.s32 $0x80;
	s15 =	simm.s32 $0x0;
	v3, _, _ =	vpop (xrf0)  }
.LBB2_13:
0x1a2: {  	s19 =	smov.u32 s16  }
0x1a3: {  	p0 =	sne.s32 s18, $0x3C0;
	v4, _, _ =	vpop (xrf0);
	(v2sf) =	vpush v3, $0xF  }
0x1a4: {  	(v2sf) =	vpush v4, $0xF  }
0x1a5: {  	s16 =	sshra.s32 s17, $0x2;
	s17 =	smov.u32 s18;
	v3, _, _ =	vpop (xrf0)  }
0x1a6: {  	v4 =	vld [tilespmem:s16+$0x4800];
	(v2sf) =	vpush v3, $0xF  }
0x1a7: {  	v3 =	vld [tilespmem:s16+$0x4900];
	_ =	sdelay $0x4  }
0x1a8: {  	v3 =	vadd.s32 v4, v3  }
0x1a9: {  	(xrf0) =	vadd.scan.msk.s32 $0xffff, v3;
	_ =	sdelay $0x4  }
0x1aa: {  	s16 =	spop (v2sf)  }
0x1ab: {  	v3, _, _ =	vpop (xrf0);
	s16 =	sxor.u32 $0x80000000, s16;
	s20 =	spop (v2sf)  }
0x1ac: {  	v3 =	vadd.s32 s16, v3;
	s16 =	sxor.u32 $0x80000000, s20  }
0x1ad: {  	vm0 =	vlt.s32 v3, v2;
	v3 =	vxor.u32 $0x80000000, v3;
	p1 =	sgt.s32 s19, s16;
	s20 =	spop (v2sf)  }
0x1ae: {  	v4 =	vmpcnt.ones.xlane vm0;
	v5 =	vnsel vm0, $0x80000000, v3;
	(xrf0) =	vmax.scan.msk.u32 $0xffff, v3;
	s15 =	sadd.s32 s20, s15;
	s16 =	smov.u32 @p1 s19  }
0x1af: {  	(xrf0) =	vmax.scan.msk.u32 $0xffff, v5;
	s15 =	sadd.s32 $0x80000000, s15  }
.Ltmp5:
0x1b0: {  	v3 =	vxor.u32 $0x80000000, v4;
	(pc) =	sbr.rel @p0 .LBB2_13-.Ltmp5, $2  }
0x1b1: {  	(xrf0) =	vmax.scan.msk.u32 $0xffff, v3;
	_ =	sdelay $0x2  }
0x1b2: {  	s18 =	sadd.s32 $0x40, s18;
	v3, _, _ =	vpop (xrf0)  }
0x1b3: {  	(v2sf) =	vpush v3, $0xF;
	_ =	sdelay $0x1  }
0x1b4: {  	s17 =	sshra.s32 s17, $0x2  }
0x1b5: {  	v3 =	vld [tilespmem:s17+$0x4800]  }
0x1b6: {  	v4 =	vld [tilespmem:s17+$0x4900];
	_ =	sdelay $0x4  }
0x1b7: {  	v3 =	vadd.s32 v3, v4  }
0x1b8: {  	(xrf0) =	vadd.scan.msk.s32 $0xffff, v3;
	_ =	sdelay $0x3  }
0x1b9: {  	v3, _, _ =	vpop (xrf0)  }
0x1ba: {  	v62, _, _ =	vpop (xrf0);
	s28 =	spop (v2sf)  }
0x1bb: {  	v5, _, _ =	vpop (xrf0);
	s17 =	sxor.u32 $0x80000000, s28  }
0x1bc: {  	v5 =	vadd.s32 s17, v5  }
0x1bd: {  	vm0 =	vlt.s32 v5, v2  }
0x1be: {  	v2 =	vxor.u32 $0x80000000, v5;
	v63 =	vmpcnt.ones.xlane vm0  }
0x1bf: {  	(xrf0) =	vmax.scan.msk.u32 $0xffff, v2;
	v2 =	vnsel vm0, $0x80000000, v2  }
0x1c0: {  	(xrf0) =	vmax.scan.msk.u32 $0xffff, v2;
	v2 =	vxor.u32 $0x80000000, v63  }
0x1c1: {  	(xrf0) =	vmax.scan.msk.u32 $0xffff, v2;
	_ =	sdelay $0x2  }
0x1c2: {  	(v2sf) =	vpush v3, $0xF  }
0x1c3: {  	(v2sf) =	vpush v62, $0xF;
	v2, _, _ =	vpop (xrf0)  }
0x1c4: {  	v3, _, _ =	vpop (xrf0);
	(v2sf) =	vpush v2, $0xF  }
0x1c5: {  	(v2sf) =	vpush v3, $0xF;
	v2, _, _ =	vpop (xrf0)  }
0x1c6: {  	(v2sf) =	vpush v2, $0xF;
	_ =	sdelay $0x3  }
0x1c7: {  	[tilespmem:$0x4800] =	vst v0  }
0x1c8: {  	[tilespmem:$0x4900] =	vst v0  }
0x1c9: {  	[tilespmem:$0x4810] =	vst v0  }
0x1ca: {  	[tilespmem:$0x4910] =	vst v0  }
0x1cb: {  	[tilespmem:$0x4820] =	vst v0  }
0x1cc: {  	[tilespmem:$0x4920] =	vst v0  }
0x1cd: {  	[tilespmem:$0x4830] =	vst v0  }
0x1ce: {  	[tilespmem:$0x4930] =	vst v0;
	s29 =	spop (v2sf)  }
0x1cf: {  	[tilespmem:$0x4840] =	vst v0;
	s18 =	spop (v2sf)  }
0x1d0: {  	[tilespmem:$0x4940] =	vst v0;
	s19 =	spop (v2sf)  }
0x1d1: {  	[tilespmem:$0x4850] =	vst v0;
	s15 =	sadd.s32 s18, s15;
	s30 =	spop (v2sf)  }
0x1d2: {  	[tilespmem:$0x4950] =	vst v0;
	s17 =	sxor.u32 $0x80000000, s29;
	s15 =	sadd.s32 $0x80000000, s15;
	s19 =	spop (v2sf)  }
0x1d3: {  	s14 =	sshll.u32 s14, $0x8;
	[tilespmem:$0x4860] =	vst v0;
	p0 =	sgt.s32 s16, s17;
	s31 =	sadd.s32 s19, s15  }
0x1d4: {  	[tilespmem:$0x4960] =	vst v0;
	s17 =	smov.u32 @p0 s16;
	s15 =	sxor.u32 $0x80000000, s30;
	s16 =	sadd.s32 $0x80000000, s31  }
0x1d5: {  	[tilespmem:$0x4870] =	vst v0;
	p0 =	sgt.s32 s17, s15;
	s14 =	sor.u32 s14, s16  }
0x1d6: {  	[tilespmem:$0x4970] =	vst v0;
	s15 =	smov.u32 @p0 s17;
	s16 =	simm.s32 $0x0;
	v2 =	vmov s14  }
.LBB2_15:
0x1d7: {  	s17 =	sshra.s32 s16, $0x2  }
0x1d8: {  	v3 =	vld [tilespmem:s17+$0x4000];
	_ =	sdelay $0x4  }
0x1d9: {  	v4 =	vshrl.u32 v3, $0x7  }
0x1da: {  	vm0 =	veq.s32 v4, v2  }
0x1db: {  	v3 =	vand.u32 $0x7F, v3;
	_ =	sdelay $0x4  }
0x1dc: {  	[tilespmem:v3+s8+$0x0] =	vst.idx.add.s32.msk vm0, v1  }
0x1dd: {  	v3 =	vld [tilespmem:s17+$0x4010];
	_ =	sdelay $0x4  }
0x1de: {  	v57 =	vshrl.u32 v3, $0x7  }
0x1df: {  	vm9 =	veq.s32 v57, v2  }
0x1e0: {  	v3 =	vand.u32 $0x7F, v3;
	_ =	sdelay $0x4  }
0x1e1: {  	[tilespmem:v3+s9+$0x0] =	vst.idx.add.s32.msk vm9, v1  }
0x1e2: {  	v3 =	vld [tilespmem:s17+$0x4020];
	_ =	sdelay $0x4  }
0x1e3: {  	v58 =	vshrl.u32 v3, $0x7  }
0x1e4: {  	vm10 =	veq.s32 v58, v2  }
0x1e5: {  	v3 =	vand.u32 $0x7F, v3;
	_ =	sdelay $0x4  }
0x1e6: {  	[tilespmem:v3+s8+$0x0] =	vst.idx.add.s32.msk vm10, v1  }
0x1e7: {  	v3 =	vld [tilespmem:s17+$0x4030];
	_ =	sdelay $0x4  }
0x1e8: {  	v59 =	vshrl.u32 v3, $0x7  }
0x1e9: {  	vm11 =	veq.s32 v59, v2  }
0x1ea: {  	v3 =	vand.u32 $0x7F, v3;
	_ =	sdelay $0x4  }
0x1eb: {  	[tilespmem:v3+s9+$0x0] =	vst.idx.add.s32.msk vm11, v1  }
0x1ec: {  	v3 =	vld [tilespmem:s17+$0x4040];
	_ =	sdelay $0x4  }
0x1ed: {  	v60 =	vshrl.u32 v3, $0x7  }
0x1ee: {  	vm12 =	veq.s32 v60, v2  }
0x1ef: {  	v3 =	vand.u32 $0x7F, v3;
	_ =	sdelay $0x4  }
0x1f0: {  	[tilespmem:v3+s8+$0x0] =	vst.idx.add.s32.msk vm12, v1  }
0x1f1: {  	v3 =	vld [tilespmem:s17+$0x4050];
	_ =	sdelay $0x4  }
0x1f2: {  	v61 =	vshrl.u32 v3, $0x7  }
0x1f3: {  	vm13 =	veq.s32 v61, v2  }
0x1f4: {  	v3 =	vand.u32 $0x7F, v3;
	_ =	sdelay $0x4  }
0x1f5: {  	[tilespmem:v3+s9+$0x0] =	vst.idx.add.s32.msk vm13, v1  }
0x1f6: {  	v3 =	vld [tilespmem:s17+$0x4060];
	_ =	sdelay $0x4  }
0x1f7: {  	v62 =	vshrl.u32 v3, $0x7  }
0x1f8: {  	vm14 =	veq.s32 v62, v2  }
0x1f9: {  	v3 =	vand.u32 $0x7F, v3;
	_ =	sdelay $0x4  }
0x1fa: {  	[tilespmem:v3+s8+$0x0] =	vst.idx.add.s32.msk vm14, v1  }
0x1fb: {  	v3 =	vld [tilespmem:s17+$0x4070];
	_ =	sdelay $0x4  }
0x1fc: {  	v63 =	vshrl.u32 v3, $0x7  }
0x1fd: {  	vm15 =	veq.s32 v63, v2  }
0x1fe: {  	p0 =	seq.s32 s16, $0x1E00;
	v3 =	vand.u32 $0x7F, v3  }
.Ltmp6:
0x1ff: {  	_ = 	snop;
	(pc) =	sbr.rel @!p0 .LBB2_15-.Ltmp6, $2  }
0x200: {  	_ =	sdelay $0x2  }
0x201: {  	s16 =	sadd.s32 $0x200, s16;
	[tilespmem:v3+s9+$0x0] =	vst.idx.add.s32.msk vm15, v1  }
0x202: {  	s31 =	simm.s32 $0x0  }
0x203: {  	v3 =	vld [tilespmem:s31+$0x4800]  }
0x204: {  	v4 =	vld [tilespmem:s31+$0x4900];
	_ =	sdelay $0x4  }
0x205: {  	v3 =	vadd.s32 v3, v4  }
0x206: {  	(xrf0) =	vadd.scan.msk.s32 $0xffff, v3;
	_ =	sdelay $0x4  }
0x207: {  	s13 =	ssub.s32 s13, s15  }
0x208: {  	v2 =	vmov s13;
	s13 =	simm.s32 $0x0;
	v3, _, _ =	vpop (xrf0)  }
0x209: {  	v3 =	vadd.s32 s13, v3  }
0x20a: {  	v4 =	vxor.u32 $0x80000000, v3;
	vm0 =	vlt.s32 v3, v2  }
0x20b: {  	(xrf0) =	vmax.scan.msk.u32 $0xffff, v4;
	v3 =	vmpcnt.ones.xlane vm0;
	_ =	sdelay $0x1  }
0x20c: {  	v3 =	vxor.u32 $0x80000000, v3  }
0x20d: {  	(xrf0) =	vmax.scan.msk.u32 $0xffff, v3;
	_ =	sdelay $0x2  }
0x20e: {  	s15 =	simm.s32 $0x40;
	s16 =	simm.s32 $0x80;
	v3, _, _ =	vpop (xrf0)  }
.LBB2_17:
0x20f: {  	p0 =	sne.s32 s16, $0x1C0;
	(v2sf) =	vpush v3, $0xF;
	_ =	sdelay $0x1  }
0x210: {  	s17 =	sshra.s32 s15, $0x2;
	s15 =	smov.u32 s16;
	v3, _, _ =	vpop (xrf0)  }
0x211: {  	v4 =	vld [tilespmem:s17+$0x4800];
	(v2sf) =	vpush v3, $0xF  }
0x212: {  	v3 =	vld [tilespmem:s17+$0x4900];
	_ =	sdelay $0x4  }
0x213: {  	v3 =	vadd.s32 v4, v3  }
0x214: {  	(xrf0) =	vadd.scan.msk.s32 $0xffff, v3;
	_ =	sdelay $0x4  }
0x215: {  	s17 =	spop (v2sf)  }
0x216: {  	v3, _, _ =	vpop (xrf0);
	s17 =	sxor.u32 $0x80000000, s17  }
0x217: {  	v3 =	vadd.s32 s17, v3  }
0x218: {  	vm0 =	vlt.s32 v3, v2;
	v3 =	vxor.u32 $0x80000000, v3;
	s17 =	spop (v2sf)  }
0x219: {  	v4 =	vmpcnt.ones.xlane vm0;
	(xrf0) =	vmax.scan.msk.u32 $0xffff, v3;
	s13 =	sadd.s32 s17, s13  }
0x21a: {  	s13 =	sadd.s32 $0x80000000, s13  }
.Ltmp7:
0x21b: {  	v3 =	vxor.u32 $0x80000000, v4;
	(pc) =	sbr.rel @p0 .LBB2_17-.Ltmp7, $2  }
0x21c: {  	(xrf0) =	vmax.scan.msk.u32 $0xffff, v3;
	_ =	sdelay $0x2  }
0x21d: {  	s16 =	sadd.s32 $0x40, s16;
	v3, _, _ =	vpop (xrf0)  }
0x21e: {  	(v2sf) =	vpush v3, $0xF;
	_ =	sdelay $0x1  }
0x21f: {  	s15 =	sshra.s32 s15, $0x2  }
0x220: {  	v3 =	vld [tilespmem:s15+$0x4800]  }
0x221: {  	v4 =	vld [tilespmem:s15+$0x4900];
	_ =	sdelay $0x4  }
0x222: {  	v3 =	vadd.s32 v3, v4  }
0x223: {  	(xrf0) =	vadd.scan.msk.s32 $0xffff, v3;
	_ =	sdelay $0x4  }
0x224: {  	v3, _, _ =	vpop (xrf0);
	s29 =	spop (v2sf)  }
0x225: {  	v63, _, _ =	vpop (xrf0);
	s15 =	sxor.u32 $0x80000000, s29  }
0x226: {  	v4 =	vadd.s32 s15, v63  }
0x227: {  	vm0 =	vlt.s32 v4, v2  }
0x228: {  	v2 =	vmpcnt.ones.xlane vm0  }
0x229: {  	v4 =	vxor.u32 $0x80000000, v4  }
0x22a: {  	(xrf0) =	vmax.scan.msk.u32 $0xffff, v4;
	v2 =	vxor.u32 $0x80000000, v2  }
0x22b: {  	(xrf0) =	vmax.scan.msk.u32 $0xffff, v2;
	_ =	sdelay $0x4  }
0x22c: {  	(v2sf) =	vpush v3, $0xF;
	v2, _, _ =	vpop (xrf0)  }
0x22d: {  	(v2sf) =	vpush v2, $0xF;
	v2, _, _ =	vpop (xrf0)  }
0x22e: {  	(v2sf) =	vpush v2, $0xF;
	_ =	sdelay $0xc  }
0x22f: {  	s30 =	spop (v2sf)  }
0x230: {  	v2 =	vmov s12;
	s12 =	sadd.s32 $0x1, s12;
	s13 =	sadd.s32 s30, s13;
	s31 =	spop (v2sf)  }
0x231: {  	p0 =	sne.s32 s12, $0x100;
	s13 =	sadd.s32 $0x80000000, s13;
	s15 =	spop (v2sf)  }
.Ltmp8:
0x232: {  	s13 =	sadd.s32 s15, s13;
	(pc) =	sbr.rel @p0 .LBB2_2-.Ltmp8, $4  }
0x233: {  	s14 =	sshll.u32 s14, $0x7;
	s13 =	sadd.s32 $0x80000000, s13  }
0x234: {  	s13 =	sor.u32 s14, s13  }
0x235: {  	v3 =	vmov s13  }
0x236: {  	[tilespmem:v2+s10+$0x0] =	vst.idx.msk $0x1, v3  }
0x237: {  	s11 =	sadd.s32 $0x1, s11  }
0x238: {  	p0 =	sne.s32 s11, s6  }
.Ltmp9:
0x239: {  	_ = 	snop;
	(pc) =	sbr.rel @p0 .LBB2_1-.Ltmp9, $4  }
0x23a: {  	[hbm4b:s5+s2] =	stream.linear.scatter [tilespmem:s10], [sflag:$0x1], $0x100, $0x38;
	[tilespmem:$0x4B00] =	vst v63  }
0x23b: {  	_ =	swait.ge [sflag:s7], $0x100  }
0x23c: {  	[sflag:s7] =	ssyncset.done $0x0  }
0x23d: {  	[sflag:s7] =	ssyncadd.s32 $0xFFFFFF00  }
0x23e: {  	_ =	sfence.sel $0x180000  }
0x23f: {  	[bflag:$0x0] =	sbarrier.arrive $0xFFFF  }
0x240: {  	p0 =	sne.s32 s1, $0x0;
	_ =	strace $0x90000047  }
0x241: {  	s0 =	sadd.s32 @!p0 $0x100000, s0;
	[bflag:$0x2] =	sbarrier.arrive $0xFFFF  }
0x242: {  	[sflag:s0] =	ssyncadd.tile.s32 @!p0 $0x1;
	_ =	shalt  }
.Lfunc_end2:
_tile_overlayer_lowered:
.L_overlay_start_2:
0x243: {  	(tag) =	ssettag $0x2  }
0x244: {  	s0 =	rddreg [dreg:$0x0];
	s2 =	stileid.u32  }
0x245: {  	s1 =	rddreg [dreg:$0x1];
	p0 =	sne.s32 s2, $0x0  }
0x246: {  	s3 =	rddreg [dreg:$0x2];
	[bflag:$0x3] =	sbarrier.arrive $0xFFFF;
	s2 =	simm.s32 @!p0 $0x1C01  }
0x247: {  	[timem:s3], [sflag:s2] =	dma.local @!p0 [hbm:s0], s1  }
0x248: {  	s0 =	simm.s32 @!p0 $0x1  }
0x249: {  	_ =	swait.ge @!p0 [sflag:s0], s1  }
0x24a: {  	s1 =	ssub.s32 @!p0 $0x0, s1;
	[sflag:s0] =	ssyncset.done @!p0 $0x0  }
0x24b: {  	[sflag:s0] =	ssyncadd.s32 @!p0 s1  }
0x24c: {  	[bflag:$0x3] =	sbarrier.arrive $0xFFFF  }
0x24d: {  	_ =	shalt  }

</sc_bundles>
